<compile_context>
chip_gen: v7x
topology: tpu7x:2x2x1
jax: 0.10.2.dev20260603
libtpu: 0.0.44.dev20260713+nightly
codegen_flags: <defaults>
</compile_context>

<pallas_src>
import jax
import jax.numpy as jnp
from jax import lax
from jax.experimental import pallas as pl
from jax.experimental.pallas import tpu as pltpu
from jax.experimental.pallas import tpu_sc as plsc

NC = 2
NS = 16
NW = NC * NS
EC = 128
KB = 8
CPAD = 32
ATRASH = 128
CTRASH = 128


def _stage1_prelu_mask(x, mask_idx_2d, prelu_a_2d, blk):
    n, d = x.shape
    grid = n // blk

    def body(x_ref, m_ref, a_ref, o_ref):
        i = pl.program_id(0)
        xb = x_ref[...]
        a = a_ref[0, 0]
        pr = jnp.where(xb >= 0.0, xb, a * xb)
        ids = i * blk + lax.broadcasted_iota(jnp.int32, (blk, 1), 0)
        hit = jnp.any(ids == m_ref[...], axis=1, keepdims=True)
        o_ref[...] = jnp.where(hit, 0.0, pr)

    return pl.pallas_call(
        body,
        grid=(grid,),
        in_specs=[
            pl.BlockSpec((blk, d), lambda i: (i, 0)),
            pl.BlockSpec(mask_idx_2d.shape, lambda i: (0, 0)),
            pl.BlockSpec((1, 1), lambda i: (0, 0), memory_space=pltpu.SMEM),
        ],
        out_specs=pl.BlockSpec((blk, d), lambda i: (i, 0)),
        out_shape=jax.ShapeDtypeStruct((n, d), jnp.float32),
    )(x, mask_idx_2d, prelu_a_2d)


def _sc_plan(n, e):
    nchunks = e // EC
    per_w = -(--(-nchunks // NW) // KB) * KB
    npad = n + ATRASH
    cnt_w = CPAD * (n + CTRASH)
    cnt_t = (cnt_w // NS) // 1024 * 1024
    cnt_last = cnt_w - cnt_t * (NS - 1)
    rows_t = (n // NS) // 8 * 8
    tail = n - rows_t * NS
    nrows_pad = NW * per_w
    return dict(nchunks=nchunks, per_w=per_w, npad=npad, cnt_w=cnt_w,
                cnt_t=cnt_t, cnt_last=cnt_last, rows_t=rows_t, tail=tail,
                nrows_pad=nrows_pad)


def _make_sc_kernel(n, d, e):
    pp = _sc_plan(n, e)
    per_w, npad, cnt_w = pp["per_w"], pp["npad"], pp["cnt_w"]
    cnt_t, cnt_last = pp["cnt_t"], pp["cnt_last"]
    rows_t, tail = pp["rows_t"], pp["tail"]
    ZC = 512
    n_zfull = rows_t // EC
    zrem = rows_t - n_zfull * EC
    n_blk = per_w // KB

    mesh = plsc.VectorSubcoreMesh(core_axis_name="c", subcore_axis_name="s")

    def body(p_hbm, src_hbm, dst_hbm, a0_hbm, a1_hbm, aggr_out, cnt0_out,
             cnt1_out, src_v, dst_v, a0_v, a1_v, src_d, dst_d, fidx_d,
             rows_v, ones_v, zc_v, sem, aggr_sp, cnt_sp):
        cid = lax.axis_index("c")
        sid = lax.axis_index("s")
        wid = sid * NC + cid

        zero16 = jnp.zeros((16,), jnp.float32)
        one16 = jnp.ones((16,), jnp.float32)

        def zrow(r, _):
            for c in range(d // 16):
                rows_v[r, pl.ds(16 * c, 16)] = zero16
            return 0
        lax.fori_loop(0, EC, zrow, 0)

        for i in range(ZC // 16):
            zc_v[pl.ds(i * 16, 16)] = zero16

        for k in range(EC // 16):
            ones_v[pl.ds(16 * k, 16)] = one16

        row0 = sid * rows_t
        for k in range(n_zfull):
            pltpu.sync_copy(rows_v, aggr_sp.at[pl.ds(row0 + k * EC, EC)])
        if zrem:
            pltpu.sync_copy(rows_v.at[pl.ds(0, zrem)],
                            aggr_sp.at[pl.ds(row0 + n_zfull * EC, zrem)])
        if tail:
            @pl.when(sid == NS - 1)
            def _():
                pltpu.sync_copy(rows_v.at[pl.ds(0, tail)],
                                aggr_sp.at[pl.ds(NS * rows_t, tail)])
        off0 = sid * cnt_t
        for k in range(cnt_t // ZC):
            pltpu.sync_copy(zc_v, cnt_sp.at[pl.ds(off0 + k * ZC, ZC)])

        @pl.when(sid == NS - 1)
        def _():
            base = NS * cnt_t
            for k in range((cnt_last - cnt_t) // ZC):
                pltpu.sync_copy(zc_v, cnt_sp.at[pl.ds(base + k * ZC, ZC)])

        plsc.subcore_barrier()

        def chunk(q, _):
            for k in range(EC // 16):
                sl = pl.ds(16 * k, 16)
                dd = dst_v[q, sl]
                aa = jnp.minimum(jnp.maximum(a0_v[q, sl], 0), 5)
                bb = jnp.minimum(jnp.maximum(a1_v[q, sl], 0), 2)
                src_d[sl] = src_v[q, sl]
                dst_d[sl] = dd
                fidx_d[sl] = dd * CPAD + aa * 3 + bb
            pltpu.async_copy(p_hbm.at[src_d], rows_v, sem).wait()
            pltpu.sync_copy(rows_v, aggr_sp.at[dst_d], add=True)
            pltpu.sync_copy(ones_v, cnt_sp.at[fidx_d], add=True)
            return 0

        def blk(j, _):
            b0 = (wid + NW * j) * KB
            pltpu.sync_copy(src_hbm.at[pl.ds(b0, KB)], src_v)
            pltpu.sync_copy(dst_hbm.at[pl.ds(b0, KB)], dst_v)
            pltpu.sync_copy(a0_hbm.at[pl.ds(b0, KB)], a0_v)
            pltpu.sync_copy(a1_hbm.at[pl.ds(b0, KB)], a1_v)
            lax.fori_loop(0, KB, chunk, 0)
            return 0

        lax.fori_loop(0, n_blk, blk, 0)

        plsc.subcore_barrier()

        pltpu.sync_copy(aggr_sp.at[pl.ds(row0, rows_t)],
                        aggr_out.at[cid, pl.ds(row0, rows_t)])
        if tail:
            @pl.when(sid == NS - 1)
            def _():
                pltpu.sync_copy(aggr_sp.at[pl.ds(NS * rows_t, tail)],
                                aggr_out.at[cid, pl.ds(NS * rows_t, tail)])

        def wr_cnt(cnt_out):
            pltpu.sync_copy(cnt_sp.at[pl.ds(off0, cnt_t)],
                            cnt_out.at[pl.ds(off0, cnt_t)])

            @pl.when(sid == NS - 1)
            def _():
                base = NS * cnt_t
                pltpu.sync_copy(cnt_sp.at[pl.ds(base, cnt_last - cnt_t)],
                                cnt_out.at[pl.ds(base, cnt_last - cnt_t)])

        @pl.when(cid == 0)
        def _():
            wr_cnt(cnt0_out)

        @pl.when(cid == 1)
        def _():
            wr_cnt(cnt1_out)

    return pl.kernel(
        body,
        out_type=[
            jax.ShapeDtypeStruct((NC, n, d), jnp.float32),
            jax.ShapeDtypeStruct((cnt_w,), jnp.float32),
            jax.ShapeDtypeStruct((cnt_w,), jnp.float32),
        ],
        mesh=mesh,
        scratch_types=[
            pltpu.VMEM((KB, EC), jnp.int32),
            pltpu.VMEM((KB, EC), jnp.int32),
            pltpu.VMEM((KB, EC), jnp.int32),
            pltpu.VMEM((KB, EC), jnp.int32),
            pltpu.VMEM((EC,), jnp.int32),
            pltpu.VMEM((EC,), jnp.int32),
            pltpu.VMEM((EC,), jnp.int32),
            pltpu.VMEM((EC, d), jnp.float32),
            pltpu.VMEM((EC,), jnp.float32),
            pltpu.VMEM((ZC,), jnp.float32),
            pltpu.SemaphoreType.DMA,
            pltpu.VMEM_SHARED((npad, d), jnp.float32),
            pltpu.VMEM_SHARED((cnt_w,), jnp.float32),
        ],
    )


def _stage3_mlp(aggr, p, cA, cB, W_enc, Tpad, W1, b1_2d, W2, b2_2d, blk):
    n, d = p.shape
    dh = W1.shape[0]
    grid = n // blk
    f32 = jnp.float32

    def body(g_ref, p_ref, ca_ref, cb_ref, we_ref, t_ref, w1_ref, b1_ref,
             w2_ref, b2_ref, o_ref):
        g = g_ref[0] + g_ref[1] + p_ref[...]
        acc = lax.dot_general(g, we_ref[...], (((1,), (1,)), ((), ())),
                              preferred_element_type=f32)
        c = ca_ref[...] + cb_ref[...]
        acc = acc + jnp.dot(c, t_ref[...], preferred_element_type=f32)
        acc = acc + t_ref[12:13, :]
        h1 = lax.dot_general(acc, w1_ref[...], (((1,), (1,)), ((), ())),
                             preferred_element_type=f32) + b1_ref[...]
        h1 = jnp.maximum(h1, 0.0)
        o_ref[...] = lax.dot_general(h1, w2_ref[...], (((1,), (1,)), ((), ())),
                                     preferred_element_type=f32) + b2_ref[...]

    return pl.pallas_call(
        body,
        grid=(grid,),
        in_specs=[
            pl.BlockSpec((NC, blk, d), lambda i: (0, i, 0)),
            pl.BlockSpec((blk, d), lambda i: (i, 0)),
            pl.BlockSpec((blk, CPAD), lambda i: (i, 0)),
            pl.BlockSpec((blk, CPAD), lambda i: (i, 0)),
            pl.BlockSpec((d, d), lambda i: (0, 0)),
            pl.BlockSpec((CPAD, d), lambda i: (0, 0)),
            pl.BlockSpec((dh, d), lambda i: (0, 0)),
            pl.BlockSpec((1, dh), lambda i: (0, 0)),
            pl.BlockSpec((d, dh), lambda i: (0, 0)),
            pl.BlockSpec((1, d), lambda i: (0, 0)),
        ],
        out_specs=pl.BlockSpec((blk, d), lambda i: (i, 0)),
        out_shape=jax.ShapeDtypeStruct((n, d), jnp.float32),
    )(aggr, p, cA, cB, W_enc, Tpad, W1, b1_2d, W2, b2_2d)


def kernel(x, edge_index, edge_attr, mask_node_indices, prelu_a, W_enc,
           emb1, emb2, W1, b1, W2, b2):
    n, d = x.shape
    e = edge_index.shape[1]
    nm = mask_node_indices.shape[0]

    padw = -(-nm // 128) * 128
    m2d = jnp.concatenate(
        [mask_node_indices,
         jnp.full((padw - nm,), -1, mask_node_indices.dtype)]).reshape(1, padw)
    a2d = prelu_a.reshape(1, 1)
    pp = _sc_plan(n, e)
    nchunks = pp["nchunks"]
    padr = pp["nrows_pad"] - nchunks
    spread = jnp.arange(padr * EC, dtype=edge_index.dtype) % ATRASH
    src1 = jnp.concatenate([edge_index[0].reshape(nchunks, EC),
                            spread.reshape(padr, EC)])
    trash = (n + spread).reshape(padr, EC)
    dst1 = jnp.concatenate([edge_index[1].reshape(nchunks, EC), trash])
    a01 = jnp.pad(edge_attr[:, 0].reshape(nchunks, EC), ((0, padr), (0, 0)))
    a11 = jnp.pad(edge_attr[:, 1].reshape(nchunks, EC), ((0, padr), (0, 0)))
    T = (emb1[:, None, :] + emb2[None, :, :]).reshape(-1, d)
    Tpad = jnp.concatenate([T, jnp.zeros((CPAD - T.shape[0], d), T.dtype)])
    b1_2d = b1.reshape(1, -1)
    b2_2d = b2.reshape(1, -1)

    p = _stage1_prelu_mask(x, m2d, a2d, blk=1000)

    aggr, cnt0, cnt1 = _make_sc_kernel(n, d, e)(p, src1, dst1, a01, a11)
    cA = cnt0.reshape(n + CTRASH, CPAD)
    cB = cnt1.reshape(n + CTRASH, CPAD)

    return _stage3_mlp(aggr, p, cA, cB, W_enc, Tpad, W1, b1_2d, W2, b2_2d,
                       blk=1000)

# --- scband reference (transcript-rebuilt; emitter-appended) ---
"""Pipeline reference for scband-gnndecoder-59931973648900 (READ-ONLY COPY).

The authoritative reference and input builder live on the scoring server;
editing this copy changes nothing except your own understanding.
"""

import jax, jax.numpy as jnp
import numpy as np

N = 10000
E = 320000
D = 128
NUM_BOND_TYPE = 6
NUM_BOND_DIRECTION = 3
N_MASK = 1500


def setup_inputs(seed: int = 0) -> dict:
    key = jax.random.key(seed)
    ks = jax.random.split(key, 12)
    x = jax.random.normal(ks[0], (N, D), dtype=jnp.float32)
    edge_index = jax.random.randint(ks[1], (2, E), 0, N, dtype=jnp.int32)
    edge_attr = jax.random.randint(ks[2], (E, 2), 0, 3, dtype=jnp.int32)
    mask_node_indices = jax.random.randint(ks[3], (N_MASK,), 0, N, dtype=jnp.int32)
    # parameters
    prelu_a = jnp.asarray(0.25, dtype=jnp.float32)
    W_enc = jax.random.normal(ks[4], (D, D), dtype=jnp.float32) * (1.0 / np.sqrt(D))  # enc_to_dec, no bias
    # xavier-ish edge embeddings
    emb1 = jax.random.normal(ks[5], (NUM_BOND_TYPE, D), dtype=jnp.float32) * np.sqrt(2.0 / (NUM_BOND_TYPE + D))
    emb2 = jax.random.normal(ks[6], (NUM_BOND_DIRECTION, D), dtype=jnp.float32) * np.sqrt(2.0 / (NUM_BOND_DIRECTION + D))
    # GIN mlp: Linear(D, 2D) -> ReLU -> Linear(2D, D)
    W1 = jax.random.normal(ks[7], (2 * D, D), dtype=jnp.float32) * (1.0 / np.sqrt(D))
    b1 = jnp.zeros((2 * D,), dtype=jnp.float32)
    W2 = jax.random.normal(ks[8], (D, 2 * D), dtype=jnp.float32) * (1.0 / np.sqrt(2 * D))
    b2 = jnp.zeros((D,), dtype=jnp.float32)
    return {"x": x, "edge_index": edge_index, "edge_attr": edge_attr, "mask_node_indices": mask_node_indices,
            "prelu_a": prelu_a, "W_enc": W_enc, "emb1": emb1, "emb2": emb2,
            "W1": W1, "b1": b1, "W2": W2, "b2": b2}


def reference(x, edge_index, edge_attr, mask_node_indices, prelu_a, W_enc, emb1, emb2, W1, b1, W2, b2):
    n = x.shape[0]
    # decoder pre-processing
    h = jnp.where(x >= 0, x, prelu_a * x)          # PReLU
    h = h @ W_enc.T                                 # enc_to_dec (no bias)
    h = h.at[mask_node_indices].set(0.0)            # zero masked nodes
    # add self loops
    loops = jnp.arange(n, dtype=edge_index.dtype)
    ei = jnp.concatenate([edge_index, jnp.stack([loops, loops], axis=0)], axis=1)
    self_loop_attr = jnp.zeros((n, 2), dtype=edge_attr.dtype).at[:, 0].set(4)
    ea = jnp.concatenate([edge_attr, self_loop_attr], axis=0)
    # edge embeddings
    edge_emb = jnp.take(emb1, ea[:, 0], axis=0) + jnp.take(emb2, ea[:, 1], axis=0)
    # GIN message passing: message = x_j + edge_attr, aggr = add at dst
    msg = jnp.take(h, ei[0], axis=0) + edge_emb
    aggr = jax.ops.segment_sum(msg, ei[1], num_segments=n)
    # GIN update mlp
    out = jnp.maximum(aggr @ W1.T + b1, 0.0) @ W2.T + b2
    return out

if __name__ == "__main__":
    import jax
    _d = setup_inputs()
    print(jax.jit(kernel)(*tuple(_d.values())))

</pallas_src>

<mosaic_0001>
#map = affine_map<(d0, d1) -> (0, 0)>
#map1 = affine_map<(d0, d1) -> (0, 0, 0)>
#map2 = affine_map<(d0, d1) -> (0)>
module attributes {stable_mosaic.version = 14 : i64} {
  func.func @body(%arg0: i32, %arg1: i32, %arg2: memref<10000x128xf32, #tpu.memory_space<hbm>>, %arg3: memref<2560x128xi32, #tpu.memory_space<hbm>>, %arg4: memref<2560x128xi32, #tpu.memory_space<hbm>>, %arg5: memref<2560x128xi32, #tpu.memory_space<hbm>>, %arg6: memref<2560x128xi32, #tpu.memory_space<hbm>>, %arg7: memref<2x10000x128xf32, #tpu.memory_space<hbm>>, %arg8: memref<324096xf32, #tpu.memory_space<hbm>>, %arg9: memref<324096xf32, #tpu.memory_space<hbm>>, %arg10: memref<8x128xi32, #tpu.memory_space<vmem>>, %arg11: memref<8x128xi32, #tpu.memory_space<vmem>>, %arg12: memref<8x128xi32, #tpu.memory_space<vmem>>, %arg13: memref<8x128xi32, #tpu.memory_space<vmem>>, %arg14: memref<128xi32, #tpu.memory_space<vmem>>, %arg15: memref<128xi32, #tpu.memory_space<vmem>>, %arg16: memref<128xi32, #tpu.memory_space<vmem>>, %arg17: memref<128x128xf32, #tpu.memory_space<vmem>>, %arg18: memref<128xf32, #tpu.memory_space<vmem>>, %arg19: memref<512xf32, #tpu.memory_space<vmem>>, %arg20: memref<!tpu.dma_semaphore, #tpu.memory_space<semaphore_mem>>, %arg21: memref<10128x128xf32, #tpu.memory_space<vmem_shared>>, %arg22: memref<324096xf32, #tpu.memory_space<vmem_shared>>) attributes {dimension_semantics = [#tpu.dimension_semantics<core_parallel>, #tpu.dimension_semantics<subcore_parallel>], iteration_bounds = array<i64: 2, 16>, scalar_prefetch = 0 : i64, scratch_operands = 13 : i64, tpu.core_type = #tpu.core_type<sc_vector_subcore>, window_params = [{transform_indices = #map}, {transform_indices = #map}, {transform_indices = #map}, {transform_indices = #map}, {transform_indices = #map}, {transform_indices = #map1}, {transform_indices = #map2}, {transform_indices = #map2}]} {
    %mul3A = arith.constant 2 : i32
    %mul3A_0 = arith.muli %arg1, %mul3A : i32
    %add3A = arith.addi %mul3A_0, %arg0 : i32
    %broadcast_in_dim3A = arith.constant 0.000000e+00 : f32
    %broadcast_in_dim3A_1 = vector.broadcast %broadcast_in_dim3A : f32 to vector<16xf32>
    %broadcast_in_dim3A_2 = arith.constant 1.000000e+00 : f32
    %broadcast_in_dim3A_3 = vector.broadcast %broadcast_in_dim3A_2 : f32 to vector<16xf32>
    %scan3A = arith.constant 0 : i32
    %scan3A_4 = arith.constant 0 : i32
    %scan3A_5 = arith.constant 128 : i32
    %scan3A_6 = arith.addi %scan3A_4, %scan3A_5 : i32
    %scan3A_7 = arith.constant 1 : i32
    %scan3A_8 = scf.for %scan3A_289 = %scan3A_4 to %scan3A_6 step %scan3A_7 iter_args(%scan3A_290 = %scan3A) -> (i32)  : i32 {
      %swap3A_291 = arith.index_cast %scan3A_289 : i32 to index
      %swap3A_292 = arith.constant 0 : index
      %swap3A_293 = tpu.vector_load %arg17[%swap3A_291, %swap3A_292] {strides = array<i32>} : memref<128x128xf32, #tpu.memory_space<vmem>>, vector<1x16xf32>,
      %swap3A_294 = vector.shape_cast %swap3A_293 : vector<1x16xf32> to vector<16xf32>
      %swap3A_295 = vector.shape_cast %broadcast_in_dim3A_1 : vector<16xf32> to vector<1x16xf32>
      tpu.vector_store %arg17[%swap3A_291, %swap3A_292], %swap3A_295 {strides = array<i32>} : memref<128x128xf32, #tpu.memory_space<vmem>>, vector<1x16xf32>,
      %swap3A_296 = arith.index_cast %scan3A_289 : i32 to index
      %swap3A_297 = arith.constant 16 : index
      %swap3A_298 = tpu.vector_load %arg17[%swap3A_296, %swap3A_297] {strides = array<i32>} : memref<128x128xf32, #tpu.memory_space<vmem>>, vector<1x16xf32>,
      %swap3A_299 = vector.shape_cast %swap3A_298 : vector<1x16xf32> to vector<16xf32>
      %swap3A_300 = vector.shape_cast %broadcast_in_dim3A_1 : vector<16xf32> to vector<1x16xf32>
      tpu.vector_store %arg17[%swap3A_296, %swap3A_297], %swap3A_300 {strides = array<i32>} : memref<128x128xf32, #tpu.memory_space<vmem>>, vector<1x16xf32>,
      %swap3A_301 = arith.index_cast %scan3A_289 : i32 to index
      %swap3A_302 = arith.constant 32 : index
      %swap3A_303 = tpu.vector_load %arg17[%swap3A_301, %swap3A_302] {strides = array<i32>} : memref<128x128xf32, #tpu.memory_space<vmem>>, vector<1x16xf32>,
      %swap3A_304 = vector.shape_cast %swap3A_303 : vector<1x16xf32> to vector<16xf32>
      %swap3A_305 = vector.shape_cast %broadcast_in_dim3A_1 : vector<16xf32> to vector<1x16xf32>
      tpu.vector_store %arg17[%swap3A_301, %swap3A_302], %swap3A_305 {strides = array<i32>} : memref<128x128xf32, #tpu.memory_space<vmem>>, vector<1x16xf32>,
      %swap3A_306 = arith.index_cast %scan3A_289 : i32 to index
      %swap3A_307 = arith.constant 48 : index
      %swap3A_308 = tpu.vector_load %arg17[%swap3A_306, %swap3A_307] {strides = array<i32>} : memref<128x128xf32, #tpu.memory_space<vmem>>, vector<1x16xf32>,
      %swap3A_309 = vector.shape_cast %swap3A_308 : vector<1x16xf32> to vector<16xf32>
      %swap3A_310 = vector.shape_cast %broadcast_in_dim3A_1 : vector<16xf32> to vector<1x16xf32>
      tpu.vector_store %arg17[%swap3A_306, %swap3A_307], %swap3A_310 {strides = array<i32>} : memref<128x128xf32, #tpu.memory_space<vmem>>, vector<1x16xf32>,
      %swap3A_311 = arith.index_cast %scan3A_289 : i32 to index
      %swap3A_312 = arith.constant 64 : index
      %swap3A_313 = tpu.vector_load %arg17[%swap3A_311, %swap3A_312] {strides = array<i32>} : memref<128x128xf32, #tpu.memory_space<vmem>>, vector<1x16xf32>,
      %swap3A_314 = vector.shape_cast %swap3A_313 : vector<1x16xf32> to vector<16xf32>
      %swap3A_315 = vector.shape_cast %broadcast_in_dim3A_1 : vector<16xf32> to vector<1x16xf32>
      tpu.vector_store %arg17[%swap3A_311, %swap3A_312], %swap3A_315 {strides = array<i32>} : memref<128x128xf32, #tpu.memory_space<vmem>>, vector<1x16xf32>,
      %swap3A_316 = arith.index_cast %scan3A_289 : i32 to index
      %swap3A_317 = arith.constant 80 : index
      %swap3A_318 = tpu.vector_load %arg17[%swap3A_316, %swap3A_317] {strides = array<i32>} : memref<128x128xf32, #tpu.memory_space<vmem>>, vector<1x16xf32>,
      %swap3A_319 = vector.shape_cast %swap3A_318 : vector<1x16xf32> to vector<16xf32>
      %swap3A_320 = vector.shape_cast %broadcast_in_dim3A_1 : vector<16xf32> to vector<1x16xf32>
      tpu.vector_store %arg17[%swap3A_316, %swap3A_317], %swap3A_320 {strides = array<i32>} : memref<128x128xf32, #tpu.memory_space<vmem>>, vector<1x16xf32>,
      %swap3A_321 = arith.index_cast %scan3A_289 : i32 to index
      %swap3A_322 = arith.constant 96 : index
      %swap3A_323 = tpu.vector_load %arg17[%swap3A_321, %swap3A_322] {strides = array<i32>} : memref<128x128xf32, #tpu.memory_space<vmem>>, vector<1x16xf32>,
      %swap3A_324 = vector.shape_cast %swap3A_323 : vector<1x16xf32> to vector<16xf32>
      %swap3A_325 = vector.shape_cast %broadcast_in_dim3A_1 : vector<16xf32> to vector<1x16xf32>
      tpu.vector_store %arg17[%swap3A_321, %swap3A_322], %swap3A_325 {strides = array<i32>} : memref<128x128xf32, #tpu.memory_space<vmem>>, vector<1x16xf32>,
      %swap3A_326 = arith.index_cast %scan3A_289 : i32 to index
      %swap3A_327 = arith.constant 112 : index
      %swap3A_328 = tpu.vector_load %arg17[%swap3A_326, %swap3A_327] {strides = array<i32>} : memref<128x128xf32, #tpu.memory_space<vmem>>, vector<1x16xf32>,
      %swap3A_329 = vector.shape_cast %swap3A_328 : vector<1x16xf32> to vector<16xf32>
      %swap3A_330 = vector.shape_cast %broadcast_in_dim3A_1 : vector<16xf32> to vector<1x16xf32>
      tpu.vector_store %arg17[%swap3A_326, %swap3A_327], %swap3A_330 {strides = array<i32>} : memref<128x128xf32, #tpu.memory_space<vmem>>, vector<1x16xf32>,
      %scan3A_331 = arith.constant 0 : i32
      scf.yield %scan3A_331 : i32
    }
    %scan3A_9 = arith.constant 128 : i32
    %swap3A = arith.constant 0 : index
    %swap3A_10 = tpu.vector_load %arg19[%swap3A] {strides = array<i32>} : memref<512xf32, #tpu.memory_space<vmem>>, vector<16xf32>,
    %swap3A_11 = vector.shape_cast %swap3A_10 : vector<16xf32> to vector<16xf32>
    %swap3A_12 = vector.shape_cast %broadcast_in_dim3A_1 : vector<16xf32> to vector<16xf32>
    tpu.vector_store %arg19[%swap3A], %swap3A_12 {strides = array<i32>} : memref<512xf32, #tpu.memory_space<vmem>>, vector<16xf32>,
    %swap3A_13 = arith.constant 16 : index
    %swap3A_14 = tpu.vector_load %arg19[%swap3A_13] {strides = array<i32>} : memref<512xf32, #tpu.memory_space<vmem>>, vector<16xf32>,
    %swap3A_15 = vector.shape_cast %swap3A_14 : vector<16xf32> to vector<16xf32>
    %swap3A_16 = vector.shape_cast %broadcast_in_dim3A_1 : vector<16xf32> to vector<16xf32>
    tpu.vector_store %arg19[%swap3A_13], %swap3A_16 {strides = array<i32>} : memref<512xf32, #tpu.memory_space<vmem>>, vector<16xf32>,
    %swap3A_17 = arith.constant 32 : index
    %swap3A_18 = tpu.vector_load %arg19[%swap3A_17] {strides = array<i32>} : memref<512xf32, #tpu.memory_space<vmem>>, vector<16xf32>,
    %swap3A_19 = vector.shape_cast %swap3A_18 : vector<16xf32> to vector<16xf32>
    %swap3A_20 = vector.shape_cast %broadcast_in_dim3A_1 : vector<16xf32> to vector<16xf32>
    tpu.vector_store %arg19[%swap3A_17], %swap3A_20 {strides = array<i32>} : memref<512xf32, #tpu.memory_space<vmem>>, vector<16xf32>,
    %swap3A_21 = arith.constant 48 : index
    %swap3A_22 = tpu.vector_load %arg19[%swap3A_21] {strides = array<i32>} : memref<512xf32, #tpu.memory_space<vmem>>, vector<16xf32>,
    %swap3A_23 = vector.shape_cast %swap3A_22 : vector<16xf32> to vector<16xf32>
    %swap3A_24 = vector.shape_cast %broadcast_in_dim3A_1 : vector<16xf32> to vector<16xf32>
    tpu.vector_store %arg19[%swap3A_21], %swap3A_24 {strides = array<i32>} : memref<512xf32, #tpu.memory_space<vmem>>, vector<16xf32>,
    %swap3A_25 = arith.constant 64 : index
    %swap3A_26 = tpu.vector_load %arg19[%swap3A_25] {strides = array<i32>} : memref<512xf32, #tpu.memory_space<vmem>>, vector<16xf32>,
    %swap3A_27 = vector.shape_cast %swap3A_26 : vector<16xf32> to vector<16xf32>
    %swap3A_28 = vector.shape_cast %broadcast_in_dim3A_1 : vector<16xf32> to vector<16xf32>
    tpu.vector_store %arg19[%swap3A_25], %swap3A_28 {strides = array<i32>} : memref<512xf32, #tpu.memory_space<vmem>>, vector<16xf32>,
    %swap3A_29 = arith.constant 80 : index
    %swap3A_30 = tpu.vector_load %arg19[%swap3A_29] {strides = array<i32>} : memref<512xf32, #tpu.memory_space<vmem>>, vector<16xf32>,
    %swap3A_31 = vector.shape_cast %swap3A_30 : vector<16xf32> to vector<16xf32>
    %swap3A_32 = vector.shape_cast %broadcast_in_dim3A_1 : vector<16xf32> to vector<16xf32>
    tpu.vector_store %arg19[%swap3A_29], %swap3A_32 {strides = array<i32>} : memref<512xf32, #tpu.memory_space<vmem>>, vector<16xf32>,
    %swap3A_33 = arith.constant 96 : index
    %swap3A_34 = tpu.vector_load %arg19[%swap3A_33] {strides = array<i32>} : memref<512xf32, #tpu.memory_space<vmem>>, vector<16xf32>,
    %swap3A_35 = vector.shape_cast %swap3A_34 : vector<16xf32> to vector<16xf32>
    %swap3A_36 = vector.shape_cast %broadcast_in_dim3A_1 : vector<16xf32> to vector<16xf32>
    tpu.vector_store %arg19[%swap3A_33], %swap3A_36 {strides = array<i32>} : memref<512xf32, #tpu.memory_space<vmem>>, vector<16xf32>,
    %swap3A_37 = arith.constant 112 : index
    %swap3A_38 = tpu.vector_load %arg19[%swap3A_37] {strides = array<i32>} : memref<512xf32, #tpu.memory_space<vmem>>, vector<16xf32>,
    %swap3A_39 = vector.shape_cast %swap3A_38 : vector<16xf32> to vector<16xf32>
    %swap3A_40 = vector.shape_cast %broadcast_in_dim3A_1 : vector<16xf32> to vector<16xf32>
    tpu.vector_store %arg19[%swap3A_37], %swap3A_40 {strides = array<i32>} : memref<512xf32, #tpu.memory_space<vmem>>, vector<16xf32>,
    %swap3A_41 = arith.constant 128 : index
    %swap3A_42 = tpu.vector_load %arg19[%swap3A_41] {strides = array<i32>} : memref<512xf32, #tpu.memory_space<vmem>>, vector<16xf32>,
    %swap3A_43 = vector.shape_cast %swap3A_42 : vector<16xf32> to vector<16xf32>
    %swap3A_44 = vector.shape_cast %broadcast_in_dim3A_1 : vector<16xf32> to vector<16xf32>
    tpu.vector_store %arg19[%swap3A_41], %swap3A_44 {strides = array<i32>} : memref<512xf32, #tpu.memory_space<vmem>>, vector<16xf32>,
    %swap3A_45 = arith.constant 144 : index
    %swap3A_46 = tpu.vector_load %arg19[%swap3A_45] {strides = array<i32>} : memref<512xf32, #tpu.memory_space<vmem>>, vector<16xf32>,
    %swap3A_47 = vector.shape_cast %swap3A_46 : vector<16xf32> to vector<16xf32>
    %swap3A_48 = vector.shape_cast %broadcast_in_dim3A_1 : vector<16xf32> to vector<16xf32>
    tpu.vector_store %arg19[%swap3A_45], %swap3A_48 {strides = array<i32>} : memref<512xf32, #tpu.memory_space<vmem>>, vector<16xf32>,
    %swap3A_49 = arith.constant 160 : index
    %swap3A_50 = tpu.vector_load %arg19[%swap3A_49] {strides = array<i32>} : memref<512xf32, #tpu.memory_space<vmem>>, vector<16xf32>,
    %swap3A_51 = vector.shape_cast %swap3A_50 : vector<16xf32> to vector<16xf32>
    %swap3A_52 = vector.shape_cast %broadcast_in_dim3A_1 : vector<16xf32> to vector<16xf32>
    tpu.vector_store %arg19[%swap3A_49], %swap3A_52 {strides = array<i32>} : memref<512xf32, #tpu.memory_space<vmem>>, vector<16xf32>,
    %swap3A_53 = arith.constant 176 : index
    %swap3A_54 = tpu.vector_load %arg19[%swap3A_53] {strides = array<i32>} : memref<512xf32, #tpu.memory_space<vmem>>, vector<16xf32>,
    %swap3A_55 = vector.shape_cast %swap3A_54 : vector<16xf32> to vector<16xf32>
    %swap3A_56 = vector.shape_cast %broadcast_in_dim3A_1 : vector<16xf32> to vector<16xf32>
    tpu.vector_store %arg19[%swap3A_53], %swap3A_56 {strides = array<i32>} : memref<512xf32, #tpu.memory_space<vmem>>, vector<16xf32>,
    %swap3A_57 = arith.constant 192 : index
    %swap3A_58 = tpu.vector_load %arg19[%swap3A_57] {strides = array<i32>} : memref<512xf32, #tpu.memory_space<vmem>>, vector<16xf32>,
    %swap3A_59 = vector.shape_cast %swap3A_58 : vector<16xf32> to vector<16xf32>
    %swap3A_60 = vector.shape_cast %broadcast_in_dim3A_1 : vector<16xf32> to vector<16xf32>
    tpu.vector_store %arg19[%swap3A_57], %swap3A_60 {strides = array<i32>} : memref<512xf32, #tpu.memory_space<vmem>>, vector<16xf32>,
    %swap3A_61 = arith.constant 208 : index
    %swap3A_62 = tpu.vector_load %arg19[%swap3A_61] {strides = array<i32>} : memref<512xf32, #tpu.memory_space<vmem>>, vector<16xf32>,
    %swap3A_63 = vector.shape_cast %swap3A_62 : vector<16xf32> to vector<16xf32>
    %swap3A_64 = vector.shape_cast %broadcast_in_dim3A_1 : vector<16xf32> to vector<16xf32>
    tpu.vector_store %arg19[%swap3A_61], %swap3A_64 {strides = array<i32>} : memref<512xf32, #tpu.memory_space<vmem>>, vector<16xf32>,
    %swap3A_65 = arith.constant 224 : index
    %swap3A_66 = tpu.vector_load %arg19[%swap3A_65] {strides = array<i32>} : memref<512xf32, #tpu.memory_space<vmem>>, vector<16xf32>,
    %swap3A_67 = vector.shape_cast %swap3A_66 : vector<16xf32> to vector<16xf32>
    %swap3A_68 = vector.shape_cast %broadcast_in_dim3A_1 : vector<16xf32> to vector<16xf32>
    tpu.vector_store %arg19[%swap3A_65], %swap3A_68 {strides = array<i32>} : memref<512xf32, #tpu.memory_space<vmem>>, vector<16xf32>,
    %swap3A_69 = arith.constant 240 : index
    %swap3A_70 = tpu.vector_load %arg19[%swap3A_69] {strides = array<i32>} : memref<512xf32, #tpu.memory_space<vmem>>, vector<16xf32>,
    %swap3A_71 = vector.shape_cast %swap3A_70 : vector<16xf32> to vector<16xf32>
    %swap3A_72 = vector.shape_cast %broadcast_in_dim3A_1 : vector<16xf32> to vector<16xf32>
    tpu.vector_store %arg19[%swap3A_69], %swap3A_72 {strides = array<i32>} : memref<512xf32, #tpu.memory_space<vmem>>, vector<16xf32>,
    %swap3A_73 = arith.constant 256 : index
    %swap3A_74 = tpu.vector_load %arg19[%swap3A_73] {strides = array<i32>} : memref<512xf32, #tpu.memory_space<vmem>>, vector<16xf32>,
    %swap3A_75 = vector.shape_cast %swap3A_74 : vector<16xf32> to vector<16xf32>
    %swap3A_76 = vector.shape_cast %broadcast_in_dim3A_1 : vector<16xf32> to vector<16xf32>
    tpu.vector_store %arg19[%swap3A_73], %swap3A_76 {strides = array<i32>} : memref<512xf32, #tpu.memory_space<vmem>>, vector<16xf32>,
    %swap3A_77 = arith.constant 272 : index
    %swap3A_78 = tpu.vector_load %arg19[%swap3A_77] {strides = array<i32>} : memref<512xf32, #tpu.memory_space<vmem>>, vector<16xf32>,
    %swap3A_79 = vector.shape_cast %swap3A_78 : vector<16xf32> to vector<16xf32>
    %swap3A_80 = vector.shape_cast %broadcast_in_dim3A_1 : vector<16xf32> to vector<16xf32>
    tpu.vector_store %arg19[%swap3A_77], %swap3A_80 {strides = array<i32>} : memref<512xf32, #tpu.memory_space<vmem>>, vector<16xf32>,
    %swap3A_81 = arith.constant 288 : index
    %swap3A_82 = tpu.vector_load %arg19[%swap3A_81] {strides = array<i32>} : memref<512xf32, #tpu.memory_space<vmem>>, vector<16xf32>,
    %swap3A_83 = vector.shape_cast %swap3A_82 : vector<16xf32> to vector<16xf32>
    %swap3A_84 = vector.shape_cast %broadcast_in_dim3A_1 : vector<16xf32> to vector<16xf32>
    tpu.vector_store %arg19[%swap3A_81], %swap3A_84 {strides = array<i32>} : memref<512xf32, #tpu.memory_space<vmem>>, vector<16xf32>,
    %swap3A_85 = arith.constant 304 : index
    %swap3A_86 = tpu.vector_load %arg19[%swap3A_85] {strides = array<i32>} : memref<512xf32, #tpu.memory_space<vmem>>, vector<16xf32>,
    %swap3A_87 = vector.shape_cast %swap3A_86 : vector<16xf32> to vector<16xf32>
    %swap3A_88 = vector.shape_cast %broadcast_in_dim3A_1 : vector<16xf32> to vector<16xf32>
    tpu.vector_store %arg19[%swap3A_85], %swap3A_88 {strides = array<i32>} : memref<512xf32, #tpu.memory_space<vmem>>, vector<16xf32>,
    %swap3A_89 = arith.constant 320 : index
    %swap3A_90 = tpu.vector_load %arg19[%swap3A_89] {strides = array<i32>} : memref<512xf32, #tpu.memory_space<vmem>>, vector<16xf32>,
    %swap3A_91 = vector.shape_cast %swap3A_90 : vector<16xf32> to vector<16xf32>
    %swap3A_92 = vector.shape_cast %broadcast_in_dim3A_1 : vector<16xf32> to vector<16xf32>
    tpu.vector_store %arg19[%swap3A_89], %swap3A_92 {strides = array<i32>} : memref<512xf32, #tpu.memory_space<vmem>>, vector<16xf32>,
    %swap3A_93 = arith.constant 336 : index
    %swap3A_94 = tpu.vector_load %arg19[%swap3A_93] {strides = array<i32>} : memref<512xf32, #tpu.memory_space<vmem>>, vector<16xf32>,
    %swap3A_95 = vector.shape_cast %swap3A_94 : vector<16xf32> to vector<16xf32>
    %swap3A_96 = vector.shape_cast %broadcast_in_dim3A_1 : vector<16xf32> to vector<16xf32>
    tpu.vector_store %arg19[%swap3A_93], %swap3A_96 {strides = array<i32>} : memref<512xf32, #tpu.memory_space<vmem>>, vector<16xf32>,
    %swap3A_97 = arith.constant 352 : index
    %swap3A_98 = tpu.vector_load %arg19[%swap3A_97] {strides = array<i32>} : memref<512xf32, #tpu.memory_space<vmem>>, vector<16xf32>,
    %swap3A_99 = vector.shape_cast %swap3A_98 : vector<16xf32> to vector<16xf32>
    %swap3A_100 = vector.shape_cast %broadcast_in_dim3A_1 : vector<16xf32> to vector<16xf32>
    tpu.vector_store %arg19[%swap3A_97], %swap3A_100 {strides = array<i32>} : memref<512xf32, #tpu.memory_space<vmem>>, vector<16xf32>,
    %swap3A_101 = arith.constant 368 : index
    %swap3A_102 = tpu.vector_load %arg19[%swap3A_101] {strides = array<i32>} : memref<512xf32, #tpu.memory_space<vmem>>, vector<16xf32>,
    %swap3A_103 = vector.shape_cast %swap3A_102 : vector<16xf32> to vector<16xf32>
    %swap3A_104 = vector.shape_cast %broadcast_in_dim3A_1 : vector<16xf32> to vector<16xf32>
    tpu.vector_store %arg19[%swap3A_101], %swap3A_104 {strides = array<i32>} : memref<512xf32, #tpu.memory_space<vmem>>, vector<16xf32>,
    %swap3A_105 = arith.constant 384 : index
    %swap3A_106 = tpu.vector_load %arg19[%swap3A_105] {strides = array<i32>} : memref<512xf32, #tpu.memory_space<vmem>>, vector<16xf32>,
    %swap3A_107 = vector.shape_cast %swap3A_106 : vector<16xf32> to vector<16xf32>
    %swap3A_108 = vector.shape_cast %broadcast_in_dim3A_1 : vector<16xf32> to vector<16xf32>
    tpu.vector_store %arg19[%swap3A_105], %swap3A_108 {strides = array<i32>} : memref<512xf32, #tpu.memory_space<vmem>>, vector<16xf32>,
    %swap3A_109 = arith.constant 400 : index
    %swap3A_110 = tpu.vector_load %arg19[%swap3A_109] {strides = array<i32>} : memref<512xf32, #tpu.memory_space<vmem>>, vector<16xf32>,
    %swap3A_111 = vector.shape_cast %swap3A_110 : vector<16xf32> to vector<16xf32>
    %swap3A_112 = vector.shape_cast %broadcast_in_dim3A_1 : vector<16xf32> to vector<16xf32>
    tpu.vector_store %arg19[%swap3A_109], %swap3A_112 {strides = array<i32>} : memref<512xf32, #tpu.memory_space<vmem>>, vector<16xf32>,
    %swap3A_113 = arith.constant 416 : index
    %swap3A_114 = tpu.vector_load %arg19[%swap3A_113] {strides = array<i32>} : memref<512xf32, #tpu.memory_space<vmem>>, vector<16xf32>,
    %swap3A_115 = vector.shape_cast %swap3A_114 : vector<16xf32> to vector<16xf32>
    %swap3A_116 = vector.shape_cast %broadcast_in_dim3A_1 : vector<16xf32> to vector<16xf32>
    tpu.vector_store %arg19[%swap3A_113], %swap3A_116 {strides = array<i32>} : memref<512xf32, #tpu.memory_space<vmem>>, vector<16xf32>,
    %swap3A_117 = arith.constant 432 : index
    %swap3A_118 = tpu.vector_load %arg19[%swap3A_117] {strides = array<i32>} : memref<512xf32, #tpu.memory_space<vmem>>, vector<16xf32>,
    %swap3A_119 = vector.shape_cast %swap3A_118 : vector<16xf32> to vector<16xf32>
    %swap3A_120 = vector.shape_cast %broadcast_in_dim3A_1 : vector<16xf32> to vector<16xf32>
    tpu.vector_store %arg19[%swap3A_117], %swap3A_120 {strides = array<i32>} : memref<512xf32, #tpu.memory_space<vmem>>, vector<16xf32>,
    %swap3A_121 = arith.constant 448 : index
    %swap3A_122 = tpu.vector_load %arg19[%swap3A_121] {strides = array<i32>} : memref<512xf32, #tpu.memory_space<vmem>>, vector<16xf32>,
    %swap3A_123 = vector.shape_cast %swap3A_122 : vector<16xf32> to vector<16xf32>
    %swap3A_124 = vector.shape_cast %broadcast_in_dim3A_1 : vector<16xf32> to vector<16xf32>
    tpu.vector_store %arg19[%swap3A_121], %swap3A_124 {strides = array<i32>} : memref<512xf32, #tpu.memory_space<vmem>>, vector<16xf32>,
    %swap3A_125 = arith.constant 464 : index
    %swap3A_126 = tpu.vector_load %arg19[%swap3A_125] {strides = array<i32>} : memref<512xf32, #tpu.memory_space<vmem>>, vector<16xf32>,
    %swap3A_127 = vector.shape_cast %swap3A_126 : vector<16xf32> to vector<16xf32>
    %swap3A_128 = vector.shape_cast %broadcast_in_dim3A_1 : vector<16xf32> to vector<16xf32>
    tpu.vector_store %arg19[%swap3A_125], %swap3A_128 {strides = array<i32>} : memref<512xf32, #tpu.memory_space<vmem>>, vector<16xf32>,
    %swap3A_129 = arith.constant 480 : index
    %swap3A_130 = tpu.vector_load %arg19[%swap3A_129] {strides = array<i32>} : memref<512xf32, #tpu.memory_space<vmem>>, vector<16xf32>,
    %swap3A_131 = vector.shape_cast %swap3A_130 : vector<16xf32> to vector<16xf32>
    %swap3A_132 = vector.shape_cast %broadcast_in_dim3A_1 : vector<16xf32> to vector<16xf32>
    tpu.vector_store %arg19[%swap3A_129], %swap3A_132 {strides = array<i32>} : memref<512xf32, #tpu.memory_space<vmem>>, vector<16xf32>,
    %swap3A_133 = arith.constant 496 : index
    %swap3A_134 = tpu.vector_load %arg19[%swap3A_133] {strides = array<i32>} : memref<512xf32, #tpu.memory_space<vmem>>, vector<16xf32>,
    %swap3A_135 = vector.shape_cast %swap3A_134 : vector<16xf32> to vector<16xf32>
    %swap3A_136 = vector.shape_cast %broadcast_in_dim3A_1 : vector<16xf32> to vector<16xf32>
    tpu.vector_store %arg19[%swap3A_133], %swap3A_136 {strides = array<i32>} : memref<512xf32, #tpu.memory_space<vmem>>, vector<16xf32>,
    %swap3A_137 = arith.constant 0 : index
    %swap3A_138 = tpu.vector_load %arg18[%swap3A_137] {strides = array<i32>} : memref<128xf32, #tpu.memory_space<vmem>>, vector<16xf32>,
    %swap3A_139 = vector.shape_cast %swap3A_138 : vector<16xf32> to vector<16xf32>
    %swap3A_140 = vector.shape_cast %broadcast_in_dim3A_3 : vector<16xf32> to vector<16xf32>
    tpu.vector_store %arg18[%swap3A_137], %swap3A_140 {strides = array<i32>} : memref<128xf32, #tpu.memory_space<vmem>>, vector<16xf32>,
    %swap3A_141 = arith.constant 16 : index
    %swap3A_142 = tpu.vector_load %arg18[%swap3A_141] {strides = array<i32>} : memref<128xf32, #tpu.memory_space<vmem>>, vector<16xf32>,
    %swap3A_143 = vector.shape_cast %swap3A_142 : vector<16xf32> to vector<16xf32>
    %swap3A_144 = vector.shape_cast %broadcast_in_dim3A_3 : vector<16xf32> to vector<16xf32>
    tpu.vector_store %arg18[%swap3A_141], %swap3A_144 {strides = array<i32>} : memref<128xf32, #tpu.memory_space<vmem>>, vector<16xf32>,
    %swap3A_145 = arith.constant 32 : index
    %swap3A_146 = tpu.vector_load %arg18[%swap3A_145] {strides = array<i32>} : memref<128xf32, #tpu.memory_space<vmem>>, vector<16xf32>,
    %swap3A_147 = vector.shape_cast %swap3A_146 : vector<16xf32> to vector<16xf32>
    %swap3A_148 = vector.shape_cast %broadcast_in_dim3A_3 : vector<16xf32> to vector<16xf32>
    tpu.vector_store %arg18[%swap3A_145], %swap3A_148 {strides = array<i32>} : memref<128xf32, #tpu.memory_space<vmem>>, vector<16xf32>,
    %swap3A_149 = arith.constant 48 : index
    %swap3A_150 = tpu.vector_load %arg18[%swap3A_149] {strides = array<i32>} : memref<128xf32, #tpu.memory_space<vmem>>, vector<16xf32>,
    %swap3A_151 = vector.shape_cast %swap3A_150 : vector<16xf32> to vector<16xf32>
    %swap3A_152 = vector.shape_cast %broadcast_in_dim3A_3 : vector<16xf32> to vector<16xf32>
    tpu.vector_store %arg18[%swap3A_149], %swap3A_152 {strides = array<i32>} : memref<128xf32, #tpu.memory_space<vmem>>, vector<16xf32>,
    %swap3A_153 = arith.constant 64 : index
    %swap3A_154 = tpu.vector_load %arg18[%swap3A_153] {strides = array<i32>} : memref<128xf32, #tpu.memory_space<vmem>>, vector<16xf32>,
    %swap3A_155 = vector.shape_cast %swap3A_154 : vector<16xf32> to vector<16xf32>
    %swap3A_156 = vector.shape_cast %broadcast_in_dim3A_3 : vector<16xf32> to vector<16xf32>
    tpu.vector_store %arg18[%swap3A_153], %swap3A_156 {strides = array<i32>} : memref<128xf32, #tpu.memory_space<vmem>>, vector<16xf32>,
    %swap3A_157 = arith.constant 80 : index
    %swap3A_158 = tpu.vector_load %arg18[%swap3A_157] {strides = array<i32>} : memref<128xf32, #tpu.memory_space<vmem>>, vector<16xf32>,
    %swap3A_159 = vector.shape_cast %swap3A_158 : vector<16xf32> to vector<16xf32>
    %swap3A_160 = vector.shape_cast %broadcast_in_dim3A_3 : vector<16xf32> to vector<16xf32>
    tpu.vector_store %arg18[%swap3A_157], %swap3A_160 {strides = array<i32>} : memref<128xf32, #tpu.memory_space<vmem>>, vector<16xf32>,
    %swap3A_161 = arith.constant 96 : index
    %swap3A_162 = tpu.vector_load %arg18[%swap3A_161] {strides = array<i32>} : memref<128xf32, #tpu.memory_space<vmem>>, vector<16xf32>,
    %swap3A_163 = vector.shape_cast %swap3A_162 : vector<16xf32> to vector<16xf32>
    %swap3A_164 = vector.shape_cast %broadcast_in_dim3A_3 : vector<16xf32> to vector<16xf32>
    tpu.vector_store %arg18[%swap3A_161], %swap3A_164 {strides = array<i32>} : memref<128xf32, #tpu.memory_space<vmem>>, vector<16xf32>,
    %swap3A_165 = arith.constant 112 : index
    %swap3A_166 = tpu.vector_load %arg18[%swap3A_165] {strides = array<i32>} : memref<128xf32, #tpu.memory_space<vmem>>, vector<16xf32>,
    %swap3A_167 = vector.shape_cast %swap3A_166 : vector<16xf32> to vector<16xf32>
    %swap3A_168 = vector.shape_cast %broadcast_in_dim3A_3 : vector<16xf32> to vector<16xf32>
    tpu.vector_store %arg18[%swap3A_165], %swap3A_168 {strides = array<i32>} : memref<128xf32, #tpu.memory_space<vmem>>, vector<16xf32>,
    %mul3A_169 = arith.constant 624 : i32
    %mul3A_170 = arith.muli %arg1, %mul3A_169 : i32
    %add3A_171 = arith.constant 0 : i32
    %add3A_172 = arith.addi %mul3A_170, %add3A_171 : i32
    "tpu.region"() ({
      %run_scoped3A = tpu.sem_alloc : memref<!tpu.dma_semaphore, #tpu.memory_space<semaphore_mem>>
      %dma_start3A = arith.constant 0 : i32
      %dma_start3A_289 = tpu.memref_slice %arg21[%add3A_172, %dma_start3A] : memref<10128x128xf32, #tpu.memory_space<vmem_shared>> -> memref<128x128xf32, #tpu.memory_space<vmem_shared>>
      %dma_start3A_290 = arith.constant 0 : i32
      %dma_start3A_291 = tpu.memref_slice %arg21[%add3A_172, %dma_start3A_290] : memref<10128x128xf32, #tpu.memory_space<vmem_shared>> -> memref<128x128xf32, #tpu.memory_space<vmem_shared>>
      tpu.enqueue_dma source(%arg17 : memref<128x128xf32, #tpu.memory_space<vmem>>) target(%dma_start3A_291 : memref<128x128xf32, #tpu.memory_space<vmem_shared>>) target_semaphore(%run_scoped3A : memref<!tpu.dma_semaphore, #tpu.memory_space<semaphore_mem>>)
      %dma_wait3A = arith.constant 0 : i32
      %dma_wait3A_292 = tpu.memref_slice %arg21[%add3A_172, %dma_wait3A] : memref<10128x128xf32, #tpu.memory_space<vmem_shared>> -> memref<128x128xf32, #tpu.memory_space<vmem_shared>>
      %dma_wait3A_293 = arith.constant 0 : i32
      %dma_wait3A_294 = tpu.memref_slice %arg21[%add3A_172, %dma_wait3A_293] : memref<10128x128xf32, #tpu.memory_space<vmem_shared>> -> memref<128x128xf32, #tpu.memory_space<vmem_shared>>
      tpu.wait_dma2 semaphore(%run_scoped3A : memref<!tpu.dma_semaphore, #tpu.memory_space<semaphore_mem>>) src(%arg17 : memref<128x128xf32, #tpu.memory_space<vmem>>) dst(%dma_wait3A_294 : memref<128x128xf32, #tpu.memory_space<vmem_shared>>)
      tpu.yield
    }) : () -> ()
    %add3A_173 = arith.constant 128 : i32
    %add3A_174 = arith.addi %mul3A_170, %add3A_173 : i32
    "tpu.region"() ({
      %run_scoped3A = tpu.sem_alloc : memref<!tpu.dma_semaphore, #tpu.memory_space<semaphore_mem>>
      %dma_start3A = arith.constant 0 : i32
      %dma_start3A_289 = tpu.memref_slice %arg21[%add3A_174, %dma_start3A] : memref<10128x128xf32, #tpu.memory_space<vmem_shared>> -> memref<128x128xf32, #tpu.memory_space<vmem_shared>>
      %dma_start3A_290 = arith.constant 0 : i32
      %dma_start3A_291 = tpu.memref_slice %arg21[%add3A_174, %dma_start3A_290] : memref<10128x128xf32, #tpu.memory_space<vmem_shared>> -> memref<128x128xf32, #tpu.memory_space<vmem_shared>>
      tpu.enqueue_dma source(%arg17 : memref<128x128xf32, #tpu.memory_space<vmem>>) target(%dma_start3A_291 : memref<128x128xf32, #tpu.memory_space<vmem_shared>>) target_semaphore(%run_scoped3A : memref<!tpu.dma_semaphore, #tpu.memory_space<semaphore_mem>>)
      %dma_wait3A = arith.constant 0 : i32
      %dma_wait3A_292 = tpu.memref_slice %arg21[%add3A_174, %dma_wait3A] : memref<10128x128xf32, #tpu.memory_space<vmem_shared>> -> memref<128x128xf32, #tpu.memory_space<vmem_shared>>
      %dma_wait3A_293 = arith.constant 0 : i32
      %dma_wait3A_294 = tpu.memref_slice %arg21[%add3A_174, %dma_wait3A_293] : memref<10128x128xf32, #tpu.memory_space<vmem_shared>> -> memref<128x128xf32, #tpu.memory_space<vmem_shared>>
      tpu.wait_dma2 semaphore(%run_scoped3A : memref<!tpu.dma_semaphore, #tpu.memory_space<semaphore_mem>>) src(%arg17 : memref<128x128xf32, #tpu.memory_space<vmem>>) dst(%dma_wait3A_294 : memref<128x128xf32, #tpu.memory_space<vmem_shared>>)
      tpu.yield
    }) : () -> ()
    %add3A_175 = arith.constant 256 : i32
    %add3A_176 = arith.addi %mul3A_170, %add3A_175 : i32
    "tpu.region"() ({
      %run_scoped3A = tpu.sem_alloc : memref<!tpu.dma_semaphore, #tpu.memory_space<semaphore_mem>>
      %dma_start3A = arith.constant 0 : i32
      %dma_start3A_289 = tpu.memref_slice %arg21[%add3A_176, %dma_start3A] : memref<10128x128xf32, #tpu.memory_space<vmem_shared>> -> memref<128x128xf32, #tpu.memory_space<vmem_shared>>
      %dma_start3A_290 = arith.constant 0 : i32
      %dma_start3A_291 = tpu.memref_slice %arg21[%add3A_176, %dma_start3A_290] : memref<10128x128xf32, #tpu.memory_space<vmem_shared>> -> memref<128x128xf32, #tpu.memory_space<vmem_shared>>
      tpu.enqueue_dma source(%arg17 : memref<128x128xf32, #tpu.memory_space<vmem>>) target(%dma_start3A_291 : memref<128x128xf32, #tpu.memory_space<vmem_shared>>) target_semaphore(%run_scoped3A : memref<!tpu.dma_semaphore, #tpu.memory_space<semaphore_mem>>)
      %dma_wait3A = arith.constant 0 : i32
      %dma_wait3A_292 = tpu.memref_slice %arg21[%add3A_176, %dma_wait3A] : memref<10128x128xf32, #tpu.memory_space<vmem_shared>> -> memref<128x128xf32, #tpu.memory_space<vmem_shared>>
      %dma_wait3A_293 = arith.constant 0 : i32
      %dma_wait3A_294 = tpu.memref_slice %arg21[%add3A_176, %dma_wait3A_293] : memref<10128x128xf32, #tpu.memory_space<vmem_shared>> -> memref<128x128xf32, #tpu.memory_space<vmem_shared>>
      tpu.wait_dma2 semaphore(%run_scoped3A : memref<!tpu.dma_semaphore, #tpu.memory_space<semaphore_mem>>) src(%arg17 : memref<128x128xf32, #tpu.memory_space<vmem>>) dst(%dma_wait3A_294 : memref<128x128xf32, #tpu.memory_space<vmem_shared>>)
      tpu.yield
    }) : () -> ()
    %add3A_177 = arith.constant 384 : i32
    %add3A_178 = arith.addi %mul3A_170, %add3A_177 : i32
    "tpu.region"() ({
      %run_scoped3A = tpu.sem_alloc : memref<!tpu.dma_semaphore, #tpu.memory_space<semaphore_mem>>
      %dma_start3A = arith.constant 0 : i32
      %dma_start3A_289 = tpu.memref_slice %arg21[%add3A_178, %dma_start3A] : memref<10128x128xf32, #tpu.memory_space<vmem_shared>> -> memref<128x128xf32, #tpu.memory_space<vmem_shared>>
      %dma_start3A_290 = arith.constant 0 : i32
      %dma_start3A_291 = tpu.memref_slice %arg21[%add3A_178, %dma_start3A_290] : memref<10128x128xf32, #tpu.memory_space<vmem_shared>> -> memref<128x128xf32, #tpu.memory_space<vmem_shared>>
      tpu.enqueue_dma source(%arg17 : memref<128x128xf32, #tpu.memory_space<vmem>>) target(%dma_start3A_291 : memref<128x128xf32, #tpu.memory_space<vmem_shared>>) target_semaphore(%run_scoped3A : memref<!tpu.dma_semaphore, #tpu.memory_space<semaphore_mem>>)
      %dma_wait3A = arith.constant 0 : i32
      %dma_wait3A_292 = tpu.memref_slice %arg21[%add3A_178, %dma_wait3A] : memref<10128x128xf32, #tpu.memory_space<vmem_shared>> -> memref<128x128xf32, #tpu.memory_space<vmem_shared>>
      %dma_wait3A_293 = arith.constant 0 : i32
      %dma_wait3A_294 = tpu.memref_slice %arg21[%add3A_178, %dma_wait3A_293] : memref<10128x128xf32, #tpu.memory_space<vmem_shared>> -> memref<128x128xf32, #tpu.memory_space<vmem_shared>>
      tpu.wait_dma2 semaphore(%run_scoped3A : memref<!tpu.dma_semaphore, #tpu.memory_space<semaphore_mem>>) src(%arg17 : memref<128x128xf32, #tpu.memory_space<vmem>>) dst(%dma_wait3A_294 : memref<128x128xf32, #tpu.memory_space<vmem_shared>>)
      tpu.yield
    }) : () -> ()
    %add3A_179 = arith.constant 512 : i32
    %add3A_180 = arith.addi %mul3A_170, %add3A_179 : i32
    "tpu.region"() ({
      %run_scoped3A = tpu.sem_alloc : memref<!tpu.dma_semaphore, #tpu.memory_space<semaphore_mem>>
      %dma_start3A = arith.constant 0 : i32
      %dma_start3A_289 = arith.constant 0 : i32
      %dma_start3A_290 = tpu.memref_slice %arg17[%dma_start3A, %dma_start3A_289] : memref<128x128xf32, #tpu.memory_space<vmem>> -> memref<112x128xf32, #tpu.memory_space<vmem>>
      %dma_start3A_291 = arith.constant 0 : i32
      %dma_start3A_292 = tpu.memref_slice %arg21[%add3A_180, %dma_start3A_291] : memref<10128x128xf32, #tpu.memory_space<vmem_shared>> -> memref<112x128xf32, #tpu.memory_space<vmem_shared>>
      %dma_start3A_293 = arith.constant 0 : i32
      %dma_start3A_294 = tpu.memref_slice %arg21[%add3A_180, %dma_start3A_293] : memref<10128x128xf32, #tpu.memory_space<vmem_shared>> -> memref<112x128xf32, #tpu.memory_space<vmem_shared>>
      %dma_start3A_295 = arith.constant 0 : i32
      %dma_start3A_296 = arith.constant 0 : i32
      %dma_start3A_297 = tpu.memref_slice %arg17[%dma_start3A_295, %dma_start3A_296] : memref<128x128xf32, #tpu.memory_space<vmem>> -> memref<112x128xf32, #tpu.memory_space<vmem>>
      tpu.enqueue_dma source(%dma_start3A_297 : memref<112x128xf32, #tpu.memory_space<vmem>>) target(%dma_start3A_294 : memref<112x128xf32, #tpu.memory_space<vmem_shared>>) target_semaphore(%run_scoped3A : memref<!tpu.dma_semaphore, #tpu.memory_space<semaphore_mem>>)
      %dma_wait3A = arith.constant 0 : i32
      %dma_wait3A_298 = arith.constant 0 : i32
      %dma_wait3A_299 = tpu.memref_slice %arg17[%dma_wait3A, %dma_wait3A_298] : memref<128x128xf32, #tpu.memory_space<vmem>> -> memref<112x128xf32, #tpu.memory_space<vmem>>
      %dma_wait3A_300 = arith.constant 0 : i32
      %dma_wait3A_301 = tpu.memref_slice %arg21[%add3A_180, %dma_wait3A_300] : memref<10128x128xf32, #tpu.memory_space<vmem_shared>> -> memref<112x128xf32, #tpu.memory_space<vmem_shared>>
      %dma_wait3A_302 = arith.constant 0 : i32
      %dma_wait3A_303 = tpu.memref_slice %arg21[%add3A_180, %dma_wait3A_302] : memref<10128x128xf32, #tpu.memory_space<vmem_shared>> -> memref<112x128xf32, #tpu.memory_space<vmem_shared>>
      %dma_wait3A_304 = arith.constant 0 : i32
      %dma_wait3A_305 = arith.constant 0 : i32
      %dma_wait3A_306 = tpu.memref_slice %arg17[%dma_wait3A_304, %dma_wait3A_305] : memref<128x128xf32, #tpu.memory_space<vmem>> -> memref<112x128xf32, #tpu.memory_space<vmem>>
      tpu.wait_dma2 semaphore(%run_scoped3A : memref<!tpu.dma_semaphore, #tpu.memory_space<semaphore_mem>>) src(%dma_wait3A_306 : memref<112x128xf32, #tpu.memory_space<vmem>>) dst(%dma_wait3A_303 : memref<112x128xf32, #tpu.memory_space<vmem_shared>>)
      tpu.yield
    }) : () -> ()
    %eq3A = arith.constant 15 : i32
    %eq3A_181 = arith.cmpi eq, %arg1, %eq3A : i32
    %convert_element_type3A = arith.extui %eq3A_181 : i1 to i32
    %cond3A = arith.constant 0 : i32
    %cond3A_182 = arith.cmpi ne, %convert_element_type3A, %cond3A : i32
    scf.if %cond3A_182 {
      "tpu.region"() ({
        %run_scoped3A = tpu.sem_alloc : memref<!tpu.dma_semaphore, #tpu.memory_space<semaphore_mem>>
        %dma_start3A = arith.constant 0 : i32
        %dma_start3A_289 = arith.constant 0 : i32
        %dma_start3A_290 = tpu.memref_slice %arg17[%dma_start3A, %dma_start3A_289] : memref<128x128xf32, #tpu.memory_space<vmem>> -> memref<16x128xf32, #tpu.memory_space<vmem>>
        %dma_start3A_291 = arith.constant 9984 : i32
        %dma_start3A_292 = arith.constant 0 : i32
        %dma_start3A_293 = tpu.memref_slice %arg21[%dma_start3A_291, %dma_start3A_292] : memref<10128x128xf32, #tpu.memory_space<vmem_shared>> -> memref<16x128xf32, #tpu.memory_space<vmem_shared>>
        %dma_start3A_294 = arith.constant 9984 : i32
        %dma_start3A_295 = arith.constant 0 : i32
        %dma_start3A_296 = tpu.memref_slice %arg21[%dma_start3A_294, %dma_start3A_295] : memref<10128x128xf32, #tpu.memory_space<vmem_shared>> -> memref<16x128xf32, #tpu.memory_space<vmem_shared>>
        %dma_start3A_297 = arith.constant 0 : i32
        %dma_start3A_298 = arith.constant 0 : i32
        %dma_start3A_299 = tpu.memref_slice %arg17[%dma_start3A_297, %dma_start3A_298] : memref<128x128xf32, #tpu.memory_space<vmem>> -> memref<16x128xf32, #tpu.memory_space<vmem>>
        tpu.enqueue_dma source(%dma_start3A_299 : memref<16x128xf32, #tpu.memory_space<vmem>>) target(%dma_start3A_296 : memref<16x128xf32, #tpu.memory_space<vmem_shared>>) target_semaphore(%run_scoped3A : memref<!tpu.dma_semaphore, #tpu.memory_space<semaphore_mem>>)
        %dma_wait3A = arith.constant 0 : i32
        %dma_wait3A_300 = arith.constant 0 : i32
        %dma_wait3A_301 = tpu.memref_slice %arg17[%dma_wait3A, %dma_wait3A_300] : memref<128x128xf32, #tpu.memory_space<vmem>> -> memref<16x128xf32, #tpu.memory_space<vmem>>
        %dma_wait3A_302 = arith.constant 9984 : i32
        %dma_wait3A_303 = arith.constant 0 : i32
        %dma_wait3A_304 = tpu.memref_slice %arg21[%dma_wait3A_302, %dma_wait3A_303] : memref<10128x128xf32, #tpu.memory_space<vmem_shared>> -> memref<16x128xf32, #tpu.memory_space<vmem_shared>>
        %dma_wait3A_305 = arith.constant 9984 : i32
        %dma_wait3A_306 = arith.constant 0 : i32
        %dma_wait3A_307 = tpu.memref_slice %arg21[%dma_wait3A_305, %dma_wait3A_306] : memref<10128x128xf32, #tpu.memory_space<vmem_shared>> -> memref<16x128xf32, #tpu.memory_space<vmem_shared>>
        %dma_wait3A_308 = arith.constant 0 : i32
        %dma_wait3A_309 = arith.constant 0 : i32
        %dma_wait3A_310 = tpu.memref_slice %arg17[%dma_wait3A_308, %dma_wait3A_309] : memref<128x128xf32, #tpu.memory_space<vmem>> -> memref<16x128xf32, #tpu.memory_space<vmem>>
        tpu.wait_dma2 semaphore(%run_scoped3A : memref<!tpu.dma_semaphore, #tpu.memory_space<semaphore_mem>>) src(%dma_wait3A_310 : memref<16x128xf32, #tpu.memory_space<vmem>>) dst(%dma_wait3A_307 : memref<16x128xf32, #tpu.memory_space<vmem_shared>>)
        tpu.yield
      }) : () -> ()
    } else {
    }
    %mul3A_183 = arith.constant 19456 : i32
    %mul3A_184 = arith.muli %arg1, %mul3A_183 : i32
    %add3A_185 = arith.constant 0 : i32
    %add3A_186 = arith.addi %mul3A_184, %add3A_185 : i32
    "tpu.region"() ({
      %run_scoped3A = tpu.sem_alloc : memref<!tpu.dma_semaphore, #tpu.memory_space<semaphore_mem>>
      %dma_start3A = tpu.memref_slice %arg22[%add3A_186] : memref<324096xf32, #tpu.memory_space<vmem_shared>> -> memref<512xf32, #tpu.memory_space<vmem_shared>>
      %dma_start3A_289 = tpu.memref_slice %arg22[%add3A_186] : memref<324096xf32, #tpu.memory_space<vmem_shared>> -> memref<512xf32, #tpu.memory_space<vmem_shared>>
      tpu.enqueue_dma source(%arg19 : memref<512xf32, #tpu.memory_space<vmem>>) target(%dma_start3A_289 : memref<512xf32, #tpu.memory_space<vmem_shared>>) target_semaphore(%run_scoped3A : memref<!tpu.dma_semaphore, #tpu.memory_space<semaphore_mem>>)
      %dma_wait3A = tpu.memref_slice %arg22[%add3A_186] : memref<324096xf32, #tpu.memory_space<vmem_shared>> -> memref<512xf32, #tpu.memory_space<vmem_shared>>
      %dma_wait3A_290 = tpu.memref_slice %arg22[%add3A_186] : memref<324096xf32, #tpu.memory_space<vmem_shared>> -> memref<512xf32, #tpu.memory_space<vmem_shared>>
      tpu.wait_dma2 semaphore(%run_scoped3A : memref<!tpu.dma_semaphore, #tpu.memory_space<semaphore_mem>>) src(%arg19 : memref<512xf32, #tpu.memory_space<vmem>>) dst(%dma_wait3A_290 : memref<512xf32, #tpu.memory_space<vmem_shared>>)
      tpu.yield
    }) : () -> ()
    %add3A_187 = arith.constant 512 : i32
    %add3A_188 = arith.addi %mul3A_184, %add3A_187 : i32
    "tpu.region"() ({
      %run_scoped3A = tpu.sem_alloc : memref<!tpu.dma_semaphore, #tpu.memory_space<semaphore_mem>>
      %dma_start3A = tpu.memref_slice %arg22[%add3A_188] : memref<324096xf32, #tpu.memory_space<vmem_shared>> -> memref<512xf32, #tpu.memory_space<vmem_shared>>
      %dma_start3A_289 = tpu.memref_slice %arg22[%add3A_188] : memref<324096xf32, #tpu.memory_space<vmem_shared>> -> memref<512xf32, #tpu.memory_space<vmem_shared>>
      tpu.enqueue_dma source(%arg19 : memref<512xf32, #tpu.memory_space<vmem>>) target(%dma_start3A_289 : memref<512xf32, #tpu.memory_space<vmem_shared>>) target_semaphore(%run_scoped3A : memref<!tpu.dma_semaphore, #tpu.memory_space<semaphore_mem>>)
      %dma_wait3A = tpu.memref_slice %arg22[%add3A_188] : memref<324096xf32, #tpu.memory_space<vmem_shared>> -> memref<512xf32, #tpu.memory_space<vmem_shared>>
      %dma_wait3A_290 = tpu.memref_slice %arg22[%add3A_188] : memref<324096xf32, #tpu.memory_space<vmem_shared>> -> memref<512xf32, #tpu.memory_space<vmem_shared>>
      tpu.wait_dma2 semaphore(%run_scoped3A : memref<!tpu.dma_semaphore, #tpu.memory_space<semaphore_mem>>) src(%arg19 : memref<512xf32, #tpu.memory_space<vmem>>) dst(%dma_wait3A_290 : memref<512xf32, #tpu.memory_space<vmem_shared>>)
      tpu.yield
    }) : () -> ()
    %add3A_189 = arith.constant 1024 : i32
    %add3A_190 = arith.addi %mul3A_184, %add3A_189 : i32
    "tpu.region"() ({
      %run_scoped3A = tpu.sem_alloc : memref<!tpu.dma_semaphore, #tpu.memory_space<semaphore_mem>>
      %dma_start3A = tpu.memref_slice %arg22[%add3A_190] : memref<324096xf32, #tpu.memory_space<vmem_shared>> -> memref<512xf32, #tpu.memory_space<vmem_shared>>
      %dma_start3A_289 = tpu.memref_slice %arg22[%add3A_190] : memref<324096xf32, #tpu.memory_space<vmem_shared>> -> memref<512xf32, #tpu.memory_space<vmem_shared>>
      tpu.enqueue_dma source(%arg19 : memref<512xf32, #tpu.memory_space<vmem>>) target(%dma_start3A_289 : memref<512xf32, #tpu.memory_space<vmem_shared>>) target_semaphore(%run_scoped3A : memref<!tpu.dma_semaphore, #tpu.memory_space<semaphore_mem>>)
      %dma_wait3A = tpu.memref_slice %arg22[%add3A_190] : memref<324096xf32, #tpu.memory_space<vmem_shared>> -> memref<512xf32, #tpu.memory_space<vmem_shared>>
      %dma_wait3A_290 = tpu.memref_slice %arg22[%add3A_190] : memref<324096xf32, #tpu.memory_space<vmem_shared>> -> memref<512xf32, #tpu.memory_space<vmem_shared>>
      tpu.wait_dma2 semaphore(%run_scoped3A : memref<!tpu.dma_semaphore, #tpu.memory_space<semaphore_mem>>) src(%arg19 : memref<512xf32, #tpu.memory_space<vmem>>) dst(%dma_wait3A_290 : memref<512xf32, #tpu.memory_space<vmem_shared>>)
      tpu.yield
    }) : () -> ()
    %add3A_191 = arith.constant 1536 : i32
    %add3A_192 = arith.addi %mul3A_184, %add3A_191 : i32
    "tpu.region"() ({
      %run_scoped3A = tpu.sem_alloc : memref<!tpu.dma_semaphore, #tpu.memory_space<semaphore_mem>>
      %dma_start3A = tpu.memref_slice %arg22[%add3A_192] : memref<324096xf32, #tpu.memory_space<vmem_shared>> -> memref<512xf32, #tpu.memory_space<vmem_shared>>
      %dma_start3A_289 = tpu.memref_slice %arg22[%add3A_192] : memref<324096xf32, #tpu.memory_space<vmem_shared>> -> memref<512xf32, #tpu.memory_space<vmem_shared>>
      tpu.enqueue_dma source(%arg19 : memref<512xf32, #tpu.memory_space<vmem>>) target(%dma_start3A_289 : memref<512xf32, #tpu.memory_space<vmem_shared>>) target_semaphore(%run_scoped3A : memref<!tpu.dma_semaphore, #tpu.memory_space<semaphore_mem>>)
      %dma_wait3A = tpu.memref_slice %arg22[%add3A_192] : memref<324096xf32, #tpu.memory_space<vmem_shared>> -> memref<512xf32, #tpu.memory_space<vmem_shared>>
      %dma_wait3A_290 = tpu.memref_slice %arg22[%add3A_192] : memref<324096xf32, #tpu.memory_space<vmem_shared>> -> memref<512xf32, #tpu.memory_space<vmem_shared>>
      tpu.wait_dma2 semaphore(%run_scoped3A : memref<!tpu.dma_semaphore, #tpu.memory_space<semaphore_mem>>) src(%arg19 : memref<512xf32, #tpu.memory_space<vmem>>) dst(%dma_wait3A_290 : memref<512xf32, #tpu.memory_space<vmem_shared>>)
      tpu.yield
    }) : () -> ()
    %add3A_193 = arith.constant 2048 : i32
    %add3A_194 = arith.addi %mul3A_184, %add3A_193 : i32
    "tpu.region"() ({
      %run_scoped3A = tpu.sem_alloc : memref<!tpu.dma_semaphore, #tpu.memory_space<semaphore_mem>>
      %dma_start3A = tpu.memref_slice %arg22[%add3A_194] : memref<324096xf32, #tpu.memory_space<vmem_shared>> -> memref<512xf32, #tpu.memory_space<vmem_shared>>
      %dma_start3A_289 = tpu.memref_slice %arg22[%add3A_194] : memref<324096xf32, #tpu.memory_space<vmem_shared>> -> memref<512xf32, #tpu.memory_space<vmem_shared>>
      tpu.enqueue_dma source(%arg19 : memref<512xf32, #tpu.memory_space<vmem>>) target(%dma_start3A_289 : memref<512xf32, #tpu.memory_space<vmem_shared>>) target_semaphore(%run_scoped3A : memref<!tpu.dma_semaphore, #tpu.memory_space<semaphore_mem>>)
      %dma_wait3A = tpu.memref_slice %arg22[%add3A_194] : memref<324096xf32, #tpu.memory_space<vmem_shared>> -> memref<512xf32, #tpu.memory_space<vmem_shared>>
      %dma_wait3A_290 = tpu.memref_slice %arg22[%add3A_194] : memref<324096xf32, #tpu.memory_space<vmem_shared>> -> memref<512xf32, #tpu.memory_space<vmem_shared>>
      tpu.wait_dma2 semaphore(%run_scoped3A : memref<!tpu.dma_semaphore, #tpu.memory_space<semaphore_mem>>) src(%arg19 : memref<512xf32, #tpu.memory_space<vmem>>) dst(%dma_wait3A_290 : memref<512xf32, #tpu.memory_space<vmem_shared>>)
      tpu.yield
    }) : () -> ()
    %add3A_195 = arith.constant 2560 : i32
    %add3A_196 = arith.addi %mul3A_184, %add3A_195 : i32
    "tpu.region"() ({
      %run_scoped3A = tpu.sem_alloc : memref<!tpu.dma_semaphore, #tpu.memory_space<semaphore_mem>>
      %dma_start3A = tpu.memref_slice %arg22[%add3A_196] : memref<324096xf32, #tpu.memory_space<vmem_shared>> -> memref<512xf32, #tpu.memory_space<vmem_shared>>
      %dma_start3A_289 = tpu.memref_slice %arg22[%add3A_196] : memref<324096xf32, #tpu.memory_space<vmem_shared>> -> memref<512xf32, #tpu.memory_space<vmem_shared>>
      tpu.enqueue_dma source(%arg19 : memref<512xf32, #tpu.memory_space<vmem>>) target(%dma_start3A_289 : memref<512xf32, #tpu.memory_space<vmem_shared>>) target_semaphore(%run_scoped3A : memref<!tpu.dma_semaphore, #tpu.memory_space<semaphore_mem>>)
      %dma_wait3A = tpu.memref_slice %arg22[%add3A_196] : memref<324096xf32, #tpu.memory_space<vmem_shared>> -> memref<512xf32, #tpu.memory_space<vmem_shared>>
      %dma_wait3A_290 = tpu.memref_slice %arg22[%add3A_196] : memref<324096xf32, #tpu.memory_space<vmem_shared>> -> memref<512xf32, #tpu.memory_space<vmem_shared>>
      tpu.wait_dma2 semaphore(%run_scoped3A : memref<!tpu.dma_semaphore, #tpu.memory_space<semaphore_mem>>) src(%arg19 : memref<512xf32, #tpu.memory_space<vmem>>) dst(%dma_wait3A_290 : memref<512xf32, #tpu.memory_space<vmem_shared>>)
      tpu.yield
    }) : () -> ()
    %add3A_197 = arith.constant 3072 : i32
    %add3A_198 = arith.addi %mul3A_184, %add3A_197 : i32
    "tpu.region"() ({
      %run_scoped3A = tpu.sem_alloc : memref<!tpu.dma_semaphore, #tpu.memory_space<semaphore_mem>>
      %dma_start3A = tpu.memref_slice %arg22[%add3A_198] : memref<324096xf32, #tpu.memory_space<vmem_shared>> -> memref<512xf32, #tpu.memory_space<vmem_shared>>
      %dma_start3A_289 = tpu.memref_slice %arg22[%add3A_198] : memref<324096xf32, #tpu.memory_space<vmem_shared>> -> memref<512xf32, #tpu.memory_space<vmem_shared>>
      tpu.enqueue_dma source(%arg19 : memref<512xf32, #tpu.memory_space<vmem>>) target(%dma_start3A_289 : memref<512xf32, #tpu.memory_space<vmem_shared>>) target_semaphore(%run_scoped3A : memref<!tpu.dma_semaphore, #tpu.memory_space<semaphore_mem>>)
      %dma_wait3A = tpu.memref_slice %arg22[%add3A_198] : memref<324096xf32, #tpu.memory_space<vmem_shared>> -> memref<512xf32, #tpu.memory_space<vmem_shared>>
      %dma_wait3A_290 = tpu.memref_slice %arg22[%add3A_198] : memref<324096xf32, #tpu.memory_space<vmem_shared>> -> memref<512xf32, #tpu.memory_space<vmem_shared>>
      tpu.wait_dma2 semaphore(%run_scoped3A : memref<!tpu.dma_semaphore, #tpu.memory_space<semaphore_mem>>) src(%arg19 : memref<512xf32, #tpu.memory_space<vmem>>) dst(%dma_wait3A_290 : memref<512xf32, #tpu.memory_space<vmem_shared>>)
      tpu.yield
    }) : () -> ()
    %add3A_199 = arith.constant 3584 : i32
    %add3A_200 = arith.addi %mul3A_184, %add3A_199 : i32
    "tpu.region"() ({
      %run_scoped3A = tpu.sem_alloc : memref<!tpu.dma_semaphore, #tpu.memory_space<semaphore_mem>>
      %dma_start3A = tpu.memref_slice %arg22[%add3A_200] : memref<324096xf32, #tpu.memory_space<vmem_shared>> -> memref<512xf32, #tpu.memory_space<vmem_shared>>
      %dma_start3A_289 = tpu.memref_slice %arg22[%add3A_200] : memref<324096xf32, #tpu.memory_space<vmem_shared>> -> memref<512xf32, #tpu.memory_space<vmem_shared>>
      tpu.enqueue_dma source(%arg19 : memref<512xf32, #tpu.memory_space<vmem>>) target(%dma_start3A_289 : memref<512xf32, #tpu.memory_space<vmem_shared>>) target_semaphore(%run_scoped3A : memref<!tpu.dma_semaphore, #tpu.memory_space<semaphore_mem>>)
      %dma_wait3A = tpu.memref_slice %arg22[%add3A_200] : memref<324096xf32, #tpu.memory_space<vmem_shared>> -> memref<512xf32, #tpu.memory_space<vmem_shared>>
      %dma_wait3A_290 = tpu.memref_slice %arg22[%add3A_200] : memref<324096xf32, #tpu.memory_space<vmem_shared>> -> memref<512xf32, #tpu.memory_space<vmem_shared>>
      tpu.wait_dma2 semaphore(%run_scoped3A : memref<!tpu.dma_semaphore, #tpu.memory_space<semaphore_mem>>) src(%arg19 : memref<512xf32, #tpu.memory_space<vmem>>) dst(%dma_wait3A_290 : memref<512xf32, #tpu.memory_space<vmem_shared>>)
      tpu.yield
    }) : () -> ()
    %add3A_201 = arith.constant 4096 : i32
    %add3A_202 = arith.addi %mul3A_184, %add3A_201 : i32
    "tpu.region"() ({
      %run_scoped3A = tpu.sem_alloc : memref<!tpu.dma_semaphore, #tpu.memory_space<semaphore_mem>>
      %dma_start3A = tpu.memref_slice %arg22[%add3A_202] : memref<324096xf32, #tpu.memory_space<vmem_shared>> -> memref<512xf32, #tpu.memory_space<vmem_shared>>
      %dma_start3A_289 = tpu.memref_slice %arg22[%add3A_202] : memref<324096xf32, #tpu.memory_space<vmem_shared>> -> memref<512xf32, #tpu.memory_space<vmem_shared>>
      tpu.enqueue_dma source(%arg19 : memref<512xf32, #tpu.memory_space<vmem>>) target(%dma_start3A_289 : memref<512xf32, #tpu.memory_space<vmem_shared>>) target_semaphore(%run_scoped3A : memref<!tpu.dma_semaphore, #tpu.memory_space<semaphore_mem>>)
      %dma_wait3A = tpu.memref_slice %arg22[%add3A_202] : memref<324096xf32, #tpu.memory_space<vmem_shared>> -> memref<512xf32, #tpu.memory_space<vmem_shared>>
      %dma_wait3A_290 = tpu.memref_slice %arg22[%add3A_202] : memref<324096xf32, #tpu.memory_space<vmem_shared>> -> memref<512xf32, #tpu.memory_space<vmem_shared>>
      tpu.wait_dma2 semaphore(%run_scoped3A : memref<!tpu.dma_semaphore, #tpu.memory_space<semaphore_mem>>) src(%arg19 : memref<512xf32, #tpu.memory_space<vmem>>) dst(%dma_wait3A_290 : memref<512xf32, #tpu.memory_space<vmem_shared>>)
      tpu.yield
    }) : () -> ()
    %add3A_203 = arith.constant 4608 : i32
    %add3A_204 = arith.addi %mul3A_184, %add3A_203 : i32
    "tpu.region"() ({
      %run_scoped3A = tpu.sem_alloc : memref<!tpu.dma_semaphore, #tpu.memory_space<semaphore_mem>>
      %dma_start3A = tpu.memref_slice %arg22[%add3A_204] : memref<324096xf32, #tpu.memory_space<vmem_shared>> -> memref<512xf32, #tpu.memory_space<vmem_shared>>
      %dma_start3A_289 = tpu.memref_slice %arg22[%add3A_204] : memref<324096xf32, #tpu.memory_space<vmem_shared>> -> memref<512xf32, #tpu.memory_space<vmem_shared>>
      tpu.enqueue_dma source(%arg19 : memref<512xf32, #tpu.memory_space<vmem>>) target(%dma_start3A_289 : memref<512xf32, #tpu.memory_space<vmem_shared>>) target_semaphore(%run_scoped3A : memref<!tpu.dma_semaphore, #tpu.memory_space<semaphore_mem>>)
      %dma_wait3A = tpu.memref_slice %arg22[%add3A_204] : memref<324096xf32, #tpu.memory_space<vmem_shared>> -> memref<512xf32, #tpu.memory_space<vmem_shared>>
      %dma_wait3A_290 = tpu.memref_slice %arg22[%add3A_204] : memref<324096xf32, #tpu.memory_space<vmem_shared>> -> memref<512xf32, #tpu.memory_space<vmem_shared>>
      tpu.wait_dma2 semaphore(%run_scoped3A : memref<!tpu.dma_semaphore, #tpu.memory_space<semaphore_mem>>) src(%arg19 : memref<512xf32, #tpu.memory_space<vmem>>) dst(%dma_wait3A_290 : memref<512xf32, #tpu.memory_space<vmem_shared>>)
      tpu.yield
    }) : () -> ()
    %add3A_205 = arith.constant 5120 : i32
    %add3A_206 = arith.addi %mul3A_184, %add3A_205 : i32
    "tpu.region"() ({
      %run_scoped3A = tpu.sem_alloc : memref<!tpu.dma_semaphore, #tpu.memory_space<semaphore_mem>>
      %dma_start3A = tpu.memref_slice %arg22[%add3A_206] : memref<324096xf32, #tpu.memory_space<vmem_shared>> -> memref<512xf32, #tpu.memory_space<vmem_shared>>
      %dma_start3A_289 = tpu.memref_slice %arg22[%add3A_206] : memref<324096xf32, #tpu.memory_space<vmem_shared>> -> memref<512xf32, #tpu.memory_space<vmem_shared>>
      tpu.enqueue_dma source(%arg19 : memref<512xf32, #tpu.memory_space<vmem>>) target(%dma_start3A_289 : memref<512xf32, #tpu.memory_space<vmem_shared>>) target_semaphore(%run_scoped3A : memref<!tpu.dma_semaphore, #tpu.memory_space<semaphore_mem>>)
      %dma_wait3A = tpu.memref_slice %arg22[%add3A_206] : memref<324096xf32, #tpu.memory_space<vmem_shared>> -> memref<512xf32, #tpu.memory_space<vmem_shared>>
      %dma_wait3A_290 = tpu.memref_slice %arg22[%add3A_206] : memref<324096xf32, #tpu.memory_space<vmem_shared>> -> memref<512xf32, #tpu.memory_space<vmem_shared>>
      tpu.wait_dma2 semaphore(%run_scoped3A : memref<!tpu.dma_semaphore, #tpu.memory_space<semaphore_mem>>) src(%arg19 : memref<512xf32, #tpu.memory_space<vmem>>) dst(%dma_wait3A_290 : memref<512xf32, #tpu.memory_space<vmem_shared>>)
      tpu.yield
    }) : () -> ()
    %add3A_207 = arith.constant 5632 : i32
    %add3A_208 = arith.addi %mul3A_184, %add3A_207 : i32
    "tpu.region"() ({
      %run_scoped3A = tpu.sem_alloc : memref<!tpu.dma_semaphore, #tpu.memory_space<semaphore_mem>>
      %dma_start3A = tpu.memref_slice %arg22[%add3A_208] : memref<324096xf32, #tpu.memory_space<vmem_shared>> -> memref<512xf32, #tpu.memory_space<vmem_shared>>
      %dma_start3A_289 = tpu.memref_slice %arg22[%add3A_208] : memref<324096xf32, #tpu.memory_space<vmem_shared>> -> memref<512xf32, #tpu.memory_space<vmem_shared>>
      tpu.enqueue_dma source(%arg19 : memref<512xf32, #tpu.memory_space<vmem>>) target(%dma_start3A_289 : memref<512xf32, #tpu.memory_space<vmem_shared>>) target_semaphore(%run_scoped3A : memref<!tpu.dma_semaphore, #tpu.memory_space<semaphore_mem>>)
      %dma_wait3A = tpu.memref_slice %arg22[%add3A_208] : memref<324096xf32, #tpu.memory_space<vmem_shared>> -> memref<512xf32, #tpu.memory_space<vmem_shared>>
      %dma_wait3A_290 = tpu.memref_slice %arg22[%add3A_208] : memref<324096xf32, #tpu.memory_space<vmem_shared>> -> memref<512xf32, #tpu.memory_space<vmem_shared>>
      tpu.wait_dma2 semaphore(%run_scoped3A : memref<!tpu.dma_semaphore, #tpu.memory_space<semaphore_mem>>) src(%arg19 : memref<512xf32, #tpu.memory_space<vmem>>) dst(%dma_wait3A_290 : memref<512xf32, #tpu.memory_space<vmem_shared>>)
      tpu.yield
    }) : () -> ()
    %add3A_209 = arith.constant 6144 : i32
    %add3A_210 = arith.addi %mul3A_184, %add3A_209 : i32
    "tpu.region"() ({
      %run_scoped3A = tpu.sem_alloc : memref<!tpu.dma_semaphore, #tpu.memory_space<semaphore_mem>>
      %dma_start3A = tpu.memref_slice %arg22[%add3A_210] : memref<324096xf32, #tpu.memory_space<vmem_shared>> -> memref<512xf32, #tpu.memory_space<vmem_shared>>
      %dma_start3A_289 = tpu.memref_slice %arg22[%add3A_210] : memref<324096xf32, #tpu.memory_space<vmem_shared>> -> memref<512xf32, #tpu.memory_space<vmem_shared>>
      tpu.enqueue_dma source(%arg19 : memref<512xf32, #tpu.memory_space<vmem>>) target(%dma_start3A_289 : memref<512xf32, #tpu.memory_space<vmem_shared>>) target_semaphore(%run_scoped3A : memref<!tpu.dma_semaphore, #tpu.memory_space<semaphore_mem>>)
      %dma_wait3A = tpu.memref_slice %arg22[%add3A_210] : memref<324096xf32, #tpu.memory_space<vmem_shared>> -> memref<512xf32, #tpu.memory_space<vmem_shared>>
      %dma_wait3A_290 = tpu.memref_slice %arg22[%add3A_210] : memref<324096xf32, #tpu.memory_space<vmem_shared>> -> memref<512xf32, #tpu.memory_space<vmem_shared>>
      tpu.wait_dma2 semaphore(%run_scoped3A : memref<!tpu.dma_semaphore, #tpu.memory_space<semaphore_mem>>) src(%arg19 : memref<512xf32, #tpu.memory_space<vmem>>) dst(%dma_wait3A_290 : memref<512xf32, #tpu.memory_space<vmem_shared>>)
      tpu.yield
    }) : () -> ()
    %add3A_211 = arith.constant 6656 : i32
    %add3A_212 = arith.addi %mul3A_184, %add3A_211 : i32
    "tpu.region"() ({
      %run_scoped3A = tpu.sem_alloc : memref<!tpu.dma_semaphore, #tpu.memory_space<semaphore_mem>>
      %dma_start3A = tpu.memref_slice %arg22[%add3A_212] : memref<324096xf32, #tpu.memory_space<vmem_shared>> -> memref<512xf32, #tpu.memory_space<vmem_shared>>
      %dma_start3A_289 = tpu.memref_slice %arg22[%add3A_212] : memref<324096xf32, #tpu.memory_space<vmem_shared>> -> memref<512xf32, #tpu.memory_space<vmem_shared>>
      tpu.enqueue_dma source(%arg19 : memref<512xf32, #tpu.memory_space<vmem>>) target(%dma_start3A_289 : memref<512xf32, #tpu.memory_space<vmem_shared>>) target_semaphore(%run_scoped3A : memref<!tpu.dma_semaphore, #tpu.memory_space<semaphore_mem>>)
      %dma_wait3A = tpu.memref_slice %arg22[%add3A_212] : memref<324096xf32, #tpu.memory_space<vmem_shared>> -> memref<512xf32, #tpu.memory_space<vmem_shared>>
      %dma_wait3A_290 = tpu.memref_slice %arg22[%add3A_212] : memref<324096xf32, #tpu.memory_space<vmem_shared>> -> memref<512xf32, #tpu.memory_space<vmem_shared>>
      tpu.wait_dma2 semaphore(%run_scoped3A : memref<!tpu.dma_semaphore, #tpu.memory_space<semaphore_mem>>) src(%arg19 : memref<512xf32, #tpu.memory_space<vmem>>) dst(%dma_wait3A_290 : memref<512xf32, #tpu.memory_space<vmem_shared>>)
      tpu.yield
    }) : () -> ()
    %add3A_213 = arith.constant 7168 : i32
    %add3A_214 = arith.addi %mul3A_184, %add3A_213 : i32
    "tpu.region"() ({
      %run_scoped3A = tpu.sem_alloc : memref<!tpu.dma_semaphore, #tpu.memory_space<semaphore_mem>>
      %dma_start3A = tpu.memref_slice %arg22[%add3A_214] : memref<324096xf32, #tpu.memory_space<vmem_shared>> -> memref<512xf32, #tpu.memory_space<vmem_shared>>
      %dma_start3A_289 = tpu.memref_slice %arg22[%add3A_214] : memref<324096xf32, #tpu.memory_space<vmem_shared>> -> memref<512xf32, #tpu.memory_space<vmem_shared>>
      tpu.enqueue_dma source(%arg19 : memref<512xf32, #tpu.memory_space<vmem>>) target(%dma_start3A_289 : memref<512xf32, #tpu.memory_space<vmem_shared>>) target_semaphore(%run_scoped3A : memref<!tpu.dma_semaphore, #tpu.memory_space<semaphore_mem>>)
      %dma_wait3A = tpu.memref_slice %arg22[%add3A_214] : memref<324096xf32, #tpu.memory_space<vmem_shared>> -> memref<512xf32, #tpu.memory_space<vmem_shared>>
      %dma_wait3A_290 = tpu.memref_slice %arg22[%add3A_214] : memref<324096xf32, #tpu.memory_space<vmem_shared>> -> memref<512xf32, #tpu.memory_space<vmem_shared>>
      tpu.wait_dma2 semaphore(%run_scoped3A : memref<!tpu.dma_semaphore, #tpu.memory_space<semaphore_mem>>) src(%arg19 : memref<512xf32, #tpu.memory_space<vmem>>) dst(%dma_wait3A_290 : memref<512xf32, #tpu.memory_space<vmem_shared>>)
      tpu.yield
    }) : () -> ()
    %add3A_215 = arith.constant 7680 : i32
    %add3A_216 = arith.addi %mul3A_184, %add3A_215 : i32
    "tpu.region"() ({
      %run_scoped3A = tpu.sem_alloc : memref<!tpu.dma_semaphore, #tpu.memory_space<semaphore_mem>>
      %dma_start3A = tpu.memref_slice %arg22[%add3A_216] : memref<324096xf32, #tpu.memory_space<vmem_shared>> -> memref<512xf32, #tpu.memory_space<vmem_shared>>
      %dma_start3A_289 = tpu.memref_slice %arg22[%add3A_216] : memref<324096xf32, #tpu.memory_space<vmem_shared>> -> memref<512xf32, #tpu.memory_space<vmem_shared>>
      tpu.enqueue_dma source(%arg19 : memref<512xf32, #tpu.memory_space<vmem>>) target(%dma_start3A_289 : memref<512xf32, #tpu.memory_space<vmem_shared>>) target_semaphore(%run_scoped3A : memref<!tpu.dma_semaphore, #tpu.memory_space<semaphore_mem>>)
      %dma_wait3A = tpu.memref_slice %arg22[%add3A_216] : memref<324096xf32, #tpu.memory_space<vmem_shared>> -> memref<512xf32, #tpu.memory_space<vmem_shared>>
      %dma_wait3A_290 = tpu.memref_slice %arg22[%add3A_216] : memref<324096xf32, #tpu.memory_space<vmem_shared>> -> memref<512xf32, #tpu.memory_space<vmem_shared>>
      tpu.wait_dma2 semaphore(%run_scoped3A : memref<!tpu.dma_semaphore, #tpu.memory_space<semaphore_mem>>) src(%arg19 : memref<512xf32, #tpu.memory_space<vmem>>) dst(%dma_wait3A_290 : memref<512xf32, #tpu.memory_space<vmem_shared>>)
      tpu.yield
    }) : () -> ()
    %add3A_217 = arith.constant 8192 : i32
    %add3A_218 = arith.addi %mul3A_184, %add3A_217 : i32
    "tpu.region"() ({
      %run_scoped3A = tpu.sem_alloc : memref<!tpu.dma_semaphore, #tpu.memory_space<semaphore_mem>>
      %dma_start3A = tpu.memref_slice %arg22[%add3A_218] : memref<324096xf32, #tpu.memory_space<vmem_shared>> -> memref<512xf32, #tpu.memory_space<vmem_shared>>
      %dma_start3A_289 = tpu.memref_slice %arg22[%add3A_218] : memref<324096xf32, #tpu.memory_space<vmem_shared>> -> memref<512xf32, #tpu.memory_space<vmem_shared>>
      tpu.enqueue_dma source(%arg19 : memref<512xf32, #tpu.memory_space<vmem>>) target(%dma_start3A_289 : memref<512xf32, #tpu.memory_space<vmem_shared>>) target_semaphore(%run_scoped3A : memref<!tpu.dma_semaphore, #tpu.memory_space<semaphore_mem>>)
      %dma_wait3A = tpu.memref_slice %arg22[%add3A_218] : memref<324096xf32, #tpu.memory_space<vmem_shared>> -> memref<512xf32, #tpu.memory_space<vmem_shared>>
      %dma_wait3A_290 = tpu.memref_slice %arg22[%add3A_218] : memref<324096xf32, #tpu.memory_space<vmem_shared>> -> memref<512xf32, #tpu.memory_space<vmem_shared>>
      tpu.wait_dma2 semaphore(%run_scoped3A : memref<!tpu.dma_semaphore, #tpu.memory_space<semaphore_mem>>) src(%arg19 : memref<512xf32, #tpu.memory_space<vmem>>) dst(%dma_wait3A_290 : memref<512xf32, #tpu.memory_space<vmem_shared>>)
      tpu.yield
    }) : () -> ()
    %add3A_219 = arith.constant 8704 : i32
    %add3A_220 = arith.addi %mul3A_184, %add3A_219 : i32
    "tpu.region"() ({
      %run_scoped3A = tpu.sem_alloc : memref<!tpu.dma_semaphore, #tpu.memory_space<semaphore_mem>>
      %dma_start3A = tpu.memref_slice %arg22[%add3A_220] : memref<324096xf32, #tpu.memory_space<vmem_shared>> -> memref<512xf32, #tpu.memory_space<vmem_shared>>
      %dma_start3A_289 = tpu.memref_slice %arg22[%add3A_220] : memref<324096xf32, #tpu.memory_space<vmem_shared>> -> memref<512xf32, #tpu.memory_space<vmem_shared>>
      tpu.enqueue_dma source(%arg19 : memref<512xf32, #tpu.memory_space<vmem>>) target(%dma_start3A_289 : memref<512xf32, #tpu.memory_space<vmem_shared>>) target_semaphore(%run_scoped3A : memref<!tpu.dma_semaphore, #tpu.memory_space<semaphore_mem>>)
      %dma_wait3A = tpu.memref_slice %arg22[%add3A_220] : memref<324096xf32, #tpu.memory_space<vmem_shared>> -> memref<512xf32, #tpu.memory_space<vmem_shared>>
      %dma_wait3A_290 = tpu.memref_slice %arg22[%add3A_220] : memref<324096xf32, #tpu.memory_space<vmem_shared>> -> memref<512xf32, #tpu.memory_space<vmem_shared>>
      tpu.wait_dma2 semaphore(%run_scoped3A : memref<!tpu.dma_semaphore, #tpu.memory_space<semaphore_mem>>) src(%arg19 : memref<512xf32, #tpu.memory_space<vmem>>) dst(%dma_wait3A_290 : memref<512xf32, #tpu.memory_space<vmem_shared>>)
      tpu.yield
    }) : () -> ()
    %add3A_221 = arith.constant 9216 : i32
    %add3A_222 = arith.addi %mul3A_184, %add3A_221 : i32
    "tpu.region"() ({
      %run_scoped3A = tpu.sem_alloc : memref<!tpu.dma_semaphore, #tpu.memory_space<semaphore_mem>>
      %dma_start3A = tpu.memref_slice %arg22[%add3A_222] : memref<324096xf32, #tpu.memory_space<vmem_shared>> -> memref<512xf32, #tpu.memory_space<vmem_shared>>
      %dma_start3A_289 = tpu.memref_slice %arg22[%add3A_222] : memref<324096xf32, #tpu.memory_space<vmem_shared>> -> memref<512xf32, #tpu.memory_space<vmem_shared>>
      tpu.enqueue_dma source(%arg19 : memref<512xf32, #tpu.memory_space<vmem>>) target(%dma_start3A_289 : memref<512xf32, #tpu.memory_space<vmem_shared>>) target_semaphore(%run_scoped3A : memref<!tpu.dma_semaphore, #tpu.memory_space<semaphore_mem>>)
      %dma_wait3A = tpu.memref_slice %arg22[%add3A_222] : memref<324096xf32, #tpu.memory_space<vmem_shared>> -> memref<512xf32, #tpu.memory_space<vmem_shared>>
      %dma_wait3A_290 = tpu.memref_slice %arg22[%add3A_222] : memref<324096xf32, #tpu.memory_space<vmem_shared>> -> memref<512xf32, #tpu.memory_space<vmem_shared>>
      tpu.wait_dma2 semaphore(%run_scoped3A : memref<!tpu.dma_semaphore, #tpu.memory_space<semaphore_mem>>) src(%arg19 : memref<512xf32, #tpu.memory_space<vmem>>) dst(%dma_wait3A_290 : memref<512xf32, #tpu.memory_space<vmem_shared>>)
      tpu.yield
    }) : () -> ()
    %add3A_223 = arith.constant 9728 : i32
    %add3A_224 = arith.addi %mul3A_184, %add3A_223 : i32
    "tpu.region"() ({
      %run_scoped3A = tpu.sem_alloc : memref<!tpu.dma_semaphore, #tpu.memory_space<semaphore_mem>>
      %dma_start3A = tpu.memref_slice %arg22[%add3A_224] : memref<324096xf32, #tpu.memory_space<vmem_shared>> -> memref<512xf32, #tpu.memory_space<vmem_shared>>
      %dma_start3A_289 = tpu.memref_slice %arg22[%add3A_224] : memref<324096xf32, #tpu.memory_space<vmem_shared>> -> memref<512xf32, #tpu.memory_space<vmem_shared>>
      tpu.enqueue_dma source(%arg19 : memref<512xf32, #tpu.memory_space<vmem>>) target(%dma_start3A_289 : memref<512xf32, #tpu.memory_space<vmem_shared>>) target_semaphore(%run_scoped3A : memref<!tpu.dma_semaphore, #tpu.memory_space<semaphore_mem>>)
      %dma_wait3A = tpu.memref_slice %arg22[%add3A_224] : memref<324096xf32, #tpu.memory_space<vmem_shared>> -> memref<512xf32, #tpu.memory_space<vmem_shared>>
      %dma_wait3A_290 = tpu.memref_slice %arg22[%add3A_224] : memref<324096xf32, #tpu.memory_space<vmem_shared>> -> memref<512xf32, #tpu.memory_space<vmem_shared>>
      tpu.wait_dma2 semaphore(%run_scoped3A : memref<!tpu.dma_semaphore, #tpu.memory_space<semaphore_mem>>) src(%arg19 : memref<512xf32, #tpu.memory_space<vmem>>) dst(%dma_wait3A_290 : memref<512xf32, #tpu.memory_space<vmem_shared>>)
      tpu.yield
    }) : () -> ()
    %add3A_225 = arith.constant 10240 : i32
    %add3A_226 = arith.addi %mul3A_184, %add3A_225 : i32
    "tpu.region"() ({
      %run_scoped3A = tpu.sem_alloc : memref<!tpu.dma_semaphore, #tpu.memory_space<semaphore_mem>>
      %dma_start3A = tpu.memref_slice %arg22[%add3A_226] : memref<324096xf32, #tpu.memory_space<vmem_shared>> -> memref<512xf32, #tpu.memory_space<vmem_shared>>
      %dma_start3A_289 = tpu.memref_slice %arg22[%add3A_226] : memref<324096xf32, #tpu.memory_space<vmem_shared>> -> memref<512xf32, #tpu.memory_space<vmem_shared>>
      tpu.enqueue_dma source(%arg19 : memref<512xf32, #tpu.memory_space<vmem>>) target(%dma_start3A_289 : memref<512xf32, #tpu.memory_space<vmem_shared>>) target_semaphore(%run_scoped3A : memref<!tpu.dma_semaphore, #tpu.memory_space<semaphore_mem>>)
      %dma_wait3A = tpu.memref_slice %arg22[%add3A_226] : memref<324096xf32, #tpu.memory_space<vmem_shared>> -> memref<512xf32, #tpu.memory_space<vmem_shared>>
      %dma_wait3A_290 = tpu.memref_slice %arg22[%add3A_226] : memref<324096xf32, #tpu.memory_space<vmem_shared>> -> memref<512xf32, #tpu.memory_space<vmem_shared>>
      tpu.wait_dma2 semaphore(%run_scoped3A : memref<!tpu.dma_semaphore, #tpu.memory_space<semaphore_mem>>) src(%arg19 : memref<512xf32, #tpu.memory_space<vmem>>) dst(%dma_wait3A_290 : memref<512xf32, #tpu.memory_space<vmem_shared>>)
      tpu.yield
    }) : () -> ()
    %add3A_227 = arith.constant 10752 : i32
    %add3A_228 = arith.addi %mul3A_184, %add3A_227 : i32
    "tpu.region"() ({
      %run_scoped3A = tpu.sem_alloc : memref<!tpu.dma_semaphore, #tpu.memory_space<semaphore_mem>>
      %dma_start3A = tpu.memref_slice %arg22[%add3A_228] : memref<324096xf32, #tpu.memory_space<vmem_shared>> -> memref<512xf32, #tpu.memory_space<vmem_shared>>
      %dma_start3A_289 = tpu.memref_slice %arg22[%add3A_228] : memref<324096xf32, #tpu.memory_space<vmem_shared>> -> memref<512xf32, #tpu.memory_space<vmem_shared>>
      tpu.enqueue_dma source(%arg19 : memref<512xf32, #tpu.memory_space<vmem>>) target(%dma_start3A_289 : memref<512xf32, #tpu.memory_space<vmem_shared>>) target_semaphore(%run_scoped3A : memref<!tpu.dma_semaphore, #tpu.memory_space<semaphore_mem>>)
      %dma_wait3A = tpu.memref_slice %arg22[%add3A_228] : memref<324096xf32, #tpu.memory_space<vmem_shared>> -> memref<512xf32, #tpu.memory_space<vmem_shared>>
      %dma_wait3A_290 = tpu.memref_slice %arg22[%add3A_228] : memref<324096xf32, #tpu.memory_space<vmem_shared>> -> memref<512xf32, #tpu.memory_space<vmem_shared>>
      tpu.wait_dma2 semaphore(%run_scoped3A : memref<!tpu.dma_semaphore, #tpu.memory_space<semaphore_mem>>) src(%arg19 : memref<512xf32, #tpu.memory_space<vmem>>) dst(%dma_wait3A_290 : memref<512xf32, #tpu.memory_space<vmem_shared>>)
      tpu.yield
    }) : () -> ()
    %add3A_229 = arith.constant 11264 : i32
    %add3A_230 = arith.addi %mul3A_184, %add3A_229 : i32
    "tpu.region"() ({
      %run_scoped3A = tpu.sem_alloc : memref<!tpu.dma_semaphore, #tpu.memory_space<semaphore_mem>>
      %dma_start3A = tpu.memref_slice %arg22[%add3A_230] : memref<324096xf32, #tpu.memory_space<vmem_shared>> -> memref<512xf32, #tpu.memory_space<vmem_shared>>
      %dma_start3A_289 = tpu.memref_slice %arg22[%add3A_230] : memref<324096xf32, #tpu.memory_space<vmem_shared>> -> memref<512xf32, #tpu.memory_space<vmem_shared>>
      tpu.enqueue_dma source(%arg19 : memref<512xf32, #tpu.memory_space<vmem>>) target(%dma_start3A_289 : memref<512xf32, #tpu.memory_space<vmem_shared>>) target_semaphore(%run_scoped3A : memref<!tpu.dma_semaphore, #tpu.memory_space<semaphore_mem>>)
      %dma_wait3A = tpu.memref_slice %arg22[%add3A_230] : memref<324096xf32, #tpu.memory_space<vmem_shared>> -> memref<512xf32, #tpu.memory_space<vmem_shared>>
      %dma_wait3A_290 = tpu.memref_slice %arg22[%add3A_230] : memref<324096xf32, #tpu.memory_space<vmem_shared>> -> memref<512xf32, #tpu.memory_space<vmem_shared>>
      tpu.wait_dma2 semaphore(%run_scoped3A : memref<!tpu.dma_semaphore, #tpu.memory_space<semaphore_mem>>) src(%arg19 : memref<512xf32, #tpu.memory_space<vmem>>) dst(%dma_wait3A_290 : memref<512xf32, #tpu.memory_space<vmem_shared>>)
      tpu.yield
    }) : () -> ()
    %add3A_231 = arith.constant 11776 : i32
    %add3A_232 = arith.addi %mul3A_184, %add3A_231 : i32
    "tpu.region"() ({
      %run_scoped3A = tpu.sem_alloc : memref<!tpu.dma_semaphore, #tpu.memory_space<semaphore_mem>>
      %dma_start3A = tpu.memref_slice %arg22[%add3A_232] : memref<324096xf32, #tpu.memory_space<vmem_shared>> -> memref<512xf32, #tpu.memory_space<vmem_shared>>
      %dma_start3A_289 = tpu.memref_slice %arg22[%add3A_232] : memref<324096xf32, #tpu.memory_space<vmem_shared>> -> memref<512xf32, #tpu.memory_space<vmem_shared>>
      tpu.enqueue_dma source(%arg19 : memref<512xf32, #tpu.memory_space<vmem>>) target(%dma_start3A_289 : memref<512xf32, #tpu.memory_space<vmem_shared>>) target_semaphore(%run_scoped3A : memref<!tpu.dma_semaphore, #tpu.memory_space<semaphore_mem>>)
      %dma_wait3A = tpu.memref_slice %arg22[%add3A_232] : memref<324096xf32, #tpu.memory_space<vmem_shared>> -> memref<512xf32, #tpu.memory_space<vmem_shared>>
      %dma_wait3A_290 = tpu.memref_slice %arg22[%add3A_232] : memref<324096xf32, #tpu.memory_space<vmem_shared>> -> memref<512xf32, #tpu.memory_space<vmem_shared>>
      tpu.wait_dma2 semaphore(%run_scoped3A : memref<!tpu.dma_semaphore, #tpu.memory_space<semaphore_mem>>) src(%arg19 : memref<512xf32, #tpu.memory_space<vmem>>) dst(%dma_wait3A_290 : memref<512xf32, #tpu.memory_space<vmem_shared>>)
      tpu.yield
    }) : () -> ()
    %add3A_233 = arith.constant 12288 : i32
    %add3A_234 = arith.addi %mul3A_184, %add3A_233 : i32
    "tpu.region"() ({
      %run_scoped3A = tpu.sem_alloc : memref<!tpu.dma_semaphore, #tpu.memory_space<semaphore_mem>>
      %dma_start3A = tpu.memref_slice %arg22[%add3A_234] : memref<324096xf32, #tpu.memory_space<vmem_shared>> -> memref<512xf32, #tpu.memory_space<vmem_shared>>
      %dma_start3A_289 = tpu.memref_slice %arg22[%add3A_234] : memref<324096xf32, #tpu.memory_space<vmem_shared>> -> memref<512xf32, #tpu.memory_space<vmem_shared>>
      tpu.enqueue_dma source(%arg19 : memref<512xf32, #tpu.memory_space<vmem>>) target(%dma_start3A_289 : memref<512xf32, #tpu.memory_space<vmem_shared>>) target_semaphore(%run_scoped3A : memref<!tpu.dma_semaphore, #tpu.memory_space<semaphore_mem>>)
      %dma_wait3A = tpu.memref_slice %arg22[%add3A_234] : memref<324096xf32, #tpu.memory_space<vmem_shared>> -> memref<512xf32, #tpu.memory_space<vmem_shared>>
      %dma_wait3A_290 = tpu.memref_slice %arg22[%add3A_234] : memref<324096xf32, #tpu.memory_space<vmem_shared>> -> memref<512xf32, #tpu.memory_space<vmem_shared>>
      tpu.wait_dma2 semaphore(%run_scoped3A : memref<!tpu.dma_semaphore, #tpu.memory_space<semaphore_mem>>) src(%arg19 : memref<512xf32, #tpu.memory_space<vmem>>) dst(%dma_wait3A_290 : memref<512xf32, #tpu.memory_space<vmem_shared>>)
      tpu.yield
    }) : () -> ()
    %add3A_235 = arith.constant 12800 : i32
    %add3A_236 = arith.addi %mul3A_184, %add3A_235 : i32
    "tpu.region"() ({
      %run_scoped3A = tpu.sem_alloc : memref<!tpu.dma_semaphore, #tpu.memory_space<semaphore_mem>>
      %dma_start3A = tpu.memref_slice %arg22[%add3A_236] : memref<324096xf32, #tpu.memory_space<vmem_shared>> -> memref<512xf32, #tpu.memory_space<vmem_shared>>
      %dma_start3A_289 = tpu.memref_slice %arg22[%add3A_236] : memref<324096xf32, #tpu.memory_space<vmem_shared>> -> memref<512xf32, #tpu.memory_space<vmem_shared>>
      tpu.enqueue_dma source(%arg19 : memref<512xf32, #tpu.memory_space<vmem>>) target(%dma_start3A_289 : memref<512xf32, #tpu.memory_space<vmem_shared>>) target_semaphore(%run_scoped3A : memref<!tpu.dma_semaphore, #tpu.memory_space<semaphore_mem>>)
      %dma_wait3A = tpu.memref_slice %arg22[%add3A_236] : memref<324096xf32, #tpu.memory_space<vmem_shared>> -> memref<512xf32, #tpu.memory_space<vmem_shared>>
      %dma_wait3A_290 = tpu.memref_slice %arg22[%add3A_236] : memref<324096xf32, #tpu.memory_space<vmem_shared>> -> memref<512xf32, #tpu.memory_space<vmem_shared>>
      tpu.wait_dma2 semaphore(%run_scoped3A : memref<!tpu.dma_semaphore, #tpu.memory_space<semaphore_mem>>) src(%arg19 : memref<512xf32, #tpu.memory_space<vmem>>) dst(%dma_wait3A_290 : memref<512xf32, #tpu.memory_space<vmem_shared>>)
      tpu.yield
    }) : () -> ()
    %add3A_237 = arith.constant 13312 : i32
    %add3A_238 = arith.addi %mul3A_184, %add3A_237 : i32
    "tpu.region"() ({
      %run_scoped3A = tpu.sem_alloc : memref<!tpu.dma_semaphore, #tpu.memory_space<semaphore_mem>>
      %dma_start3A = tpu.memref_slice %arg22[%add3A_238] : memref<324096xf32, #tpu.memory_space<vmem_shared>> -> memref<512xf32, #tpu.memory_space<vmem_shared>>
      %dma_start3A_289 = tpu.memref_slice %arg22[%add3A_238] : memref<324096xf32, #tpu.memory_space<vmem_shared>> -> memref<512xf32, #tpu.memory_space<vmem_shared>>
      tpu.enqueue_dma source(%arg19 : memref<512xf32, #tpu.memory_space<vmem>>) target(%dma_start3A_289 : memref<512xf32, #tpu.memory_space<vmem_shared>>) target_semaphore(%run_scoped3A : memref<!tpu.dma_semaphore, #tpu.memory_space<semaphore_mem>>)
      %dma_wait3A = tpu.memref_slice %arg22[%add3A_238] : memref<324096xf32, #tpu.memory_space<vmem_shared>> -> memref<512xf32, #tpu.memory_space<vmem_shared>>
      %dma_wait3A_290 = tpu.memref_slice %arg22[%add3A_238] : memref<324096xf32, #tpu.memory_space<vmem_shared>> -> memref<512xf32, #tpu.memory_space<vmem_shared>>
      tpu.wait_dma2 semaphore(%run_scoped3A : memref<!tpu.dma_semaphore, #tpu.memory_space<semaphore_mem>>) src(%arg19 : memref<512xf32, #tpu.memory_space<vmem>>) dst(%dma_wait3A_290 : memref<512xf32, #tpu.memory_space<vmem_shared>>)
      tpu.yield
    }) : () -> ()
    %add3A_239 = arith.constant 13824 : i32
    %add3A_240 = arith.addi %mul3A_184, %add3A_239 : i32
    "tpu.region"() ({
      %run_scoped3A = tpu.sem_alloc : memref<!tpu.dma_semaphore, #tpu.memory_space<semaphore_mem>>
      %dma_start3A = tpu.memref_slice %arg22[%add3A_240] : memref<324096xf32, #tpu.memory_space<vmem_shared>> -> memref<512xf32, #tpu.memory_space<vmem_shared>>
      %dma_start3A_289 = tpu.memref_slice %arg22[%add3A_240] : memref<324096xf32, #tpu.memory_space<vmem_shared>> -> memref<512xf32, #tpu.memory_space<vmem_shared>>
      tpu.enqueue_dma source(%arg19 : memref<512xf32, #tpu.memory_space<vmem>>) target(%dma_start3A_289 : memref<512xf32, #tpu.memory_space<vmem_shared>>) target_semaphore(%run_scoped3A : memref<!tpu.dma_semaphore, #tpu.memory_space<semaphore_mem>>)
      %dma_wait3A = tpu.memref_slice %arg22[%add3A_240] : memref<324096xf32, #tpu.memory_space<vmem_shared>> -> memref<512xf32, #tpu.memory_space<vmem_shared>>
      %dma_wait3A_290 = tpu.memref_slice %arg22[%add3A_240] : memref<324096xf32, #tpu.memory_space<vmem_shared>> -> memref<512xf32, #tpu.memory_space<vmem_shared>>
      tpu.wait_dma2 semaphore(%run_scoped3A : memref<!tpu.dma_semaphore, #tpu.memory_space<semaphore_mem>>) src(%arg19 : memref<512xf32, #tpu.memory_space<vmem>>) dst(%dma_wait3A_290 : memref<512xf32, #tpu.memory_space<vmem_shared>>)
      tpu.yield
    }) : () -> ()
    %add3A_241 = arith.constant 14336 : i32
    %add3A_242 = arith.addi %mul3A_184, %add3A_241 : i32
    "tpu.region"() ({
      %run_scoped3A = tpu.sem_alloc : memref<!tpu.dma_semaphore, #tpu.memory_space<semaphore_mem>>
      %dma_start3A = tpu.memref_slice %arg22[%add3A_242] : memref<324096xf32, #tpu.memory_space<vmem_shared>> -> memref<512xf32, #tpu.memory_space<vmem_shared>>
      %dma_start3A_289 = tpu.memref_slice %arg22[%add3A_242] : memref<324096xf32, #tpu.memory_space<vmem_shared>> -> memref<512xf32, #tpu.memory_space<vmem_shared>>
      tpu.enqueue_dma source(%arg19 : memref<512xf32, #tpu.memory_space<vmem>>) target(%dma_start3A_289 : memref<512xf32, #tpu.memory_space<vmem_shared>>) target_semaphore(%run_scoped3A : memref<!tpu.dma_semaphore, #tpu.memory_space<semaphore_mem>>)
      %dma_wait3A = tpu.memref_slice %arg22[%add3A_242] : memref<324096xf32, #tpu.memory_space<vmem_shared>> -> memref<512xf32, #tpu.memory_space<vmem_shared>>
      %dma_wait3A_290 = tpu.memref_slice %arg22[%add3A_242] : memref<324096xf32, #tpu.memory_space<vmem_shared>> -> memref<512xf32, #tpu.memory_space<vmem_shared>>
      tpu.wait_dma2 semaphore(%run_scoped3A : memref<!tpu.dma_semaphore, #tpu.memory_space<semaphore_mem>>) src(%arg19 : memref<512xf32, #tpu.memory_space<vmem>>) dst(%dma_wait3A_290 : memref<512xf32, #tpu.memory_space<vmem_shared>>)
      tpu.yield
    }) : () -> ()
    %add3A_243 = arith.constant 14848 : i32
    %add3A_244 = arith.addi %mul3A_184, %add3A_243 : i32
    "tpu.region"() ({
      %run_scoped3A = tpu.sem_alloc : memref<!tpu.dma_semaphore, #tpu.memory_space<semaphore_mem>>
      %dma_start3A = tpu.memref_slice %arg22[%add3A_244] : memref<324096xf32, #tpu.memory_space<vmem_shared>> -> memref<512xf32, #tpu.memory_space<vmem_shared>>
      %dma_start3A_289 = tpu.memref_slice %arg22[%add3A_244] : memref<324096xf32, #tpu.memory_space<vmem_shared>> -> memref<512xf32, #tpu.memory_space<vmem_shared>>
      tpu.enqueue_dma source(%arg19 : memref<512xf32, #tpu.memory_space<vmem>>) target(%dma_start3A_289 : memref<512xf32, #tpu.memory_space<vmem_shared>>) target_semaphore(%run_scoped3A : memref<!tpu.dma_semaphore, #tpu.memory_space<semaphore_mem>>)
      %dma_wait3A = tpu.memref_slice %arg22[%add3A_244] : memref<324096xf32, #tpu.memory_space<vmem_shared>> -> memref<512xf32, #tpu.memory_space<vmem_shared>>
      %dma_wait3A_290 = tpu.memref_slice %arg22[%add3A_244] : memref<324096xf32, #tpu.memory_space<vmem_shared>> -> memref<512xf32, #tpu.memory_space<vmem_shared>>
      tpu.wait_dma2 semaphore(%run_scoped3A : memref<!tpu.dma_semaphore, #tpu.memory_space<semaphore_mem>>) src(%arg19 : memref<512xf32, #tpu.memory_space<vmem>>) dst(%dma_wait3A_290 : memref<512xf32, #tpu.memory_space<vmem_shared>>)
      tpu.yield
    }) : () -> ()
    %add3A_245 = arith.constant 15360 : i32
    %add3A_246 = arith.addi %mul3A_184, %add3A_245 : i32
    "tpu.region"() ({
      %run_scoped3A = tpu.sem_alloc : memref<!tpu.dma_semaphore, #tpu.memory_space<semaphore_mem>>
      %dma_start3A = tpu.memref_slice %arg22[%add3A_246] : memref<324096xf32, #tpu.memory_space<vmem_shared>> -> memref<512xf32, #tpu.memory_space<vmem_shared>>
      %dma_start3A_289 = tpu.memref_slice %arg22[%add3A_246] : memref<324096xf32, #tpu.memory_space<vmem_shared>> -> memref<512xf32, #tpu.memory_space<vmem_shared>>
      tpu.enqueue_dma source(%arg19 : memref<512xf32, #tpu.memory_space<vmem>>) target(%dma_start3A_289 : memref<512xf32, #tpu.memory_space<vmem_shared>>) target_semaphore(%run_scoped3A : memref<!tpu.dma_semaphore, #tpu.memory_space<semaphore_mem>>)
      %dma_wait3A = tpu.memref_slice %arg22[%add3A_246] : memref<324096xf32, #tpu.memory_space<vmem_shared>> -> memref<512xf32, #tpu.memory_space<vmem_shared>>
      %dma_wait3A_290 = tpu.memref_slice %arg22[%add3A_246] : memref<324096xf32, #tpu.memory_space<vmem_shared>> -> memref<512xf32, #tpu.memory_space<vmem_shared>>
      tpu.wait_dma2 semaphore(%run_scoped3A : memref<!tpu.dma_semaphore, #tpu.memory_space<semaphore_mem>>) src(%arg19 : memref<512xf32, #tpu.memory_space<vmem>>) dst(%dma_wait3A_290 : memref<512xf32, #tpu.memory_space<vmem_shared>>)
      tpu.yield
    }) : () -> ()
    %add3A_247 = arith.constant 15872 : i32
    %add3A_248 = arith.addi %mul3A_184, %add3A_247 : i32
    "tpu.region"() ({
      %run_scoped3A = tpu.sem_alloc : memref<!tpu.dma_semaphore, #tpu.memory_space<semaphore_mem>>
      %dma_start3A = tpu.memref_slice %arg22[%add3A_248] : memref<324096xf32, #tpu.memory_space<vmem_shared>> -> memref<512xf32, #tpu.memory_space<vmem_shared>>
      %dma_start3A_289 = tpu.memref_slice %arg22[%add3A_248] : memref<324096xf32, #tpu.memory_space<vmem_shared>> -> memref<512xf32, #tpu.memory_space<vmem_shared>>
      tpu.enqueue_dma source(%arg19 : memref<512xf32, #tpu.memory_space<vmem>>) target(%dma_start3A_289 : memref<512xf32, #tpu.memory_space<vmem_shared>>) target_semaphore(%run_scoped3A : memref<!tpu.dma_semaphore, #tpu.memory_space<semaphore_mem>>)
      %dma_wait3A = tpu.memref_slice %arg22[%add3A_248] : memref<324096xf32, #tpu.memory_space<vmem_shared>> -> memref<512xf32, #tpu.memory_space<vmem_shared>>
      %dma_wait3A_290 = tpu.memref_slice %arg22[%add3A_248] : memref<324096xf32, #tpu.memory_space<vmem_shared>> -> memref<512xf32, #tpu.memory_space<vmem_shared>>
      tpu.wait_dma2 semaphore(%run_scoped3A : memref<!tpu.dma_semaphore, #tpu.memory_space<semaphore_mem>>) src(%arg19 : memref<512xf32, #tpu.memory_space<vmem>>) dst(%dma_wait3A_290 : memref<512xf32, #tpu.memory_space<vmem_shared>>)
      tpu.yield
    }) : () -> ()
    %add3A_249 = arith.constant 16384 : i32
    %add3A_250 = arith.addi %mul3A_184, %add3A_249 : i32
    "tpu.region"() ({
      %run_scoped3A = tpu.sem_alloc : memref<!tpu.dma_semaphore, #tpu.memory_space<semaphore_mem>>
      %dma_start3A = tpu.memref_slice %arg22[%add3A_250] : memref<324096xf32, #tpu.memory_space<vmem_shared>> -> memref<512xf32, #tpu.memory_space<vmem_shared>>
      %dma_start3A_289 = tpu.memref_slice %arg22[%add3A_250] : memref<324096xf32, #tpu.memory_space<vmem_shared>> -> memref<512xf32, #tpu.memory_space<vmem_shared>>
      tpu.enqueue_dma source(%arg19 : memref<512xf32, #tpu.memory_space<vmem>>) target(%dma_start3A_289 : memref<512xf32, #tpu.memory_space<vmem_shared>>) target_semaphore(%run_scoped3A : memref<!tpu.dma_semaphore, #tpu.memory_space<semaphore_mem>>)
      %dma_wait3A = tpu.memref_slice %arg22[%add3A_250] : memref<324096xf32, #tpu.memory_space<vmem_shared>> -> memref<512xf32, #tpu.memory_space<vmem_shared>>
      %dma_wait3A_290 = tpu.memref_slice %arg22[%add3A_250] : memref<324096xf32, #tpu.memory_space<vmem_shared>> -> memref<512xf32, #tpu.memory_space<vmem_shared>>
      tpu.wait_dma2 semaphore(%run_scoped3A : memref<!tpu.dma_semaphore, #tpu.memory_space<semaphore_mem>>) src(%arg19 : memref<512xf32, #tpu.memory_space<vmem>>) dst(%dma_wait3A_290 : memref<512xf32, #tpu.memory_space<vmem_shared>>)
      tpu.yield
    }) : () -> ()
    %add3A_251 = arith.constant 16896 : i32
    %add3A_252 = arith.addi %mul3A_184, %add3A_251 : i32
    "tpu.region"() ({
      %run_scoped3A = tpu.sem_alloc : memref<!tpu.dma_semaphore, #tpu.memory_space<semaphore_mem>>
      %dma_start3A = tpu.memref_slice %arg22[%add3A_252] : memref<324096xf32, #tpu.memory_space<vmem_shared>> -> memref<512xf32, #tpu.memory_space<vmem_shared>>
      %dma_start3A_289 = tpu.memref_slice %arg22[%add3A_252] : memref<324096xf32, #tpu.memory_space<vmem_shared>> -> memref<512xf32, #tpu.memory_space<vmem_shared>>
      tpu.enqueue_dma source(%arg19 : memref<512xf32, #tpu.memory_space<vmem>>) target(%dma_start3A_289 : memref<512xf32, #tpu.memory_space<vmem_shared>>) target_semaphore(%run_scoped3A : memref<!tpu.dma_semaphore, #tpu.memory_space<semaphore_mem>>)
      %dma_wait3A = tpu.memref_slice %arg22[%add3A_252] : memref<324096xf32, #tpu.memory_space<vmem_shared>> -> memref<512xf32, #tpu.memory_space<vmem_shared>>
      %dma_wait3A_290 = tpu.memref_slice %arg22[%add3A_252] : memref<324096xf32, #tpu.memory_space<vmem_shared>> -> memref<512xf32, #tpu.memory_space<vmem_shared>>
      tpu.wait_dma2 semaphore(%run_scoped3A : memref<!tpu.dma_semaphore, #tpu.memory_space<semaphore_mem>>) src(%arg19 : memref<512xf32, #tpu.memory_space<vmem>>) dst(%dma_wait3A_290 : memref<512xf32, #tpu.memory_space<vmem_shared>>)
      tpu.yield
    }) : () -> ()
    %add3A_253 = arith.constant 17408 : i32
    %add3A_254 = arith.addi %mul3A_184, %add3A_253 : i32
    "tpu.region"() ({
      %run_scoped3A = tpu.sem_alloc : memref<!tpu.dma_semaphore, #tpu.memory_space<semaphore_mem>>
      %dma_start3A = tpu.memref_slice %arg22[%add3A_254] : memref<324096xf32, #tpu.memory_space<vmem_shared>> -> memref<512xf32, #tpu.memory_space<vmem_shared>>
      %dma_start3A_289 = tpu.memref_slice %arg22[%add3A_254] : memref<324096xf32, #tpu.memory_space<vmem_shared>> -> memref<512xf32, #tpu.memory_space<vmem_shared>>
      tpu.enqueue_dma source(%arg19 : memref<512xf32, #tpu.memory_space<vmem>>) target(%dma_start3A_289 : memref<512xf32, #tpu.memory_space<vmem_shared>>) target_semaphore(%run_scoped3A : memref<!tpu.dma_semaphore, #tpu.memory_space<semaphore_mem>>)
      %dma_wait3A = tpu.memref_slice %arg22[%add3A_254] : memref<324096xf32, #tpu.memory_space<vmem_shared>> -> memref<512xf32, #tpu.memory_space<vmem_shared>>
      %dma_wait3A_290 = tpu.memref_slice %arg22[%add3A_254] : memref<324096xf32, #tpu.memory_space<vmem_shared>> -> memref<512xf32, #tpu.memory_space<vmem_shared>>
      tpu.wait_dma2 semaphore(%run_scoped3A : memref<!tpu.dma_semaphore, #tpu.memory_space<semaphore_mem>>) src(%arg19 : memref<512xf32, #tpu.memory_space<vmem>>) dst(%dma_wait3A_290 : memref<512xf32, #tpu.memory_space<vmem_shared>>)
      tpu.yield
    }) : () -> ()
    %add3A_255 = arith.constant 17920 : i32
    %add3A_256 = arith.addi %mul3A_184, %add3A_255 : i32
    "tpu.region"() ({
      %run_scoped3A = tpu.sem_alloc : memref<!tpu.dma_semaphore, #tpu.memory_space<semaphore_mem>>
      %dma_start3A = tpu.memref_slice %arg22[%add3A_256] : memref<324096xf32, #tpu.memory_space<vmem_shared>> -> memref<512xf32, #tpu.memory_space<vmem_shared>>
      %dma_start3A_289 = tpu.memref_slice %arg22[%add3A_256] : memref<324096xf32, #tpu.memory_space<vmem_shared>> -> memref<512xf32, #tpu.memory_space<vmem_shared>>
      tpu.enqueue_dma source(%arg19 : memref<512xf32, #tpu.memory_space<vmem>>) target(%dma_start3A_289 : memref<512xf32, #tpu.memory_space<vmem_shared>>) target_semaphore(%run_scoped3A : memref<!tpu.dma_semaphore, #tpu.memory_space<semaphore_mem>>)
      %dma_wait3A = tpu.memref_slice %arg22[%add3A_256] : memref<324096xf32, #tpu.memory_space<vmem_shared>> -> memref<512xf32, #tpu.memory_space<vmem_shared>>
      %dma_wait3A_290 = tpu.memref_slice %arg22[%add3A_256] : memref<324096xf32, #tpu.memory_space<vmem_shared>> -> memref<512xf32, #tpu.memory_space<vmem_shared>>
      tpu.wait_dma2 semaphore(%run_scoped3A : memref<!tpu.dma_semaphore, #tpu.memory_space<semaphore_mem>>) src(%arg19 : memref<512xf32, #tpu.memory_space<vmem>>) dst(%dma_wait3A_290 : memref<512xf32, #tpu.memory_space<vmem_shared>>)
      tpu.yield
    }) : () -> ()
    %add3A_257 = arith.constant 18432 : i32
    %add3A_258 = arith.addi %mul3A_184, %add3A_257 : i32
    "tpu.region"() ({
      %run_scoped3A = tpu.sem_alloc : memref<!tpu.dma_semaphore, #tpu.memory_space<semaphore_mem>>
      %dma_start3A = tpu.memref_slice %arg22[%add3A_258] : memref<324096xf32, #tpu.memory_space<vmem_shared>> -> memref<512xf32, #tpu.memory_space<vmem_shared>>
      %dma_start3A_289 = tpu.memref_slice %arg22[%add3A_258] : memref<324096xf32, #tpu.memory_space<vmem_shared>> -> memref<512xf32, #tpu.memory_space<vmem_shared>>
      tpu.enqueue_dma source(%arg19 : memref<512xf32, #tpu.memory_space<vmem>>) target(%dma_start3A_289 : memref<512xf32, #tpu.memory_space<vmem_shared>>) target_semaphore(%run_scoped3A : memref<!tpu.dma_semaphore, #tpu.memory_space<semaphore_mem>>)
      %dma_wait3A = tpu.memref_slice %arg22[%add3A_258] : memref<324096xf32, #tpu.memory_space<vmem_shared>> -> memref<512xf32, #tpu.memory_space<vmem_shared>>
      %dma_wait3A_290 = tpu.memref_slice %arg22[%add3A_258] : memref<324096xf32, #tpu.memory_space<vmem_shared>> -> memref<512xf32, #tpu.memory_space<vmem_shared>>
      tpu.wait_dma2 semaphore(%run_scoped3A : memref<!tpu.dma_semaphore, #tpu.memory_space<semaphore_mem>>) src(%arg19 : memref<512xf32, #tpu.memory_space<vmem>>) dst(%dma_wait3A_290 : memref<512xf32, #tpu.memory_space<vmem_shared>>)
      tpu.yield
    }) : () -> ()
    %add3A_259 = arith.constant 18944 : i32
    %add3A_260 = arith.addi %mul3A_184, %add3A_259 : i32
    "tpu.region"() ({
      %run_scoped3A = tpu.sem_alloc : memref<!tpu.dma_semaphore, #tpu.memory_space<semaphore_mem>>
      %dma_start3A = tpu.memref_slice %arg22[%add3A_260] : memref<324096xf32, #tpu.memory_space<vmem_shared>> -> memref<512xf32, #tpu.memory_space<vmem_shared>>
      %dma_start3A_289 = tpu.memref_slice %arg22[%add3A_260] : memref<324096xf32, #tpu.memory_space<vmem_shared>> -> memref<512xf32, #tpu.memory_space<vmem_shared>>
      tpu.enqueue_dma source(%arg19 : memref<512xf32, #tpu.memory_space<vmem>>) target(%dma_start3A_289 : memref<512xf32, #tpu.memory_space<vmem_shared>>) target_semaphore(%run_scoped3A : memref<!tpu.dma_semaphore, #tpu.memory_space<semaphore_mem>>)
      %dma_wait3A = tpu.memref_slice %arg22[%add3A_260] : memref<324096xf32, #tpu.memory_space<vmem_shared>> -> memref<512xf32, #tpu.memory_space<vmem_shared>>
      %dma_wait3A_290 = tpu.memref_slice %arg22[%add3A_260] : memref<324096xf32, #tpu.memory_space<vmem_shared>> -> memref<512xf32, #tpu.memory_space<vmem_shared>>
      tpu.wait_dma2 semaphore(%run_scoped3A : memref<!tpu.dma_semaphore, #tpu.memory_space<semaphore_mem>>) src(%arg19 : memref<512xf32, #tpu.memory_space<vmem>>) dst(%dma_wait3A_290 : memref<512xf32, #tpu.memory_space<vmem_shared>>)
      tpu.yield
    }) : () -> ()
    %eq3A_261 = arith.constant 15 : i32
    %eq3A_262 = arith.cmpi eq, %arg1, %eq3A_261 : i32
    %convert_element_type3A_263 = arith.extui %eq3A_262 : i1 to i32
    %cond3A_264 = arith.constant 0 : i32
    %cond3A_265 = arith.cmpi ne, %convert_element_type3A_263, %cond3A_264 : i32
    scf.if %cond3A_265 {
      "tpu.region"() ({
        %run_scoped3A = tpu.sem_alloc : memref<!tpu.dma_semaphore, #tpu.memory_space<semaphore_mem>>
        %dma_start3A = arith.constant 311296 : i32
        %dma_start3A_289 = tpu.memref_slice %arg22[%dma_start3A] : memref<324096xf32, #tpu.memory_space<vmem_shared>> -> memref<512xf32, #tpu.memory_space<vmem_shared>>
        %dma_start3A_290 = arith.constant 311296 : i32
        %dma_start3A_291 = tpu.memref_slice %arg22[%dma_start3A_290] : memref<324096xf32, #tpu.memory_space<vmem_shared>> -> memref<512xf32, #tpu.memory_space<vmem_shared>>
        tpu.enqueue_dma source(%arg19 : memref<512xf32, #tpu.memory_space<vmem>>) target(%dma_start3A_291 : memref<512xf32, #tpu.memory_space<vmem_shared>>) target_semaphore(%run_scoped3A : memref<!tpu.dma_semaphore, #tpu.memory_space<semaphore_mem>>)
        %dma_wait3A = arith.constant 311296 : i32
        %dma_wait3A_292 = tpu.memref_slice %arg22[%dma_wait3A] : memref<324096xf32, #tpu.memory_space<vmem_shared>> -> memref<512xf32, #tpu.memory_space<vmem_shared>>
        %dma_wait3A_293 = arith.constant 311296 : i32
        %dma_wait3A_294 = tpu.memref_slice %arg22[%dma_wait3A_293] : memref<324096xf32, #tpu.memory_space<vmem_shared>> -> memref<512xf32, #tpu.memory_space<vmem_shared>>
        tpu.wait_dma2 semaphore(%run_scoped3A : memref<!tpu.dma_semaphore, #tpu.memory_space<semaphore_mem>>) src(%arg19 : memref<512xf32, #tpu.memory_space<vmem>>) dst(%dma_wait3A_294 : memref<512xf32, #tpu.memory_space<vmem_shared>>)
        tpu.yield
      }) : () -> ()
      "tpu.region"() ({
        %run_scoped3A = tpu.sem_alloc : memref<!tpu.dma_semaphore, #tpu.memory_space<semaphore_mem>>
        %dma_start3A = arith.constant 311808 : i32
        %dma_start3A_289 = tpu.memref_slice %arg22[%dma_start3A] : memref<324096xf32, #tpu.memory_space<vmem_shared>> -> memref<512xf32, #tpu.memory_space<vmem_shared>>
        %dma_start3A_290 = arith.constant 311808 : i32
        %dma_start3A_291 = tpu.memref_slice %arg22[%dma_start3A_290] : memref<324096xf32, #tpu.memory_space<vmem_shared>> -> memref<512xf32, #tpu.memory_space<vmem_shared>>
        tpu.enqueue_dma source(%arg19 : memref<512xf32, #tpu.memory_space<vmem>>) target(%dma_start3A_291 : memref<512xf32, #tpu.memory_space<vmem_shared>>) target_semaphore(%run_scoped3A : memref<!tpu.dma_semaphore, #tpu.memory_space<semaphore_mem>>)
        %dma_wait3A = arith.constant 311808 : i32
        %dma_wait3A_292 = tpu.memref_slice %arg22[%dma_wait3A] : memref<324096xf32, #tpu.memory_space<vmem_shared>> -> memref<512xf32, #tpu.memory_space<vmem_shared>>
        %dma_wait3A_293 = arith.constant 311808 : i32
        %dma_wait3A_294 = tpu.memref_slice %arg22[%dma_wait3A_293] : memref<324096xf32, #tpu.memory_space<vmem_shared>> -> memref<512xf32, #tpu.memory_space<vmem_shared>>
        tpu.wait_dma2 semaphore(%run_scoped3A : memref<!tpu.dma_semaphore, #tpu.memory_space<semaphore_mem>>) src(%arg19 : memref<512xf32, #tpu.memory_space<vmem>>) dst(%dma_wait3A_294 : memref<512xf32, #tpu.memory_space<vmem_shared>>)
        tpu.yield
      }) : () -> ()
      "tpu.region"() ({
        %run_scoped3A = tpu.sem_alloc : memref<!tpu.dma_semaphore, #tpu.memory_space<semaphore_mem>>
        %dma_start3A = arith.constant 312320 : i32
        %dma_start3A_289 = tpu.memref_slice %arg22[%dma_start3A] : memref<324096xf32, #tpu.memory_space<vmem_shared>> -> memref<512xf32, #tpu.memory_space<vmem_shared>>
        %dma_start3A_290 = arith.constant 312320 : i32
        %dma_start3A_291 = tpu.memref_slice %arg22[%dma_start3A_290] : memref<324096xf32, #tpu.memory_space<vmem_shared>> -> memref<512xf32, #tpu.memory_space<vmem_shared>>
        tpu.enqueue_dma source(%arg19 : memref<512xf32, #tpu.memory_space<vmem>>) target(%dma_start3A_291 : memref<512xf32, #tpu.memory_space<vmem_shared>>) target_semaphore(%run_scoped3A : memref<!tpu.dma_semaphore, #tpu.memory_space<semaphore_mem>>)
        %dma_wait3A = arith.constant 312320 : i32
        %dma_wait3A_292 = tpu.memref_slice %arg22[%dma_wait3A] : memref<324096xf32, #tpu.memory_space<vmem_shared>> -> memref<512xf32, #tpu.memory_space<vmem_shared>>
        %dma_wait3A_293 = arith.constant 312320 : i32
        %dma_wait3A_294 = tpu.memref_slice %arg22[%dma_wait3A_293] : memref<324096xf32, #tpu.memory_space<vmem_shared>> -> memref<512xf32, #tpu.memory_space<vmem_shared>>
        tpu.wait_dma2 semaphore(%run_scoped3A : memref<!tpu.dma_semaphore, #tpu.memory_space<semaphore_mem>>) src(%arg19 : memref<512xf32, #tpu.memory_space<vmem>>) dst(%dma_wait3A_294 : memref<512xf32, #tpu.memory_space<vmem_shared>>)
        tpu.yield
      }) : () -> ()
      "tpu.region"() ({
        %run_scoped3A = tpu.sem_alloc : memref<!tpu.dma_semaphore, #tpu.memory_space<semaphore_mem>>
        %dma_start3A = arith.constant 312832 : i32
        %dma_start3A_289 = tpu.memref_slice %arg22[%dma_start3A] : memref<324096xf32, #tpu.memory_space<vmem_shared>> -> memref<512xf32, #tpu.memory_space<vmem_shared>>
        %dma_start3A_290 = arith.constant 312832 : i32
        %dma_start3A_291 = tpu.memref_slice %arg22[%dma_start3A_290] : memref<324096xf32, #tpu.memory_space<vmem_shared>> -> memref<512xf32, #tpu.memory_space<vmem_shared>>
        tpu.enqueue_dma source(%arg19 : memref<512xf32, #tpu.memory_space<vmem>>) target(%dma_start3A_291 : memref<512xf32, #tpu.memory_space<vmem_shared>>) target_semaphore(%run_scoped3A : memref<!tpu.dma_semaphore, #tpu.memory_space<semaphore_mem>>)
        %dma_wait3A = arith.constant 312832 : i32
        %dma_wait3A_292 = tpu.memref_slice %arg22[%dma_wait3A] : memref<324096xf32, #tpu.memory_space<vmem_shared>> -> memref<512xf32, #tpu.memory_space<vmem_shared>>
        %dma_wait3A_293 = arith.constant 312832 : i32
        %dma_wait3A_294 = tpu.memref_slice %arg22[%dma_wait3A_293] : memref<324096xf32, #tpu.memory_space<vmem_shared>> -> memref<512xf32, #tpu.memory_space<vmem_shared>>
        tpu.wait_dma2 semaphore(%run_scoped3A : memref<!tpu.dma_semaphore, #tpu.memory_space<semaphore_mem>>) src(%arg19 : memref<512xf32, #tpu.memory_space<vmem>>) dst(%dma_wait3A_294 : memref<512xf32, #tpu.memory_space<vmem_shared>>)
        tpu.yield
      }) : () -> ()
      "tpu.region"() ({
        %run_scoped3A = tpu.sem_alloc : memref<!tpu.dma_semaphore, #tpu.memory_space<semaphore_mem>>
        %dma_start3A = arith.constant 313344 : i32
        %dma_start3A_289 = tpu.memref_slice %arg22[%dma_start3A] : memref<324096xf32, #tpu.memory_space<vmem_shared>> -> memref<512xf32, #tpu.memory_space<vmem_shared>>
        %dma_start3A_290 = arith.constant 313344 : i32
        %dma_start3A_291 = tpu.memref_slice %arg22[%dma_start3A_290] : memref<324096xf32, #tpu.memory_space<vmem_shared>> -> memref<512xf32, #tpu.memory_space<vmem_shared>>
        tpu.enqueue_dma source(%arg19 : memref<512xf32, #tpu.memory_space<vmem>>) target(%dma_start3A_291 : memref<512xf32, #tpu.memory_space<vmem_shared>>) target_semaphore(%run_scoped3A : memref<!tpu.dma_semaphore, #tpu.memory_space<semaphore_mem>>)
        %dma_wait3A = arith.constant 313344 : i32
        %dma_wait3A_292 = tpu.memref_slice %arg22[%dma_wait3A] : memref<324096xf32, #tpu.memory_space<vmem_shared>> -> memref<512xf32, #tpu.memory_space<vmem_shared>>
        %dma_wait3A_293 = arith.constant 313344 : i32
        %dma_wait3A_294 = tpu.memref_slice %arg22[%dma_wait3A_293] : memref<324096xf32, #tpu.memory_space<vmem_shared>> -> memref<512xf32, #tpu.memory_space<vmem_shared>>
        tpu.wait_dma2 semaphore(%run_scoped3A : memref<!tpu.dma_semaphore, #tpu.memory_space<semaphore_mem>>) src(%arg19 : memref<512xf32, #tpu.memory_space<vmem>>) dst(%dma_wait3A_294 : memref<512xf32, #tpu.memory_space<vmem_shared>>)
        tpu.yield
      }) : () -> ()
      "tpu.region"() ({
        %run_scoped3A = tpu.sem_alloc : memref<!tpu.dma_semaphore, #tpu.memory_space<semaphore_mem>>
        %dma_start3A = arith.constant 313856 : i32
        %dma_start3A_289 = tpu.memref_slice %arg22[%dma_start3A] : memref<324096xf32, #tpu.memory_space<vmem_shared>> -> memref<512xf32, #tpu.memory_space<vmem_shared>>
        %dma_start3A_290 = arith.constant 313856 : i32
        %dma_start3A_291 = tpu.memref_slice %arg22[%dma_start3A_290] : memref<324096xf32, #tpu.memory_space<vmem_shared>> -> memref<512xf32, #tpu.memory_space<vmem_shared>>
        tpu.enqueue_dma source(%arg19 : memref<512xf32, #tpu.memory_space<vmem>>) target(%dma_start3A_291 : memref<512xf32, #tpu.memory_space<vmem_shared>>) target_semaphore(%run_scoped3A : memref<!tpu.dma_semaphore, #tpu.memory_space<semaphore_mem>>)
        %dma_wait3A = arith.constant 313856 : i32
        %dma_wait3A_292 = tpu.memref_slice %arg22[%dma_wait3A] : memref<324096xf32, #tpu.memory_space<vmem_shared>> -> memref<512xf32, #tpu.memory_space<vmem_shared>>
        %dma_wait3A_293 = arith.constant 313856 : i32
        %dma_wait3A_294 = tpu.memref_slice %arg22[%dma_wait3A_293] : memref<324096xf32, #tpu.memory_space<vmem_shared>> -> memref<512xf32, #tpu.memory_space<vmem_shared>>
        tpu.wait_dma2 semaphore(%run_scoped3A : memref<!tpu.dma_semaphore, #tpu.memory_space<semaphore_mem>>) src(%arg19 : memref<512xf32, #tpu.memory_space<vmem>>) dst(%dma_wait3A_294 : memref<512xf32, #tpu.memory_space<vmem_shared>>)
        tpu.yield
      }) : () -> ()
      "tpu.region"() ({
        %run_scoped3A = tpu.sem_alloc : memref<!tpu.dma_semaphore, #tpu.memory_space<semaphore_mem>>
        %dma_start3A = arith.constant 314368 : i32
        %dma_start3A_289 = tpu.memref_slice %arg22[%dma_start3A] : memref<324096xf32, #tpu.memory_space<vmem_shared>> -> memref<512xf32, #tpu.memory_space<vmem_shared>>
        %dma_start3A_290 = arith.constant 314368 : i32
        %dma_start3A_291 = tpu.memref_slice %arg22[%dma_start3A_290] : memref<324096xf32, #tpu.memory_space<vmem_shared>> -> memref<512xf32, #tpu.memory_space<vmem_shared>>
        tpu.enqueue_dma source(%arg19 : memref<512xf32, #tpu.memory_space<vmem>>) target(%dma_start3A_291 : memref<512xf32, #tpu.memory_space<vmem_shared>>) target_semaphore(%run_scoped3A : memref<!tpu.dma_semaphore, #tpu.memory_space<semaphore_mem>>)
        %dma_wait3A = arith.constant 314368 : i32
        %dma_wait3A_292 = tpu.memref_slice %arg22[%dma_wait3A] : memref<324096xf32, #tpu.memory_space<vmem_shared>> -> memref<512xf32, #tpu.memory_space<vmem_shared>>
        %dma_wait3A_293 = arith.constant 314368 : i32
        %dma_wait3A_294 = tpu.memref_slice %arg22[%dma_wait3A_293] : memref<324096xf32, #tpu.memory_space<vmem_shared>> -> memref<512xf32, #tpu.memory_space<vmem_shared>>
        tpu.wait_dma2 semaphore(%run_scoped3A : memref<!tpu.dma_semaphore, #tpu.memory_space<semaphore_mem>>) src(%arg19 : memref<512xf32, #tpu.memory_space<vmem>>) dst(%dma_wait3A_294 : memref<512xf32, #tpu.memory_space<vmem_shared>>)
        tpu.yield
      }) : () -> ()
      "tpu.region"() ({
        %run_scoped3A = tpu.sem_alloc : memref<!tpu.dma_semaphore, #tpu.memory_space<semaphore_mem>>
        %dma_start3A = arith.constant 314880 : i32
        %dma_start3A_289 = tpu.memref_slice %arg22[%dma_start3A] : memref<324096xf32, #tpu.memory_space<vmem_shared>> -> memref<512xf32, #tpu.memory_space<vmem_shared>>
        %dma_start3A_290 = arith.constant 314880 : i32
        %dma_start3A_291 = tpu.memref_slice %arg22[%dma_start3A_290] : memref<324096xf32, #tpu.memory_space<vmem_shared>> -> memref<512xf32, #tpu.memory_space<vmem_shared>>
        tpu.enqueue_dma source(%arg19 : memref<512xf32, #tpu.memory_space<vmem>>) target(%dma_start3A_291 : memref<512xf32, #tpu.memory_space<vmem_shared>>) target_semaphore(%run_scoped3A : memref<!tpu.dma_semaphore, #tpu.memory_space<semaphore_mem>>)
        %dma_wait3A = arith.constant 314880 : i32
        %dma_wait3A_292 = tpu.memref_slice %arg22[%dma_wait3A] : memref<324096xf32, #tpu.memory_space<vmem_shared>> -> memref<512xf32, #tpu.memory_space<vmem_shared>>
        %dma_wait3A_293 = arith.constant 314880 : i32
        %dma_wait3A_294 = tpu.memref_slice %arg22[%dma_wait3A_293] : memref<324096xf32, #tpu.memory_space<vmem_shared>> -> memref<512xf32, #tpu.memory_space<vmem_shared>>
        tpu.wait_dma2 semaphore(%run_scoped3A : memref<!tpu.dma_semaphore, #tpu.memory_space<semaphore_mem>>) src(%arg19 : memref<512xf32, #tpu.memory_space<vmem>>) dst(%dma_wait3A_294 : memref<512xf32, #tpu.memory_space<vmem_shared>>)
        tpu.yield
      }) : () -> ()
      "tpu.region"() ({
        %run_scoped3A = tpu.sem_alloc : memref<!tpu.dma_semaphore, #tpu.memory_space<semaphore_mem>>
        %dma_start3A = arith.constant 315392 : i32
        %dma_start3A_289 = tpu.memref_slice %arg22[%dma_start3A] : memref<324096xf32, #tpu.memory_space<vmem_shared>> -> memref<512xf32, #tpu.memory_space<vmem_shared>>
        %dma_start3A_290 = arith.constant 315392 : i32
        %dma_start3A_291 = tpu.memref_slice %arg22[%dma_start3A_290] : memref<324096xf32, #tpu.memory_space<vmem_shared>> -> memref<512xf32, #tpu.memory_space<vmem_shared>>
        tpu.enqueue_dma source(%arg19 : memref<512xf32, #tpu.memory_space<vmem>>) target(%dma_start3A_291 : memref<512xf32, #tpu.memory_space<vmem_shared>>) target_semaphore(%run_scoped3A : memref<!tpu.dma_semaphore, #tpu.memory_space<semaphore_mem>>)
        %dma_wait3A = arith.constant 315392 : i32
        %dma_wait3A_292 = tpu.memref_slice %arg22[%dma_wait3A] : memref<324096xf32, #tpu.memory_space<vmem_shared>> -> memref<512xf32, #tpu.memory_space<vmem_shared>>
        %dma_wait3A_293 = arith.constant 315392 : i32
        %dma_wait3A_294 = tpu.memref_slice %arg22[%dma_wait3A_293] : memref<324096xf32, #tpu.memory_space<vmem_shared>> -> memref<512xf32, #tpu.memory_space<vmem_shared>>
        tpu.wait_dma2 semaphore(%run_scoped3A : memref<!tpu.dma_semaphore, #tpu.memory_space<semaphore_mem>>) src(%arg19 : memref<512xf32, #tpu.memory_space<vmem>>) dst(%dma_wait3A_294 : memref<512xf32, #tpu.memory_space<vmem_shared>>)
        tpu.yield
      }) : () -> ()
      "tpu.region"() ({
        %run_scoped3A = tpu.sem_alloc : memref<!tpu.dma_semaphore, #tpu.memory_space<semaphore_mem>>
        %dma_start3A = arith.constant 315904 : i32
        %dma_start3A_289 = tpu.memref_slice %arg22[%dma_start3A] : memref<324096xf32, #tpu.memory_space<vmem_shared>> -> memref<512xf32, #tpu.memory_space<vmem_shared>>
        %dma_start3A_290 = arith.constant 315904 : i32
        %dma_start3A_291 = tpu.memref_slice %arg22[%dma_start3A_290] : memref<324096xf32, #tpu.memory_space<vmem_shared>> -> memref<512xf32, #tpu.memory_space<vmem_shared>>
        tpu.enqueue_dma source(%arg19 : memref<512xf32, #tpu.memory_space<vmem>>) target(%dma_start3A_291 : memref<512xf32, #tpu.memory_space<vmem_shared>>) target_semaphore(%run_scoped3A : memref<!tpu.dma_semaphore, #tpu.memory_space<semaphore_mem>>)
        %dma_wait3A = arith.constant 315904 : i32
        %dma_wait3A_292 = tpu.memref_slice %arg22[%dma_wait3A] : memref<324096xf32, #tpu.memory_space<vmem_shared>> -> memref<512xf32, #tpu.memory_space<vmem_shared>>
        %dma_wait3A_293 = arith.constant 315904 : i32
        %dma_wait3A_294 = tpu.memref_slice %arg22[%dma_wait3A_293] : memref<324096xf32, #tpu.memory_space<vmem_shared>> -> memref<512xf32, #tpu.memory_space<vmem_shared>>
        tpu.wait_dma2 semaphore(%run_scoped3A : memref<!tpu.dma_semaphore, #tpu.memory_space<semaphore_mem>>) src(%arg19 : memref<512xf32, #tpu.memory_space<vmem>>) dst(%dma_wait3A_294 : memref<512xf32, #tpu.memory_space<vmem_shared>>)
        tpu.yield
      }) : () -> ()
      "tpu.region"() ({
        %run_scoped3A = tpu.sem_alloc : memref<!tpu.dma_semaphore, #tpu.memory_space<semaphore_mem>>
        %dma_start3A = arith.constant 316416 : i32
        %dma_start3A_289 = tpu.memref_slice %arg22[%dma_start3A] : memref<324096xf32, #tpu.memory_space<vmem_shared>> -> memref<512xf32, #tpu.memory_space<vmem_shared>>
        %dma_start3A_290 = arith.constant 316416 : i32
        %dma_start3A_291 = tpu.memref_slice %arg22[%dma_start3A_290] : memref<324096xf32, #tpu.memory_space<vmem_shared>> -> memref<512xf32, #tpu.memory_space<vmem_shared>>
        tpu.enqueue_dma source(%arg19 : memref<512xf32, #tpu.memory_space<vmem>>) target(%dma_start3A_291 : memref<512xf32, #tpu.memory_space<vmem_shared>>) target_semaphore(%run_scoped3A : memref<!tpu.dma_semaphore, #tpu.memory_space<semaphore_mem>>)
        %dma_wait3A = arith.constant 316416 : i32
        %dma_wait3A_292 = tpu.memref_slice %arg22[%dma_wait3A] : memref<324096xf32, #tpu.memory_space<vmem_shared>> -> memref<512xf32, #tpu.memory_space<vmem_shared>>
        %dma_wait3A_293 = arith.constant 316416 : i32
        %dma_wait3A_294 = tpu.memref_slice %arg22[%dma_wait3A_293] : memref<324096xf32, #tpu.memory_space<vmem_shared>> -> memref<512xf32, #tpu.memory_space<vmem_shared>>
        tpu.wait_dma2 semaphore(%run_scoped3A : memref<!tpu.dma_semaphore, #tpu.memory_space<semaphore_mem>>) src(%arg19 : memref<512xf32, #tpu.memory_space<vmem>>) dst(%dma_wait3A_294 : memref<512xf32, #tpu.memory_space<vmem_shared>>)
        tpu.yield
      }) : () -> ()
      "tpu.region"() ({
        %run_scoped3A = tpu.sem_alloc : memref<!tpu.dma_semaphore, #tpu.memory_space<semaphore_mem>>
        %dma_start3A = arith.constant 316928 : i32
        %dma_start3A_289 = tpu.memref_slice %arg22[%dma_start3A] : memref<324096xf32, #tpu.memory_space<vmem_shared>> -> memref<512xf32, #tpu.memory_space<vmem_shared>>
        %dma_start3A_290 = arith.constant 316928 : i32
        %dma_start3A_291 = tpu.memref_slice %arg22[%dma_start3A_290] : memref<324096xf32, #tpu.memory_space<vmem_shared>> -> memref<512xf32, #tpu.memory_space<vmem_shared>>
        tpu.enqueue_dma source(%arg19 : memref<512xf32, #tpu.memory_space<vmem>>) target(%dma_start3A_291 : memref<512xf32, #tpu.memory_space<vmem_shared>>) target_semaphore(%run_scoped3A : memref<!tpu.dma_semaphore, #tpu.memory_space<semaphore_mem>>)
        %dma_wait3A = arith.constant 316928 : i32
        %dma_wait3A_292 = tpu.memref_slice %arg22[%dma_wait3A] : memref<324096xf32, #tpu.memory_space<vmem_shared>> -> memref<512xf32, #tpu.memory_space<vmem_shared>>
        %dma_wait3A_293 = arith.constant 316928 : i32
        %dma_wait3A_294 = tpu.memref_slice %arg22[%dma_wait3A_293] : memref<324096xf32, #tpu.memory_space<vmem_shared>> -> memref<512xf32, #tpu.memory_space<vmem_shared>>
        tpu.wait_dma2 semaphore(%run_scoped3A : memref<!tpu.dma_semaphore, #tpu.memory_space<semaphore_mem>>) src(%arg19 : memref<512xf32, #tpu.memory_space<vmem>>) dst(%dma_wait3A_294 : memref<512xf32, #tpu.memory_space<vmem_shared>>)
        tpu.yield
      }) : () -> ()
      "tpu.region"() ({
        %run_scoped3A = tpu.sem_alloc : memref<!tpu.dma_semaphore, #tpu.memory_space<semaphore_mem>>
        %dma_start3A = arith.constant 317440 : i32
        %dma_start3A_289 = tpu.memref_slice %arg22[%dma_start3A] : memref<324096xf32, #tpu.memory_space<vmem_shared>> -> memref<512xf32, #tpu.memory_space<vmem_shared>>
        %dma_start3A_290 = arith.constant 317440 : i32
        %dma_start3A_291 = tpu.memref_slice %arg22[%dma_start3A_290] : memref<324096xf32, #tpu.memory_space<vmem_shared>> -> memref<512xf32, #tpu.memory_space<vmem_shared>>
        tpu.enqueue_dma source(%arg19 : memref<512xf32, #tpu.memory_space<vmem>>) target(%dma_start3A_291 : memref<512xf32, #tpu.memory_space<vmem_shared>>) target_semaphore(%run_scoped3A : memref<!tpu.dma_semaphore, #tpu.memory_space<semaphore_mem>>)
        %dma_wait3A = arith.constant 317440 : i32
        %dma_wait3A_292 = tpu.memref_slice %arg22[%dma_wait3A] : memref<324096xf32, #tpu.memory_space<vmem_shared>> -> memref<512xf32, #tpu.memory_space<vmem_shared>>
        %dma_wait3A_293 = arith.constant 317440 : i32
        %dma_wait3A_294 = tpu.memref_slice %arg22[%dma_wait3A_293] : memref<324096xf32, #tpu.memory_space<vmem_shared>> -> memref<512xf32, #tpu.memory_space<vmem_shared>>
        tpu.wait_dma2 semaphore(%run_scoped3A : memref<!tpu.dma_semaphore, #tpu.memory_space<semaphore_mem>>) src(%arg19 : memref<512xf32, #tpu.memory_space<vmem>>) dst(%dma_wait3A_294 : memref<512xf32, #tpu.memory_space<vmem_shared>>)
        tpu.yield
      }) : () -> ()
      "tpu.region"() ({
        %run_scoped3A = tpu.sem_alloc : memref<!tpu.dma_semaphore, #tpu.memory_space<semaphore_mem>>
        %dma_start3A = arith.constant 317952 : i32
        %dma_start3A_289 = tpu.memref_slice %arg22[%dma_start3A] : memref<324096xf32, #tpu.memory_space<vmem_shared>> -> memref<512xf32, #tpu.memory_space<vmem_shared>>
        %dma_start3A_290 = arith.constant 317952 : i32
        %dma_start3A_291 = tpu.memref_slice %arg22[%dma_start3A_290] : memref<324096xf32, #tpu.memory_space<vmem_shared>> -> memref<512xf32, #tpu.memory_space<vmem_shared>>
        tpu.enqueue_dma source(%arg19 : memref<512xf32, #tpu.memory_space<vmem>>) target(%dma_start3A_291 : memref<512xf32, #tpu.memory_space<vmem_shared>>) target_semaphore(%run_scoped3A : memref<!tpu.dma_semaphore, #tpu.memory_space<semaphore_mem>>)
        %dma_wait3A = arith.constant 317952 : i32
        %dma_wait3A_292 = tpu.memref_slice %arg22[%dma_wait3A] : memref<324096xf32, #tpu.memory_space<vmem_shared>> -> memref<512xf32, #tpu.memory_space<vmem_shared>>
        %dma_wait3A_293 = arith.constant 317952 : i32
        %dma_wait3A_294 = tpu.memref_slice %arg22[%dma_wait3A_293] : memref<324096xf32, #tpu.memory_space<vmem_shared>> -> memref<512xf32, #tpu.memory_space<vmem_shared>>
        tpu.wait_dma2 semaphore(%run_scoped3A : memref<!tpu.dma_semaphore, #tpu.memory_space<semaphore_mem>>) src(%arg19 : memref<512xf32, #tpu.memory_space<vmem>>) dst(%dma_wait3A_294 : memref<512xf32, #tpu.memory_space<vmem_shared>>)
        tpu.yield
      }) : () -> ()
      "tpu.region"() ({
        %run_scoped3A = tpu.sem_alloc : memref<!tpu.dma_semaphore, #tpu.memory_space<semaphore_mem>>
        %dma_start3A = arith.constant 318464 : i32
        %dma_start3A_289 = tpu.memref_slice %arg22[%dma_start3A] : memref<324096xf32, #tpu.memory_space<vmem_shared>> -> memref<512xf32, #tpu.memory_space<vmem_shared>>
        %dma_start3A_290 = arith.constant 318464 : i32
        %dma_start3A_291 = tpu.memref_slice %arg22[%dma_start3A_290] : memref<324096xf32, #tpu.memory_space<vmem_shared>> -> memref<512xf32, #tpu.memory_space<vmem_shared>>
        tpu.enqueue_dma source(%arg19 : memref<512xf32, #tpu.memory_space<vmem>>) target(%dma_start3A_291 : memref<512xf32, #tpu.memory_space<vmem_shared>>) target_semaphore(%run_scoped3A : memref<!tpu.dma_semaphore, #tpu.memory_space<semaphore_mem>>)
        %dma_wait3A = arith.constant 318464 : i32
        %dma_wait3A_292 = tpu.memref_slice %arg22[%dma_wait3A] : memref<324096xf32, #tpu.memory_space<vmem_shared>> -> memref<512xf32, #tpu.memory_space<vmem_shared>>
        %dma_wait3A_293 = arith.constant 318464 : i32
        %dma_wait3A_294 = tpu.memref_slice %arg22[%dma_wait3A_293] : memref<324096xf32, #tpu.memory_space<vmem_shared>> -> memref<512xf32, #tpu.memory_space<vmem_shared>>
        tpu.wait_dma2 semaphore(%run_scoped3A : memref<!tpu.dma_semaphore, #tpu.memory_space<semaphore_mem>>) src(%arg19 : memref<512xf32, #tpu.memory_space<vmem>>) dst(%dma_wait3A_294 : memref<512xf32, #tpu.memory_space<vmem_shared>>)
        tpu.yield
      }) : () -> ()
      "tpu.region"() ({
        %run_scoped3A = tpu.sem_alloc : memref<!tpu.dma_semaphore, #tpu.memory_space<semaphore_mem>>
        %dma_start3A = arith.constant 318976 : i32
        %dma_start3A_289 = tpu.memref_slice %arg22[%dma_start3A] : memref<324096xf32, #tpu.memory_space<vmem_shared>> -> memref<512xf32, #tpu.memory_space<vmem_shared>>
        %dma_start3A_290 = arith.constant 318976 : i32
        %dma_start3A_291 = tpu.memref_slice %arg22[%dma_start3A_290] : memref<324096xf32, #tpu.memory_space<vmem_shared>> -> memref<512xf32, #tpu.memory_space<vmem_shared>>
        tpu.enqueue_dma source(%arg19 : memref<512xf32, #tpu.memory_space<vmem>>) target(%dma_start3A_291 : memref<512xf32, #tpu.memory_space<vmem_shared>>) target_semaphore(%run_scoped3A : memref<!tpu.dma_semaphore, #tpu.memory_space<semaphore_mem>>)
        %dma_wait3A = arith.constant 318976 : i32
        %dma_wait3A_292 = tpu.memref_slice %arg22[%dma_wait3A] : memref<324096xf32, #tpu.memory_space<vmem_shared>> -> memref<512xf32, #tpu.memory_space<vmem_shared>>
        %dma_wait3A_293 = arith.constant 318976 : i32
        %dma_wait3A_294 = tpu.memref_slice %arg22[%dma_wait3A_293] : memref<324096xf32, #tpu.memory_space<vmem_shared>> -> memref<512xf32, #tpu.memory_space<vmem_shared>>
        tpu.wait_dma2 semaphore(%run_scoped3A : memref<!tpu.dma_semaphore, #tpu.memory_space<semaphore_mem>>) src(%arg19 : memref<512xf32, #tpu.memory_space<vmem>>) dst(%dma_wait3A_294 : memref<512xf32, #tpu.memory_space<vmem_shared>>)
        tpu.yield
      }) : () -> ()
      "tpu.region"() ({
        %run_scoped3A = tpu.sem_alloc : memref<!tpu.dma_semaphore, #tpu.memory_space<semaphore_mem>>
        %dma_start3A = arith.constant 319488 : i32
        %dma_start3A_289 = tpu.memref_slice %arg22[%dma_start3A] : memref<324096xf32, #tpu.memory_space<vmem_shared>> -> memref<512xf32, #tpu.memory_space<vmem_shared>>
        %dma_start3A_290 = arith.constant 319488 : i32
        %dma_start3A_291 = tpu.memref_slice %arg22[%dma_start3A_290] : memref<324096xf32, #tpu.memory_space<vmem_shared>> -> memref<512xf32, #tpu.memory_space<vmem_shared>>
        tpu.enqueue_dma source(%arg19 : memref<512xf32, #tpu.memory_space<vmem>>) target(%dma_start3A_291 : memref<512xf32, #tpu.memory_space<vmem_shared>>) target_semaphore(%run_scoped3A : memref<!tpu.dma_semaphore, #tpu.memory_space<semaphore_mem>>)
        %dma_wait3A = arith.constant 319488 : i32
        %dma_wait3A_292 = tpu.memref_slice %arg22[%dma_wait3A] : memref<324096xf32, #tpu.memory_space<vmem_shared>> -> memref<512xf32, #tpu.memory_space<vmem_shared>>
        %dma_wait3A_293 = arith.constant 319488 : i32
        %dma_wait3A_294 = tpu.memref_slice %arg22[%dma_wait3A_293] : memref<324096xf32, #tpu.memory_space<vmem_shared>> -> memref<512xf32, #tpu.memory_space<vmem_shared>>
        tpu.wait_dma2 semaphore(%run_scoped3A : memref<!tpu.dma_semaphore, #tpu.memory_space<semaphore_mem>>) src(%arg19 : memref<512xf32, #tpu.memory_space<vmem>>) dst(%dma_wait3A_294 : memref<512xf32, #tpu.memory_space<vmem_shared>>)
        tpu.yield
      }) : () -> ()
      "tpu.region"() ({
        %run_scoped3A = tpu.sem_alloc : memref<!tpu.dma_semaphore, #tpu.memory_space<semaphore_mem>>
        %dma_start3A = arith.constant 320000 : i32
        %dma_start3A_289 = tpu.memref_slice %arg22[%dma_start3A] : memref<324096xf32, #tpu.memory_space<vmem_shared>> -> memref<512xf32, #tpu.memory_space<vmem_shared>>
        %dma_start3A_290 = arith.constant 320000 : i32
        %dma_start3A_291 = tpu.memref_slice %arg22[%dma_start3A_290] : memref<324096xf32, #tpu.memory_space<vmem_shared>> -> memref<512xf32, #tpu.memory_space<vmem_shared>>
        tpu.enqueue_dma source(%arg19 : memref<512xf32, #tpu.memory_space<vmem>>) target(%dma_start3A_291 : memref<512xf32, #tpu.memory_space<vmem_shared>>) target_semaphore(%run_scoped3A : memref<!tpu.dma_semaphore, #tpu.memory_space<semaphore_mem>>)
        %dma_wait3A = arith.constant 320000 : i32
        %dma_wait3A_292 = tpu.memref_slice %arg22[%dma_wait3A] : memref<324096xf32, #tpu.memory_space<vmem_shared>> -> memref<512xf32, #tpu.memory_space<vmem_shared>>
        %dma_wait3A_293 = arith.constant 320000 : i32
        %dma_wait3A_294 = tpu.memref_slice %arg22[%dma_wait3A_293] : memref<324096xf32, #tpu.memory_space<vmem_shared>> -> memref<512xf32, #tpu.memory_space<vmem_shared>>
        tpu.wait_dma2 semaphore(%run_scoped3A : memref<!tpu.dma_semaphore, #tpu.memory_space<semaphore_mem>>) src(%arg19 : memref<512xf32, #tpu.memory_space<vmem>>) dst(%dma_wait3A_294 : memref<512xf32, #tpu.memory_space<vmem_shared>>)
        tpu.yield
      }) : () -> ()
      "tpu.region"() ({
        %run_scoped3A = tpu.sem_alloc : memref<!tpu.dma_semaphore, #tpu.memory_space<semaphore_mem>>
        %dma_start3A = arith.constant 320512 : i32
        %dma_start3A_289 = tpu.memref_slice %arg22[%dma_start3A] : memref<324096xf32, #tpu.memory_space<vmem_shared>> -> memref<512xf32, #tpu.memory_space<vmem_shared>>
        %dma_start3A_290 = arith.constant 320512 : i32
        %dma_start3A_291 = tpu.memref_slice %arg22[%dma_start3A_290] : memref<324096xf32, #tpu.memory_space<vmem_shared>> -> memref<512xf32, #tpu.memory_space<vmem_shared>>
        tpu.enqueue_dma source(%arg19 : memref<512xf32, #tpu.memory_space<vmem>>) target(%dma_start3A_291 : memref<512xf32, #tpu.memory_space<vmem_shared>>) target_semaphore(%run_scoped3A : memref<!tpu.dma_semaphore, #tpu.memory_space<semaphore_mem>>)
        %dma_wait3A = arith.constant 320512 : i32
        %dma_wait3A_292 = tpu.memref_slice %arg22[%dma_wait3A] : memref<324096xf32, #tpu.memory_space<vmem_shared>> -> memref<512xf32, #tpu.memory_space<vmem_shared>>
        %dma_wait3A_293 = arith.constant 320512 : i32
        %dma_wait3A_294 = tpu.memref_slice %arg22[%dma_wait3A_293] : memref<324096xf32, #tpu.memory_space<vmem_shared>> -> memref<512xf32, #tpu.memory_space<vmem_shared>>
        tpu.wait_dma2 semaphore(%run_scoped3A : memref<!tpu.dma_semaphore, #tpu.memory_space<semaphore_mem>>) src(%arg19 : memref<512xf32, #tpu.memory_space<vmem>>) dst(%dma_wait3A_294 : memref<512xf32, #tpu.memory_space<vmem_shared>>)
        tpu.yield
      }) : () -> ()
      "tpu.region"() ({
        %run_scoped3A = tpu.sem_alloc : memref<!tpu.dma_semaphore, #tpu.memory_space<semaphore_mem>>
        %dma_start3A = arith.constant 321024 : i32
        %dma_start3A_289 = tpu.memref_slice %arg22[%dma_start3A] : memref<324096xf32, #tpu.memory_space<vmem_shared>> -> memref<512xf32, #tpu.memory_space<vmem_shared>>
        %dma_start3A_290 = arith.constant 321024 : i32
        %dma_start3A_291 = tpu.memref_slice %arg22[%dma_start3A_290] : memref<324096xf32, #tpu.memory_space<vmem_shared>> -> memref<512xf32, #tpu.memory_space<vmem_shared>>
        tpu.enqueue_dma source(%arg19 : memref<512xf32, #tpu.memory_space<vmem>>) target(%dma_start3A_291 : memref<512xf32, #tpu.memory_space<vmem_shared>>) target_semaphore(%run_scoped3A : memref<!tpu.dma_semaphore, #tpu.memory_space<semaphore_mem>>)
        %dma_wait3A = arith.constant 321024 : i32
        %dma_wait3A_292 = tpu.memref_slice %arg22[%dma_wait3A] : memref<324096xf32, #tpu.memory_space<vmem_shared>> -> memref<512xf32, #tpu.memory_space<vmem_shared>>
        %dma_wait3A_293 = arith.constant 321024 : i32
        %dma_wait3A_294 = tpu.memref_slice %arg22[%dma_wait3A_293] : memref<324096xf32, #tpu.memory_space<vmem_shared>> -> memref<512xf32, #tpu.memory_space<vmem_shared>>
        tpu.wait_dma2 semaphore(%run_scoped3A : memref<!tpu.dma_semaphore, #tpu.memory_space<semaphore_mem>>) src(%arg19 : memref<512xf32, #tpu.memory_space<vmem>>) dst(%dma_wait3A_294 : memref<512xf32, #tpu.memory_space<vmem_shared>>)
        tpu.yield
      }) : () -> ()
      "tpu.region"() ({
        %run_scoped3A = tpu.sem_alloc : memref<!tpu.dma_semaphore, #tpu.memory_space<semaphore_mem>>
        %dma_start3A = arith.constant 321536 : i32
        %dma_start3A_289 = tpu.memref_slice %arg22[%dma_start3A] : memref<324096xf32, #tpu.memory_space<vmem_shared>> -> memref<512xf32, #tpu.memory_space<vmem_shared>>
        %dma_start3A_290 = arith.constant 321536 : i32
        %dma_start3A_291 = tpu.memref_slice %arg22[%dma_start3A_290] : memref<324096xf32, #tpu.memory_space<vmem_shared>> -> memref<512xf32, #tpu.memory_space<vmem_shared>>
        tpu.enqueue_dma source(%arg19 : memref<512xf32, #tpu.memory_space<vmem>>) target(%dma_start3A_291 : memref<512xf32, #tpu.memory_space<vmem_shared>>) target_semaphore(%run_scoped3A : memref<!tpu.dma_semaphore, #tpu.memory_space<semaphore_mem>>)
        %dma_wait3A = arith.constant 321536 : i32
        %dma_wait3A_292 = tpu.memref_slice %arg22[%dma_wait3A] : memref<324096xf32, #tpu.memory_space<vmem_shared>> -> memref<512xf32, #tpu.memory_space<vmem_shared>>
        %dma_wait3A_293 = arith.constant 321536 : i32
        %dma_wait3A_294 = tpu.memref_slice %arg22[%dma_wait3A_293] : memref<324096xf32, #tpu.memory_space<vmem_shared>> -> memref<512xf32, #tpu.memory_space<vmem_shared>>
        tpu.wait_dma2 semaphore(%run_scoped3A : memref<!tpu.dma_semaphore, #tpu.memory_space<semaphore_mem>>) src(%arg19 : memref<512xf32, #tpu.memory_space<vmem>>) dst(%dma_wait3A_294 : memref<512xf32, #tpu.memory_space<vmem_shared>>)
        tpu.yield
      }) : () -> ()
      "tpu.region"() ({
        %run_scoped3A = tpu.sem_alloc : memref<!tpu.dma_semaphore, #tpu.memory_space<semaphore_mem>>
        %dma_start3A = arith.constant 322048 : i32
        %dma_start3A_289 = tpu.memref_slice %arg22[%dma_start3A] : memref<324096xf32, #tpu.memory_space<vmem_shared>> -> memref<512xf32, #tpu.memory_space<vmem_shared>>
        %dma_start3A_290 = arith.constant 322048 : i32
        %dma_start3A_291 = tpu.memref_slice %arg22[%dma_start3A_290] : memref<324096xf32, #tpu.memory_space<vmem_shared>> -> memref<512xf32, #tpu.memory_space<vmem_shared>>
        tpu.enqueue_dma source(%arg19 : memref<512xf32, #tpu.memory_space<vmem>>) target(%dma_start3A_291 : memref<512xf32, #tpu.memory_space<vmem_shared>>) target_semaphore(%run_scoped3A : memref<!tpu.dma_semaphore, #tpu.memory_space<semaphore_mem>>)
        %dma_wait3A = arith.constant 322048 : i32
        %dma_wait3A_292 = tpu.memref_slice %arg22[%dma_wait3A] : memref<324096xf32, #tpu.memory_space<vmem_shared>> -> memref<512xf32, #tpu.memory_space<vmem_shared>>
        %dma_wait3A_293 = arith.constant 322048 : i32
        %dma_wait3A_294 = tpu.memref_slice %arg22[%dma_wait3A_293] : memref<324096xf32, #tpu.memory_space<vmem_shared>> -> memref<512xf32, #tpu.memory_space<vmem_shared>>
        tpu.wait_dma2 semaphore(%run_scoped3A : memref<!tpu.dma_semaphore, #tpu.memory_space<semaphore_mem>>) src(%arg19 : memref<512xf32, #tpu.memory_space<vmem>>) dst(%dma_wait3A_294 : memref<512xf32, #tpu.memory_space<vmem_shared>>)
        tpu.yield
      }) : () -> ()
      "tpu.region"() ({
        %run_scoped3A = tpu.sem_alloc : memref<!tpu.dma_semaphore, #tpu.memory_space<semaphore_mem>>
        %dma_start3A = arith.constant 322560 : i32
        %dma_start3A_289 = tpu.memref_slice %arg22[%dma_start3A] : memref<324096xf32, #tpu.memory_space<vmem_shared>> -> memref<512xf32, #tpu.memory_space<vmem_shared>>
        %dma_start3A_290 = arith.constant 322560 : i32
        %dma_start3A_291 = tpu.memref_slice %arg22[%dma_start3A_290] : memref<324096xf32, #tpu.memory_space<vmem_shared>> -> memref<512xf32, #tpu.memory_space<vmem_shared>>
        tpu.enqueue_dma source(%arg19 : memref<512xf32, #tpu.memory_space<vmem>>) target(%dma_start3A_291 : memref<512xf32, #tpu.memory_space<vmem_shared>>) target_semaphore(%run_scoped3A : memref<!tpu.dma_semaphore, #tpu.memory_space<semaphore_mem>>)
        %dma_wait3A = arith.constant 322560 : i32
        %dma_wait3A_292 = tpu.memref_slice %arg22[%dma_wait3A] : memref<324096xf32, #tpu.memory_space<vmem_shared>> -> memref<512xf32, #tpu.memory_space<vmem_shared>>
        %dma_wait3A_293 = arith.constant 322560 : i32
        %dma_wait3A_294 = tpu.memref_slice %arg22[%dma_wait3A_293] : memref<324096xf32, #tpu.memory_space<vmem_shared>> -> memref<512xf32, #tpu.memory_space<vmem_shared>>
        tpu.wait_dma2 semaphore(%run_scoped3A : memref<!tpu.dma_semaphore, #tpu.memory_space<semaphore_mem>>) src(%arg19 : memref<512xf32, #tpu.memory_space<vmem>>) dst(%dma_wait3A_294 : memref<512xf32, #tpu.memory_space<vmem_shared>>)
        tpu.yield
      }) : () -> ()
      "tpu.region"() ({
        %run_scoped3A = tpu.sem_alloc : memref<!tpu.dma_semaphore, #tpu.memory_space<semaphore_mem>>
        %dma_start3A = arith.constant 323072 : i32
        %dma_start3A_289 = tpu.memref_slice %arg22[%dma_start3A] : memref<324096xf32, #tpu.memory_space<vmem_shared>> -> memref<512xf32, #tpu.memory_space<vmem_shared>>
        %dma_start3A_290 = arith.constant 323072 : i32
        %dma_start3A_291 = tpu.memref_slice %arg22[%dma_start3A_290] : memref<324096xf32, #tpu.memory_space<vmem_shared>> -> memref<512xf32, #tpu.memory_space<vmem_shared>>
        tpu.enqueue_dma source(%arg19 : memref<512xf32, #tpu.memory_space<vmem>>) target(%dma_start3A_291 : memref<512xf32, #tpu.memory_space<vmem_shared>>) target_semaphore(%run_scoped3A : memref<!tpu.dma_semaphore, #tpu.memory_space<semaphore_mem>>)
        %dma_wait3A = arith.constant 323072 : i32
        %dma_wait3A_292 = tpu.memref_slice %arg22[%dma_wait3A] : memref<324096xf32, #tpu.memory_space<vmem_shared>> -> memref<512xf32, #tpu.memory_space<vmem_shared>>
        %dma_wait3A_293 = arith.constant 323072 : i32
        %dma_wait3A_294 = tpu.memref_slice %arg22[%dma_wait3A_293] : memref<324096xf32, #tpu.memory_space<vmem_shared>> -> memref<512xf32, #tpu.memory_space<vmem_shared>>
        tpu.wait_dma2 semaphore(%run_scoped3A : memref<!tpu.dma_semaphore, #tpu.memory_space<semaphore_mem>>) src(%arg19 : memref<512xf32, #tpu.memory_space<vmem>>) dst(%dma_wait3A_294 : memref<512xf32, #tpu.memory_space<vmem_shared>>)
        tpu.yield
      }) : () -> ()
      "tpu.region"() ({
        %run_scoped3A = tpu.sem_alloc : memref<!tpu.dma_semaphore, #tpu.memory_space<semaphore_mem>>
        %dma_start3A = arith.constant 323584 : i32
        %dma_start3A_289 = tpu.memref_slice %arg22[%dma_start3A] : memref<324096xf32, #tpu.memory_space<vmem_shared>> -> memref<512xf32, #tpu.memory_space<vmem_shared>>
        %dma_start3A_290 = arith.constant 323584 : i32
        %dma_start3A_291 = tpu.memref_slice %arg22[%dma_start3A_290] : memref<324096xf32, #tpu.memory_space<vmem_shared>> -> memref<512xf32, #tpu.memory_space<vmem_shared>>
        tpu.enqueue_dma source(%arg19 : memref<512xf32, #tpu.memory_space<vmem>>) target(%dma_start3A_291 : memref<512xf32, #tpu.memory_space<vmem_shared>>) target_semaphore(%run_scoped3A : memref<!tpu.dma_semaphore, #tpu.memory_space<semaphore_mem>>)
        %dma_wait3A = arith.constant 323584 : i32
        %dma_wait3A_292 = tpu.memref_slice %arg22[%dma_wait3A] : memref<324096xf32, #tpu.memory_space<vmem_shared>> -> memref<512xf32, #tpu.memory_space<vmem_shared>>
        %dma_wait3A_293 = arith.constant 323584 : i32
        %dma_wait3A_294 = tpu.memref_slice %arg22[%dma_wait3A_293] : memref<324096xf32, #tpu.memory_space<vmem_shared>> -> memref<512xf32, #tpu.memory_space<vmem_shared>>
        tpu.wait_dma2 semaphore(%run_scoped3A : memref<!tpu.dma_semaphore, #tpu.memory_space<semaphore_mem>>) src(%arg19 : memref<512xf32, #tpu.memory_space<vmem>>) dst(%dma_wait3A_294 : memref<512xf32, #tpu.memory_space<vmem_shared>>)
        tpu.yield
      }) : () -> ()
    } else {
    }
    %barrier3A = arith.constant 0 : index
    tpu.barrier barrier_id(%barrier3A)
    %scan3A_266 = arith.constant 0 : i32
    %scan3A_267 = arith.constant 0 : i32
    %scan3A_268 = arith.constant 10 : i32
    %scan3A_269 = arith.addi %scan3A_267, %scan3A_268 : i32
    %scan3A_270 = arith.constant 1 : i32
    %scan3A_271 = scf.for %scan3A_289 = %scan3A_267 to %scan3A_269 step %scan3A_270 iter_args(%scan3A_290 = %scan3A_266) -> (i32)  : i32 {
      %mul3A_291 = arith.constant 32 : i32
      %mul3A_292 = arith.muli %mul3A_291, %scan3A_289 : i32
      %add3A_293 = arith.addi %add3A, %mul3A_292 : i32
      %mul3A_294 = arith.constant 8 : i32
      %mul3A_295 = arith.muli %add3A_293, %mul3A_294 : i32
      "tpu.region"() ({
        %run_scoped3A = tpu.sem_alloc : memref<!tpu.dma_semaphore, #tpu.memory_space<semaphore_mem>>
        %dma_start3A = arith.constant 0 : i32
        %dma_start3A_304 = tpu.memref_slice %arg3[%mul3A_295, %dma_start3A] : memref<2560x128xi32, #tpu.memory_space<hbm>> -> memref<8x128xi32, #tpu.memory_space<hbm>>
        %dma_start3A_305 = arith.constant 0 : i32
        %dma_start3A_306 = tpu.memref_slice %arg3[%mul3A_295, %dma_start3A_305] : memref<2560x128xi32, #tpu.memory_space<hbm>> -> memref<8x128xi32, #tpu.memory_space<hbm>>
        tpu.enqueue_dma source(%dma_start3A_306 : memref<8x128xi32, #tpu.memory_space<hbm>>) target(%arg10 : memref<8x128xi32, #tpu.memory_space<vmem>>) target_semaphore(%run_scoped3A : memref<!tpu.dma_semaphore, #tpu.memory_space<semaphore_mem>>)
        %dma_wait3A = arith.constant 0 : i32
        %dma_wait3A_307 = tpu.memref_slice %arg3[%mul3A_295, %dma_wait3A] : memref<2560x128xi32, #tpu.memory_space<hbm>> -> memref<8x128xi32, #tpu.memory_space<hbm>>
        %dma_wait3A_308 = arith.constant 0 : i32
        %dma_wait3A_309 = tpu.memref_slice %arg3[%mul3A_295, %dma_wait3A_308] : memref<2560x128xi32, #tpu.memory_space<hbm>> -> memref<8x128xi32, #tpu.memory_space<hbm>>
        tpu.wait_dma2 semaphore(%run_scoped3A : memref<!tpu.dma_semaphore, #tpu.memory_space<semaphore_mem>>) src(%dma_wait3A_309 : memref<8x128xi32, #tpu.memory_space<hbm>>) dst(%arg10 : memref<8x128xi32, #tpu.memory_space<vmem>>)
        tpu.yield
      }) : () -> ()
      "tpu.region"() ({
        %run_scoped3A = tpu.sem_alloc : memref<!tpu.dma_semaphore, #tpu.memory_space<semaphore_mem>>
        %dma_start3A = arith.constant 0 : i32
        %dma_start3A_304 = tpu.memref_slice %arg4[%mul3A_295, %dma_start3A] : memref<2560x128xi32, #tpu.memory_space<hbm>> -> memref<8x128xi32, #tpu.memory_space<hbm>>
        %dma_start3A_305 = arith.constant 0 : i32
        %dma_start3A_306 = tpu.memref_slice %arg4[%mul3A_295, %dma_start3A_305] : memref<2560x128xi32, #tpu.memory_space<hbm>> -> memref<8x128xi32, #tpu.memory_space<hbm>>
        tpu.enqueue_dma source(%dma_start3A_306 : memref<8x128xi32, #tpu.memory_space<hbm>>) target(%arg11 : memref<8x128xi32, #tpu.memory_space<vmem>>) target_semaphore(%run_scoped3A : memref<!tpu.dma_semaphore, #tpu.memory_space<semaphore_mem>>)
        %dma_wait3A = arith.constant 0 : i32
        %dma_wait3A_307 = tpu.memref_slice %arg4[%mul3A_295, %dma_wait3A] : memref<2560x128xi32, #tpu.memory_space<hbm>> -> memref<8x128xi32, #tpu.memory_space<hbm>>
        %dma_wait3A_308 = arith.constant 0 : i32
        %dma_wait3A_309 = tpu.memref_slice %arg4[%mul3A_295, %dma_wait3A_308] : memref<2560x128xi32, #tpu.memory_space<hbm>> -> memref<8x128xi32, #tpu.memory_space<hbm>>
        tpu.wait_dma2 semaphore(%run_scoped3A : memref<!tpu.dma_semaphore, #tpu.memory_space<semaphore_mem>>) src(%dma_wait3A_309 : memref<8x128xi32, #tpu.memory_space<hbm>>) dst(%arg11 : memref<8x128xi32, #tpu.memory_space<vmem>>)
        tpu.yield
      }) : () -> ()
      "tpu.region"() ({
        %run_scoped3A = tpu.sem_alloc : memref<!tpu.dma_semaphore, #tpu.memory_space<semaphore_mem>>
        %dma_start3A = arith.constant 0 : i32
        %dma_start3A_304 = tpu.memref_slice %arg5[%mul3A_295, %dma_start3A] : memref<2560x128xi32, #tpu.memory_space<hbm>> -> memref<8x128xi32, #tpu.memory_space<hbm>>
        %dma_start3A_305 = arith.constant 0 : i32
        %dma_start3A_306 = tpu.memref_slice %arg5[%mul3A_295, %dma_start3A_305] : memref<2560x128xi32, #tpu.memory_space<hbm>> -> memref<8x128xi32, #tpu.memory_space<hbm>>
        tpu.enqueue_dma source(%dma_start3A_306 : memref<8x128xi32, #tpu.memory_space<hbm>>) target(%arg12 : memref<8x128xi32, #tpu.memory_space<vmem>>) target_semaphore(%run_scoped3A : memref<!tpu.dma_semaphore, #tpu.memory_space<semaphore_mem>>)
        %dma_wait3A = arith.constant 0 : i32
        %dma_wait3A_307 = tpu.memref_slice %arg5[%mul3A_295, %dma_wait3A] : memref<2560x128xi32, #tpu.memory_space<hbm>> -> memref<8x128xi32, #tpu.memory_space<hbm>>
        %dma_wait3A_308 = arith.constant 0 : i32
        %dma_wait3A_309 = tpu.memref_slice %arg5[%mul3A_295, %dma_wait3A_308] : memref<2560x128xi32, #tpu.memory_space<hbm>> -> memref<8x128xi32, #tpu.memory_space<hbm>>
        tpu.wait_dma2 semaphore(%run_scoped3A : memref<!tpu.dma_semaphore, #tpu.memory_space<semaphore_mem>>) src(%dma_wait3A_309 : memref<8x128xi32, #tpu.memory_space<hbm>>) dst(%arg12 : memref<8x128xi32, #tpu.memory_space<vmem>>)
        tpu.yield
      }) : () -> ()
      "tpu.region"() ({
        %run_scoped3A = tpu.sem_alloc : memref<!tpu.dma_semaphore, #tpu.memory_space<semaphore_mem>>
        %dma_start3A = arith.constant 0 : i32
        %dma_start3A_304 = tpu.memref_slice %arg6[%mul3A_295, %dma_start3A] : memref<2560x128xi32, #tpu.memory_space<hbm>> -> memref<8x128xi32, #tpu.memory_space<hbm>>
        %dma_start3A_305 = arith.constant 0 : i32
        %dma_start3A_306 = tpu.memref_slice %arg6[%mul3A_295, %dma_start3A_305] : memref<2560x128xi32, #tpu.memory_space<hbm>> -> memref<8x128xi32, #tpu.memory_space<hbm>>
        tpu.enqueue_dma source(%dma_start3A_306 : memref<8x128xi32, #tpu.memory_space<hbm>>) target(%arg13 : memref<8x128xi32, #tpu.memory_space<vmem>>) target_semaphore(%run_scoped3A : memref<!tpu.dma_semaphore, #tpu.memory_space<semaphore_mem>>)
        %dma_wait3A = arith.constant 0 : i32
        %dma_wait3A_307 = tpu.memref_slice %arg6[%mul3A_295, %dma_wait3A] : memref<2560x128xi32, #tpu.memory_space<hbm>> -> memref<8x128xi32, #tpu.memory_space<hbm>>
        %dma_wait3A_308 = arith.constant 0 : i32
        %dma_wait3A_309 = tpu.memref_slice %arg6[%mul3A_295, %dma_wait3A_308] : memref<2560x128xi32, #tpu.memory_space<hbm>> -> memref<8x128xi32, #tpu.memory_space<hbm>>
        tpu.wait_dma2 semaphore(%run_scoped3A : memref<!tpu.dma_semaphore, #tpu.memory_space<semaphore_mem>>) src(%dma_wait3A_309 : memref<8x128xi32, #tpu.memory_space<hbm>>) dst(%arg13 : memref<8x128xi32, #tpu.memory_space<vmem>>)
        tpu.yield
      }) : () -> ()
      %scan3A_296 = arith.constant 0 : i32
      %scan3A_297 = arith.constant 0 : i32
      %scan3A_298 = arith.constant 8 : i32
      %scan3A_299 = arith.addi %scan3A_297, %scan3A_298 : i32
      %scan3A_300 = arith.constant 1 : i32
      %scan3A_301 = scf.for %scan3A_304 = %scan3A_297 to %scan3A_299 step %scan3A_300 iter_args(%scan3A_305 = %scan3A_296) -> (i32)  : i32 {
        %get3A = arith.index_cast %scan3A_304 : i32 to index
        %get3A_306 = arith.constant 0 : index
        %get3A_307 = tpu.vector_load %arg11[%get3A, %get3A_306] {strides = array<i32>} : memref<8x128xi32, #tpu.memory_space<vmem>>, vector<1x16xi32>,
        %get3A_308 = vector.shape_cast %get3A_307 : vector<1x16xi32> to vector<16xi32>
        %get3A_309 = arith.index_cast %scan3A_304 : i32 to index
        %get3A_310 = arith.constant 0 : index
        %get3A_311 = tpu.vector_load %arg12[%get3A_309, %get3A_310] {strides = array<i32>} : memref<8x128xi32, #tpu.memory_space<vmem>>, vector<1x16xi32>,
        %get3A_312 = vector.shape_cast %get3A_311 : vector<1x16xi32> to vector<16xi32>
        %max3A = arith.constant 0 : i32
        %max3A_313 = vector.broadcast %max3A : i32 to vector<16xi32>
        %max3A_314 = arith.maxsi %get3A_312, %max3A_313 : vector<16xi32>
        %min3A = arith.constant 5 : i32
        %min3A_315 = vector.broadcast %min3A : i32 to vector<16xi32>
        %min3A_316 = arith.minsi %max3A_314, %min3A_315 : vector<16xi32>
        %get3A_317 = arith.index_cast %scan3A_304 : i32 to index
        %get3A_318 = arith.constant 0 : index
        %get3A_319 = tpu.vector_load %arg13[%get3A_317, %get3A_318] {strides = array<i32>} : memref<8x128xi32, #tpu.memory_space<vmem>>, vector<1x16xi32>,
        %get3A_320 = vector.shape_cast %get3A_319 : vector<1x16xi32> to vector<16xi32>
        %max3A_321 = arith.constant 0 : i32
        %max3A_322 = vector.broadcast %max3A_321 : i32 to vector<16xi32>
        %max3A_323 = arith.maxsi %get3A_320, %max3A_322 : vector<16xi32>
        %min3A_324 = arith.constant 2 : i32
        %min3A_325 = vector.broadcast %min3A_324 : i32 to vector<16xi32>
        %min3A_326 = arith.minsi %max3A_323, %min3A_325 : vector<16xi32>
        %get3A_327 = arith.index_cast %scan3A_304 : i32 to index
        %get3A_328 = arith.constant 0 : index
        %get3A_329 = tpu.vector_load %arg10[%get3A_327, %get3A_328] {strides = array<i32>} : memref<8x128xi32, #tpu.memory_space<vmem>>, vector<1x16xi32>,
        %get3A_330 = vector.shape_cast %get3A_329 : vector<1x16xi32> to vector<16xi32>
        %swap3A_331 = arith.constant 0 : index
        %swap3A_332 = tpu.vector_load %arg14[%swap3A_331] {strides = array<i32>} : memref<128xi32, #tpu.memory_space<vmem>>, vector<16xi32>,
        %swap3A_333 = vector.shape_cast %swap3A_332 : vector<16xi32> to vector<16xi32>
        %swap3A_334 = vector.shape_cast %get3A_330 : vector<16xi32> to vector<16xi32>
        tpu.vector_store %arg14[%swap3A_331], %swap3A_334 {strides = array<i32>} : memref<128xi32, #tpu.memory_space<vmem>>, vector<16xi32>,
        %swap3A_335 = arith.constant 0 : index
        %swap3A_336 = tpu.vector_load %arg15[%swap3A_335] {strides = array<i32>} : memref<128xi32, #tpu.memory_space<vmem>>, vector<16xi32>,
        %swap3A_337 = vector.shape_cast %swap3A_336 : vector<16xi32> to vector<16xi32>
        %swap3A_338 = vector.shape_cast %get3A_308 : vector<16xi32> to vector<16xi32>
        tpu.vector_store %arg15[%swap3A_335], %swap3A_338 {strides = array<i32>} : memref<128xi32, #tpu.memory_space<vmem>>, vector<16xi32>,
        %mul3A_339 = arith.constant 32 : i32
        %mul3A_340 = vector.broadcast %mul3A_339 : i32 to vector<16xi32>
        %mul3A_341 = arith.muli %get3A_308, %mul3A_340 : vector<16xi32>
        %mul3A_342 = arith.constant 3 : i32
        %mul3A_343 = vector.broadcast %mul3A_342 : i32 to vector<16xi32>
        %mul3A_344 = arith.muli %min3A_316, %mul3A_343 : vector<16xi32>
        %add3A_345 = arith.addi %mul3A_341, %mul3A_344 : vector<16xi32>
        %add3A_346 = arith.addi %add3A_345, %min3A_326 : vector<16xi32>
        %swap3A_347 = arith.constant 0 : index
        %swap3A_348 = tpu.vector_load %arg16[%swap3A_347] {strides = array<i32>} : memref<128xi32, #tpu.memory_space<vmem>>, vector<16xi32>,
        %swap3A_349 = vector.shape_cast %swap3A_348 : vector<16xi32> to vector<16xi32>
        %swap3A_350 = vector.shape_cast %add3A_346 : vector<16xi32> to vector<16xi32>
        tpu.vector_store %arg16[%swap3A_347], %swap3A_350 {strides = array<i32>} : memref<128xi32, #tpu.memory_space<vmem>>, vector<16xi32>,
        %get3A_351 = arith.index_cast %scan3A_304 : i32 to index
        %get3A_352 = arith.constant 16 : index
        %get3A_353 = tpu.vector_load %arg11[%get3A_351, %get3A_352] {strides = array<i32>} : memref<8x128xi32, #tpu.memory_space<vmem>>, vector<1x16xi32>,
        %get3A_354 = vector.shape_cast %get3A_353 : vector<1x16xi32> to vector<16xi32>
        %get3A_355 = arith.index_cast %scan3A_304 : i32 to index
        %get3A_356 = arith.constant 16 : index
        %get3A_357 = tpu.vector_load %arg12[%get3A_355, %get3A_356] {strides = array<i32>} : memref<8x128xi32, #tpu.memory_space<vmem>>, vector<1x16xi32>,
        %get3A_358 = vector.shape_cast %get3A_357 : vector<1x16xi32> to vector<16xi32>
        %max3A_359 = arith.constant 0 : i32
        %max3A_360 = vector.broadcast %max3A_359 : i32 to vector<16xi32>
        %max3A_361 = arith.maxsi %get3A_358, %max3A_360 : vector<16xi32>
        %min3A_362 = arith.constant 5 : i32
        %min3A_363 = vector.broadcast %min3A_362 : i32 to vector<16xi32>
        %min3A_364 = arith.minsi %max3A_361, %min3A_363 : vector<16xi32>
        %get3A_365 = arith.index_cast %scan3A_304 : i32 to index
        %get3A_366 = arith.constant 16 : index
        %get3A_367 = tpu.vector_load %arg13[%get3A_365, %get3A_366] {strides = array<i32>} : memref<8x128xi32, #tpu.memory_space<vmem>>, vector<1x16xi32>,
        %get3A_368 = vector.shape_cast %get3A_367 : vector<1x16xi32> to vector<16xi32>
        %max3A_369 = arith.constant 0 : i32
        %max3A_370 = vector.broadcast %max3A_369 : i32 to vector<16xi32>
        %max3A_371 = arith.maxsi %get3A_368, %max3A_370 : vector<16xi32>
        %min3A_372 = arith.constant 2 : i32
        %min3A_373 = vector.broadcast %min3A_372 : i32 to vector<16xi32>
        %min3A_374 = arith.minsi %max3A_371, %min3A_373 : vector<16xi32>
        %get3A_375 = arith.index_cast %scan3A_304 : i32 to index
        %get3A_376 = arith.constant 16 : index
        %get3A_377 = tpu.vector_load %arg10[%get3A_375, %get3A_376] {strides = array<i32>} : memref<8x128xi32, #tpu.memory_space<vmem>>, vector<1x16xi32>,
        %get3A_378 = vector.shape_cast %get3A_377 : vector<1x16xi32> to vector<16xi32>
        %swap3A_379 = arith.constant 16 : index
        %swap3A_380 = tpu.vector_load %arg14[%swap3A_379] {strides = array<i32>} : memref<128xi32, #tpu.memory_space<vmem>>, vector<16xi32>,
        %swap3A_381 = vector.shape_cast %swap3A_380 : vector<16xi32> to vector<16xi32>
        %swap3A_382 = vector.shape_cast %get3A_378 : vector<16xi32> to vector<16xi32>
        tpu.vector_store %arg14[%swap3A_379], %swap3A_382 {strides = array<i32>} : memref<128xi32, #tpu.memory_space<vmem>>, vector<16xi32>,
        %swap3A_383 = arith.constant 16 : index
        %swap3A_384 = tpu.vector_load %arg15[%swap3A_383] {strides = array<i32>} : memref<128xi32, #tpu.memory_space<vmem>>, vector<16xi32>,
        %swap3A_385 = vector.shape_cast %swap3A_384 : vector<16xi32> to vector<16xi32>
        %swap3A_386 = vector.shape_cast %get3A_354 : vector<16xi32> to vector<16xi32>
        tpu.vector_store %arg15[%swap3A_383], %swap3A_386 {strides = array<i32>} : memref<128xi32, #tpu.memory_space<vmem>>, vector<16xi32>,
        %mul3A_387 = arith.constant 32 : i32
        %mul3A_388 = vector.broadcast %mul3A_387 : i32 to vector<16xi32>
        %mul3A_389 = arith.muli %get3A_354, %mul3A_388 : vector<16xi32>
        %mul3A_390 = arith.constant 3 : i32
        %mul3A_391 = vector.broadcast %mul3A_390 : i32 to vector<16xi32>
        %mul3A_392 = arith.muli %min3A_364, %mul3A_391 : vector<16xi32>
        %add3A_393 = arith.addi %mul3A_389, %mul3A_392 : vector<16xi32>
        %add3A_394 = arith.addi %add3A_393, %min3A_374 : vector<16xi32>
        %swap3A_395 = arith.constant 16 : index
        %swap3A_396 = tpu.vector_load %arg16[%swap3A_395] {strides = array<i32>} : memref<128xi32, #tpu.memory_space<vmem>>, vector<16xi32>,
        %swap3A_397 = vector.shape_cast %swap3A_396 : vector<16xi32> to vector<16xi32>
        %swap3A_398 = vector.shape_cast %add3A_394 : vector<16xi32> to vector<16xi32>
        tpu.vector_store %arg16[%swap3A_395], %swap3A_398 {strides = array<i32>} : memref<128xi32, #tpu.memory_space<vmem>>, vector<16xi32>,
        %get3A_399 = arith.index_cast %scan3A_304 : i32 to index
        %get3A_400 = arith.constant 32 : index
        %get3A_401 = tpu.vector_load %arg11[%get3A_399, %get3A_400] {strides = array<i32>} : memref<8x128xi32, #tpu.memory_space<vmem>>, vector<1x16xi32>,
        %get3A_402 = vector.shape_cast %get3A_401 : vector<1x16xi32> to vector<16xi32>
        %get3A_403 = arith.index_cast %scan3A_304 : i32 to index
        %get3A_404 = arith.constant 32 : index
        %get3A_405 = tpu.vector_load %arg12[%get3A_403, %get3A_404] {strides = array<i32>} : memref<8x128xi32, #tpu.memory_space<vmem>>, vector<1x16xi32>,
        %get3A_406 = vector.shape_cast %get3A_405 : vector<1x16xi32> to vector<16xi32>
        %max3A_407 = arith.constant 0 : i32
        %max3A_408 = vector.broadcast %max3A_407 : i32 to vector<16xi32>
        %max3A_409 = arith.maxsi %get3A_406, %max3A_408 : vector<16xi32>
        %min3A_410 = arith.constant 5 : i32
        %min3A_411 = vector.broadcast %min3A_410 : i32 to vector<16xi32>
        %min3A_412 = arith.minsi %max3A_409, %min3A_411 : vector<16xi32>
        %get3A_413 = arith.index_cast %scan3A_304 : i32 to index
        %get3A_414 = arith.constant 32 : index
        %get3A_415 = tpu.vector_load %arg13[%get3A_413, %get3A_414] {strides = array<i32>} : memref<8x128xi32, #tpu.memory_space<vmem>>, vector<1x16xi32>,
        %get3A_416 = vector.shape_cast %get3A_415 : vector<1x16xi32> to vector<16xi32>
        %max3A_417 = arith.constant 0 : i32
        %max3A_418 = vector.broadcast %max3A_417 : i32 to vector<16xi32>
        %max3A_419 = arith.maxsi %get3A_416, %max3A_418 : vector<16xi32>
        %min3A_420 = arith.constant 2 : i32
        %min3A_421 = vector.broadcast %min3A_420 : i32 to vector<16xi32>
        %min3A_422 = arith.minsi %max3A_419, %min3A_421 : vector<16xi32>
        %get3A_423 = arith.index_cast %scan3A_304 : i32 to index
        %get3A_424 = arith.constant 32 : index
        %get3A_425 = tpu.vector_load %arg10[%get3A_423, %get3A_424] {strides = array<i32>} : memref<8x128xi32, #tpu.memory_space<vmem>>, vector<1x16xi32>,
        %get3A_426 = vector.shape_cast %get3A_425 : vector<1x16xi32> to vector<16xi32>
        %swap3A_427 = arith.constant 32 : index
        %swap3A_428 = tpu.vector_load %arg14[%swap3A_427] {strides = array<i32>} : memref<128xi32, #tpu.memory_space<vmem>>, vector<16xi32>,
        %swap3A_429 = vector.shape_cast %swap3A_428 : vector<16xi32> to vector<16xi32>
        %swap3A_430 = vector.shape_cast %get3A_426 : vector<16xi32> to vector<16xi32>
        tpu.vector_store %arg14[%swap3A_427], %swap3A_430 {strides = array<i32>} : memref<128xi32, #tpu.memory_space<vmem>>, vector<16xi32>,
        %swap3A_431 = arith.constant 32 : index
        %swap3A_432 = tpu.vector_load %arg15[%swap3A_431] {strides = array<i32>} : memref<128xi32, #tpu.memory_space<vmem>>, vector<16xi32>,
        %swap3A_433 = vector.shape_cast %swap3A_432 : vector<16xi32> to vector<16xi32>
        %swap3A_434 = vector.shape_cast %get3A_402 : vector<16xi32> to vector<16xi32>
        tpu.vector_store %arg15[%swap3A_431], %swap3A_434 {strides = array<i32>} : memref<128xi32, #tpu.memory_space<vmem>>, vector<16xi32>,
        %mul3A_435 = arith.constant 32 : i32
        %mul3A_436 = vector.broadcast %mul3A_435 : i32 to vector<16xi32>
        %mul3A_437 = arith.muli %get3A_402, %mul3A_436 : vector<16xi32>
        %mul3A_438 = arith.constant 3 : i32
        %mul3A_439 = vector.broadcast %mul3A_438 : i32 to vector<16xi32>
        %mul3A_440 = arith.muli %min3A_412, %mul3A_439 : vector<16xi32>
        %add3A_441 = arith.addi %mul3A_437, %mul3A_440 : vector<16xi32>
        %add3A_442 = arith.addi %add3A_441, %min3A_422 : vector<16xi32>
        %swap3A_443 = arith.constant 32 : index
        %swap3A_444 = tpu.vector_load %arg16[%swap3A_443] {strides = array<i32>} : memref<128xi32, #tpu.memory_space<vmem>>, vector<16xi32>,
        %swap3A_445 = vector.shape_cast %swap3A_444 : vector<16xi32> to vector<16xi32>
        %swap3A_446 = vector.shape_cast %add3A_442 : vector<16xi32> to vector<16xi32>
        tpu.vector_store %arg16[%swap3A_443], %swap3A_446 {strides = array<i32>} : memref<128xi32, #tpu.memory_space<vmem>>, vector<16xi32>,
        %get3A_447 = arith.index_cast %scan3A_304 : i32 to index
        %get3A_448 = arith.constant 48 : index
        %get3A_449 = tpu.vector_load %arg11[%get3A_447, %get3A_448] {strides = array<i32>} : memref<8x128xi32, #tpu.memory_space<vmem>>, vector<1x16xi32>,
        %get3A_450 = vector.shape_cast %get3A_449 : vector<1x16xi32> to vector<16xi32>
        %get3A_451 = arith.index_cast %scan3A_304 : i32 to index
        %get3A_452 = arith.constant 48 : index
        %get3A_453 = tpu.vector_load %arg12[%get3A_451, %get3A_452] {strides = array<i32>} : memref<8x128xi32, #tpu.memory_space<vmem>>, vector<1x16xi32>,
        %get3A_454 = vector.shape_cast %get3A_453 : vector<1x16xi32> to vector<16xi32>
        %max3A_455 = arith.constant 0 : i32
        %max3A_456 = vector.broadcast %max3A_455 : i32 to vector<16xi32>
        %max3A_457 = arith.maxsi %get3A_454, %max3A_456 : vector<16xi32>
        %min3A_458 = arith.constant 5 : i32
        %min3A_459 = vector.broadcast %min3A_458 : i32 to vector<16xi32>
        %min3A_460 = arith.minsi %max3A_457, %min3A_459 : vector<16xi32>
        %get3A_461 = arith.index_cast %scan3A_304 : i32 to index
        %get3A_462 = arith.constant 48 : index
        %get3A_463 = tpu.vector_load %arg13[%get3A_461, %get3A_462] {strides = array<i32>} : memref<8x128xi32, #tpu.memory_space<vmem>>, vector<1x16xi32>,
        %get3A_464 = vector.shape_cast %get3A_463 : vector<1x16xi32> to vector<16xi32>
        %max3A_465 = arith.constant 0 : i32
        %max3A_466 = vector.broadcast %max3A_465 : i32 to vector<16xi32>
        %max3A_467 = arith.maxsi %get3A_464, %max3A_466 : vector<16xi32>
        %min3A_468 = arith.constant 2 : i32
        %min3A_469 = vector.broadcast %min3A_468 : i32 to vector<16xi32>
        %min3A_470 = arith.minsi %max3A_467, %min3A_469 : vector<16xi32>
        %get3A_471 = arith.index_cast %scan3A_304 : i32 to index
        %get3A_472 = arith.constant 48 : index
        %get3A_473 = tpu.vector_load %arg10[%get3A_471, %get3A_472] {strides = array<i32>} : memref<8x128xi32, #tpu.memory_space<vmem>>, vector<1x16xi32>,
        %get3A_474 = vector.shape_cast %get3A_473 : vector<1x16xi32> to vector<16xi32>
        %swap3A_475 = arith.constant 48 : index
        %swap3A_476 = tpu.vector_load %arg14[%swap3A_475] {strides = array<i32>} : memref<128xi32, #tpu.memory_space<vmem>>, vector<16xi32>,
        %swap3A_477 = vector.shape_cast %swap3A_476 : vector<16xi32> to vector<16xi32>
        %swap3A_478 = vector.shape_cast %get3A_474 : vector<16xi32> to vector<16xi32>
        tpu.vector_store %arg14[%swap3A_475], %swap3A_478 {strides = array<i32>} : memref<128xi32, #tpu.memory_space<vmem>>, vector<16xi32>,
        %swap3A_479 = arith.constant 48 : index
        %swap3A_480 = tpu.vector_load %arg15[%swap3A_479] {strides = array<i32>} : memref<128xi32, #tpu.memory_space<vmem>>, vector<16xi32>,
        %swap3A_481 = vector.shape_cast %swap3A_480 : vector<16xi32> to vector<16xi32>
        %swap3A_482 = vector.shape_cast %get3A_450 : vector<16xi32> to vector<16xi32>
        tpu.vector_store %arg15[%swap3A_479], %swap3A_482 {strides = array<i32>} : memref<128xi32, #tpu.memory_space<vmem>>, vector<16xi32>,
        %mul3A_483 = arith.constant 32 : i32
        %mul3A_484 = vector.broadcast %mul3A_483 : i32 to vector<16xi32>
        %mul3A_485 = arith.muli %get3A_450, %mul3A_484 : vector<16xi32>
        %mul3A_486 = arith.constant 3 : i32
        %mul3A_487 = vector.broadcast %mul3A_486 : i32 to vector<16xi32>
        %mul3A_488 = arith.muli %min3A_460, %mul3A_487 : vector<16xi32>
        %add3A_489 = arith.addi %mul3A_485, %mul3A_488 : vector<16xi32>
        %add3A_490 = arith.addi %add3A_489, %min3A_470 : vector<16xi32>
        %swap3A_491 = arith.constant 48 : index
        %swap3A_492 = tpu.vector_load %arg16[%swap3A_491] {strides = array<i32>} : memref<128xi32, #tpu.memory_space<vmem>>, vector<16xi32>,
        %swap3A_493 = vector.shape_cast %swap3A_492 : vector<16xi32> to vector<16xi32>
        %swap3A_494 = vector.shape_cast %add3A_490 : vector<16xi32> to vector<16xi32>
        tpu.vector_store %arg16[%swap3A_491], %swap3A_494 {strides = array<i32>} : memref<128xi32, #tpu.memory_space<vmem>>, vector<16xi32>,
        %get3A_495 = arith.index_cast %scan3A_304 : i32 to index
        %get3A_496 = arith.constant 64 : index
        %get3A_497 = tpu.vector_load %arg11[%get3A_495, %get3A_496] {strides = array<i32>} : memref<8x128xi32, #tpu.memory_space<vmem>>, vector<1x16xi32>,
        %get3A_498 = vector.shape_cast %get3A_497 : vector<1x16xi32> to vector<16xi32>
        %get3A_499 = arith.index_cast %scan3A_304 : i32 to index
        %get3A_500 = arith.constant 64 : index
        %get3A_501 = tpu.vector_load %arg12[%get3A_499, %get3A_500] {strides = array<i32>} : memref<8x128xi32, #tpu.memory_space<vmem>>, vector<1x16xi32>,
        %get3A_502 = vector.shape_cast %get3A_501 : vector<1x16xi32> to vector<16xi32>
        %max3A_503 = arith.constant 0 : i32
        %max3A_504 = vector.broadcast %max3A_503 : i32 to vector<16xi32>
        %max3A_505 = arith.maxsi %get3A_502, %max3A_504 : vector<16xi32>
        %min3A_506 = arith.constant 5 : i32
        %min3A_507 = vector.broadcast %min3A_506 : i32 to vector<16xi32>
        %min3A_508 = arith.minsi %max3A_505, %min3A_507 : vector<16xi32>
        %get3A_509 = arith.index_cast %scan3A_304 : i32 to index
        %get3A_510 = arith.constant 64 : index
        %get3A_511 = tpu.vector_load %arg13[%get3A_509, %get3A_510] {strides = array<i32>} : memref<8x128xi32, #tpu.memory_space<vmem>>, vector<1x16xi32>,
        %get3A_512 = vector.shape_cast %get3A_511 : vector<1x16xi32> to vector<16xi32>
        %max3A_513 = arith.constant 0 : i32
        %max3A_514 = vector.broadcast %max3A_513 : i32 to vector<16xi32>
        %max3A_515 = arith.maxsi %get3A_512, %max3A_514 : vector<16xi32>
        %min3A_516 = arith.constant 2 : i32
        %min3A_517 = vector.broadcast %min3A_516 : i32 to vector<16xi32>
        %min3A_518 = arith.minsi %max3A_515, %min3A_517 : vector<16xi32>
        %get3A_519 = arith.index_cast %scan3A_304 : i32 to index
        %get3A_520 = arith.constant 64 : index
        %get3A_521 = tpu.vector_load %arg10[%get3A_519, %get3A_520] {strides = array<i32>} : memref<8x128xi32, #tpu.memory_space<vmem>>, vector<1x16xi32>,
        %get3A_522 = vector.shape_cast %get3A_521 : vector<1x16xi32> to vector<16xi32>
        %swap3A_523 = arith.constant 64 : index
        %swap3A_524 = tpu.vector_load %arg14[%swap3A_523] {strides = array<i32>} : memref<128xi32, #tpu.memory_space<vmem>>, vector<16xi32>,
        %swap3A_525 = vector.shape_cast %swap3A_524 : vector<16xi32> to vector<16xi32>
        %swap3A_526 = vector.shape_cast %get3A_522 : vector<16xi32> to vector<16xi32>
        tpu.vector_store %arg14[%swap3A_523], %swap3A_526 {strides = array<i32>} : memref<128xi32, #tpu.memory_space<vmem>>, vector<16xi32>,
        %swap3A_527 = arith.constant 64 : index
        %swap3A_528 = tpu.vector_load %arg15[%swap3A_527] {strides = array<i32>} : memref<128xi32, #tpu.memory_space<vmem>>, vector<16xi32>,
        %swap3A_529 = vector.shape_cast %swap3A_528 : vector<16xi32> to vector<16xi32>
        %swap3A_530 = vector.shape_cast %get3A_498 : vector<16xi32> to vector<16xi32>
        tpu.vector_store %arg15[%swap3A_527], %swap3A_530 {strides = array<i32>} : memref<128xi32, #tpu.memory_space<vmem>>, vector<16xi32>,
        %mul3A_531 = arith.constant 32 : i32
        %mul3A_532 = vector.broadcast %mul3A_531 : i32 to vector<16xi32>
        %mul3A_533 = arith.muli %get3A_498, %mul3A_532 : vector<16xi32>
        %mul3A_534 = arith.constant 3 : i32
        %mul3A_535 = vector.broadcast %mul3A_534 : i32 to vector<16xi32>
        %mul3A_536 = arith.muli %min3A_508, %mul3A_535 : vector<16xi32>
        %add3A_537 = arith.addi %mul3A_533, %mul3A_536 : vector<16xi32>
        %add3A_538 = arith.addi %add3A_537, %min3A_518 : vector<16xi32>
        %swap3A_539 = arith.constant 64 : index
        %swap3A_540 = tpu.vector_load %arg16[%swap3A_539] {strides = array<i32>} : memref<128xi32, #tpu.memory_space<vmem>>, vector<16xi32>,
        %swap3A_541 = vector.shape_cast %swap3A_540 : vector<16xi32> to vector<16xi32>
        %swap3A_542 = vector.shape_cast %add3A_538 : vector<16xi32> to vector<16xi32>
        tpu.vector_store %arg16[%swap3A_539], %swap3A_542 {strides = array<i32>} : memref<128xi32, #tpu.memory_space<vmem>>, vector<16xi32>,
        %get3A_543 = arith.index_cast %scan3A_304 : i32 to index
        %get3A_544 = arith.constant 80 : index
        %get3A_545 = tpu.vector_load %arg11[%get3A_543, %get3A_544] {strides = array<i32>} : memref<8x128xi32, #tpu.memory_space<vmem>>, vector<1x16xi32>,
        %get3A_546 = vector.shape_cast %get3A_545 : vector<1x16xi32> to vector<16xi32>
        %get3A_547 = arith.index_cast %scan3A_304 : i32 to index
        %get3A_548 = arith.constant 80 : index
        %get3A_549 = tpu.vector_load %arg12[%get3A_547, %get3A_548] {strides = array<i32>} : memref<8x128xi32, #tpu.memory_space<vmem>>, vector<1x16xi32>,
        %get3A_550 = vector.shape_cast %get3A_549 : vector<1x16xi32> to vector<16xi32>
        %max3A_551 = arith.constant 0 : i32
        %max3A_552 = vector.broadcast %max3A_551 : i32 to vector<16xi32>
        %max3A_553 = arith.maxsi %get3A_550, %max3A_552 : vector<16xi32>
        %min3A_554 = arith.constant 5 : i32
        %min3A_555 = vector.broadcast %min3A_554 : i32 to vector<16xi32>
        %min3A_556 = arith.minsi %max3A_553, %min3A_555 : vector<16xi32>
        %get3A_557 = arith.index_cast %scan3A_304 : i32 to index
        %get3A_558 = arith.constant 80 : index
        %get3A_559 = tpu.vector_load %arg13[%get3A_557, %get3A_558] {strides = array<i32>} : memref<8x128xi32, #tpu.memory_space<vmem>>, vector<1x16xi32>,
        %get3A_560 = vector.shape_cast %get3A_559 : vector<1x16xi32> to vector<16xi32>
        %max3A_561 = arith.constant 0 : i32
        %max3A_562 = vector.broadcast %max3A_561 : i32 to vector<16xi32>
        %max3A_563 = arith.maxsi %get3A_560, %max3A_562 : vector<16xi32>
        %min3A_564 = arith.constant 2 : i32
        %min3A_565 = vector.broadcast %min3A_564 : i32 to vector<16xi32>
        %min3A_566 = arith.minsi %max3A_563, %min3A_565 : vector<16xi32>
        %get3A_567 = arith.index_cast %scan3A_304 : i32 to index
        %get3A_568 = arith.constant 80 : index
        %get3A_569 = tpu.vector_load %arg10[%get3A_567, %get3A_568] {strides = array<i32>} : memref<8x128xi32, #tpu.memory_space<vmem>>, vector<1x16xi32>,
        %get3A_570 = vector.shape_cast %get3A_569 : vector<1x16xi32> to vector<16xi32>
        %swap3A_571 = arith.constant 80 : index
        %swap3A_572 = tpu.vector_load %arg14[%swap3A_571] {strides = array<i32>} : memref<128xi32, #tpu.memory_space<vmem>>, vector<16xi32>,
        %swap3A_573 = vector.shape_cast %swap3A_572 : vector<16xi32> to vector<16xi32>
        %swap3A_574 = vector.shape_cast %get3A_570 : vector<16xi32> to vector<16xi32>
        tpu.vector_store %arg14[%swap3A_571], %swap3A_574 {strides = array<i32>} : memref<128xi32, #tpu.memory_space<vmem>>, vector<16xi32>,
        %swap3A_575 = arith.constant 80 : index
        %swap3A_576 = tpu.vector_load %arg15[%swap3A_575] {strides = array<i32>} : memref<128xi32, #tpu.memory_space<vmem>>, vector<16xi32>,
        %swap3A_577 = vector.shape_cast %swap3A_576 : vector<16xi32> to vector<16xi32>
        %swap3A_578 = vector.shape_cast %get3A_546 : vector<16xi32> to vector<16xi32>
        tpu.vector_store %arg15[%swap3A_575], %swap3A_578 {strides = array<i32>} : memref<128xi32, #tpu.memory_space<vmem>>, vector<16xi32>,
        %mul3A_579 = arith.constant 32 : i32
        %mul3A_580 = vector.broadcast %mul3A_579 : i32 to vector<16xi32>
        %mul3A_581 = arith.muli %get3A_546, %mul3A_580 : vector<16xi32>
        %mul3A_582 = arith.constant 3 : i32
        %mul3A_583 = vector.broadcast %mul3A_582 : i32 to vector<16xi32>
        %mul3A_584 = arith.muli %min3A_556, %mul3A_583 : vector<16xi32>
        %add3A_585 = arith.addi %mul3A_581, %mul3A_584 : vector<16xi32>
        %add3A_586 = arith.addi %add3A_585, %min3A_566 : vector<16xi32>
        %swap3A_587 = arith.constant 80 : index
        %swap3A_588 = tpu.vector_load %arg16[%swap3A_587] {strides = array<i32>} : memref<128xi32, #tpu.memory_space<vmem>>, vector<16xi32>,
        %swap3A_589 = vector.shape_cast %swap3A_588 : vector<16xi32> to vector<16xi32>
        %swap3A_590 = vector.shape_cast %add3A_586 : vector<16xi32> to vector<16xi32>
        tpu.vector_store %arg16[%swap3A_587], %swap3A_590 {strides = array<i32>} : memref<128xi32, #tpu.memory_space<vmem>>, vector<16xi32>,
        %get3A_591 = arith.index_cast %scan3A_304 : i32 to index
        %get3A_592 = arith.constant 96 : index
        %get3A_593 = tpu.vector_load %arg11[%get3A_591, %get3A_592] {strides = array<i32>} : memref<8x128xi32, #tpu.memory_space<vmem>>, vector<1x16xi32>,
        %get3A_594 = vector.shape_cast %get3A_593 : vector<1x16xi32> to vector<16xi32>
        %get3A_595 = arith.index_cast %scan3A_304 : i32 to index
        %get3A_596 = arith.constant 96 : index
        %get3A_597 = tpu.vector_load %arg12[%get3A_595, %get3A_596] {strides = array<i32>} : memref<8x128xi32, #tpu.memory_space<vmem>>, vector<1x16xi32>,
        %get3A_598 = vector.shape_cast %get3A_597 : vector<1x16xi32> to vector<16xi32>
        %max3A_599 = arith.constant 0 : i32
        %max3A_600 = vector.broadcast %max3A_599 : i32 to vector<16xi32>
        %max3A_601 = arith.maxsi %get3A_598, %max3A_600 : vector<16xi32>
        %min3A_602 = arith.constant 5 : i32
        %min3A_603 = vector.broadcast %min3A_602 : i32 to vector<16xi32>
        %min3A_604 = arith.minsi %max3A_601, %min3A_603 : vector<16xi32>
        %get3A_605 = arith.index_cast %scan3A_304 : i32 to index
        %get3A_606 = arith.constant 96 : index
        %get3A_607 = tpu.vector_load %arg13[%get3A_605, %get3A_606] {strides = array<i32>} : memref<8x128xi32, #tpu.memory_space<vmem>>, vector<1x16xi32>,
        %get3A_608 = vector.shape_cast %get3A_607 : vector<1x16xi32> to vector<16xi32>
        %max3A_609 = arith.constant 0 : i32
        %max3A_610 = vector.broadcast %max3A_609 : i32 to vector<16xi32>
        %max3A_611 = arith.maxsi %get3A_608, %max3A_610 : vector<16xi32>
        %min3A_612 = arith.constant 2 : i32
        %min3A_613 = vector.broadcast %min3A_612 : i32 to vector<16xi32>
        %min3A_614 = arith.minsi %max3A_611, %min3A_613 : vector<16xi32>
        %get3A_615 = arith.index_cast %scan3A_304 : i32 to index
        %get3A_616 = arith.constant 96 : index
        %get3A_617 = tpu.vector_load %arg10[%get3A_615, %get3A_616] {strides = array<i32>} : memref<8x128xi32, #tpu.memory_space<vmem>>, vector<1x16xi32>,
        %get3A_618 = vector.shape_cast %get3A_617 : vector<1x16xi32> to vector<16xi32>
        %swap3A_619 = arith.constant 96 : index
        %swap3A_620 = tpu.vector_load %arg14[%swap3A_619] {strides = array<i32>} : memref<128xi32, #tpu.memory_space<vmem>>, vector<16xi32>,
        %swap3A_621 = vector.shape_cast %swap3A_620 : vector<16xi32> to vector<16xi32>
        %swap3A_622 = vector.shape_cast %get3A_618 : vector<16xi32> to vector<16xi32>
        tpu.vector_store %arg14[%swap3A_619], %swap3A_622 {strides = array<i32>} : memref<128xi32, #tpu.memory_space<vmem>>, vector<16xi32>,
        %swap3A_623 = arith.constant 96 : index
        %swap3A_624 = tpu.vector_load %arg15[%swap3A_623] {strides = array<i32>} : memref<128xi32, #tpu.memory_space<vmem>>, vector<16xi32>,
        %swap3A_625 = vector.shape_cast %swap3A_624 : vector<16xi32> to vector<16xi32>
        %swap3A_626 = vector.shape_cast %get3A_594 : vector<16xi32> to vector<16xi32>
        tpu.vector_store %arg15[%swap3A_623], %swap3A_626 {strides = array<i32>} : memref<128xi32, #tpu.memory_space<vmem>>, vector<16xi32>,
        %mul3A_627 = arith.constant 32 : i32
        %mul3A_628 = vector.broadcast %mul3A_627 : i32 to vector<16xi32>
        %mul3A_629 = arith.muli %get3A_594, %mul3A_628 : vector<16xi32>
        %mul3A_630 = arith.constant 3 : i32
        %mul3A_631 = vector.broadcast %mul3A_630 : i32 to vector<16xi32>
        %mul3A_632 = arith.muli %min3A_604, %mul3A_631 : vector<16xi32>
        %add3A_633 = arith.addi %mul3A_629, %mul3A_632 : vector<16xi32>
        %add3A_634 = arith.addi %add3A_633, %min3A_614 : vector<16xi32>
        %swap3A_635 = arith.constant 96 : index
        %swap3A_636 = tpu.vector_load %arg16[%swap3A_635] {strides = array<i32>} : memref<128xi32, #tpu.memory_space<vmem>>, vector<16xi32>,
        %swap3A_637 = vector.shape_cast %swap3A_636 : vector<16xi32> to vector<16xi32>
        %swap3A_638 = vector.shape_cast %add3A_634 : vector<16xi32> to vector<16xi32>
        tpu.vector_store %arg16[%swap3A_635], %swap3A_638 {strides = array<i32>} : memref<128xi32, #tpu.memory_space<vmem>>, vector<16xi32>,
        %get3A_639 = arith.index_cast %scan3A_304 : i32 to index
        %get3A_640 = arith.constant 112 : index
        %get3A_641 = tpu.vector_load %arg11[%get3A_639, %get3A_640] {strides = array<i32>} : memref<8x128xi32, #tpu.memory_space<vmem>>, vector<1x16xi32>,
        %get3A_642 = vector.shape_cast %get3A_641 : vector<1x16xi32> to vector<16xi32>
        %get3A_643 = arith.index_cast %scan3A_304 : i32 to index
        %get3A_644 = arith.constant 112 : index
        %get3A_645 = tpu.vector_load %arg12[%get3A_643, %get3A_644] {strides = array<i32>} : memref<8x128xi32, #tpu.memory_space<vmem>>, vector<1x16xi32>,
        %get3A_646 = vector.shape_cast %get3A_645 : vector<1x16xi32> to vector<16xi32>
        %max3A_647 = arith.constant 0 : i32
        %max3A_648 = vector.broadcast %max3A_647 : i32 to vector<16xi32>
        %max3A_649 = arith.maxsi %get3A_646, %max3A_648 : vector<16xi32>
        %min3A_650 = arith.constant 5 : i32
        %min3A_651 = vector.broadcast %min3A_650 : i32 to vector<16xi32>
        %min3A_652 = arith.minsi %max3A_649, %min3A_651 : vector<16xi32>
        %get3A_653 = arith.index_cast %scan3A_304 : i32 to index
        %get3A_654 = arith.constant 112 : index
        %get3A_655 = tpu.vector_load %arg13[%get3A_653, %get3A_654] {strides = array<i32>} : memref<8x128xi32, #tpu.memory_space<vmem>>, vector<1x16xi32>,
        %get3A_656 = vector.shape_cast %get3A_655 : vector<1x16xi32> to vector<16xi32>
        %max3A_657 = arith.constant 0 : i32
        %max3A_658 = vector.broadcast %max3A_657 : i32 to vector<16xi32>
        %max3A_659 = arith.maxsi %get3A_656, %max3A_658 : vector<16xi32>
        %min3A_660 = arith.constant 2 : i32
        %min3A_661 = vector.broadcast %min3A_660 : i32 to vector<16xi32>
        %min3A_662 = arith.minsi %max3A_659, %min3A_661 : vector<16xi32>
        %get3A_663 = arith.index_cast %scan3A_304 : i32 to index
        %get3A_664 = arith.constant 112 : index
        %get3A_665 = tpu.vector_load %arg10[%get3A_663, %get3A_664] {strides = array<i32>} : memref<8x128xi32, #tpu.memory_space<vmem>>, vector<1x16xi32>,
        %get3A_666 = vector.shape_cast %get3A_665 : vector<1x16xi32> to vector<16xi32>
        %swap3A_667 = arith.constant 112 : index
        %swap3A_668 = tpu.vector_load %arg14[%swap3A_667] {strides = array<i32>} : memref<128xi32, #tpu.memory_space<vmem>>, vector<16xi32>,
        %swap3A_669 = vector.shape_cast %swap3A_668 : vector<16xi32> to vector<16xi32>
        %swap3A_670 = vector.shape_cast %get3A_666 : vector<16xi32> to vector<16xi32>
        tpu.vector_store %arg14[%swap3A_667], %swap3A_670 {strides = array<i32>} : memref<128xi32, #tpu.memory_space<vmem>>, vector<16xi32>,
        %swap3A_671 = arith.constant 112 : index
        %swap3A_672 = tpu.vector_load %arg15[%swap3A_671] {strides = array<i32>} : memref<128xi32, #tpu.memory_space<vmem>>, vector<16xi32>,
        %swap3A_673 = vector.shape_cast %swap3A_672 : vector<16xi32> to vector<16xi32>
        %swap3A_674 = vector.shape_cast %get3A_642 : vector<16xi32> to vector<16xi32>
        tpu.vector_store %arg15[%swap3A_671], %swap3A_674 {strides = array<i32>} : memref<128xi32, #tpu.memory_space<vmem>>, vector<16xi32>,
        %mul3A_675 = arith.constant 32 : i32
        %mul3A_676 = vector.broadcast %mul3A_675 : i32 to vector<16xi32>
        %mul3A_677 = arith.muli %get3A_642, %mul3A_676 : vector<16xi32>
        %mul3A_678 = arith.constant 3 : i32
        %mul3A_679 = vector.broadcast %mul3A_678 : i32 to vector<16xi32>
        %mul3A_680 = arith.muli %min3A_652, %mul3A_679 : vector<16xi32>
        %add3A_681 = arith.addi %mul3A_677, %mul3A_680 : vector<16xi32>
        %add3A_682 = arith.addi %add3A_681, %min3A_662 : vector<16xi32>
        %swap3A_683 = arith.constant 112 : index
        %swap3A_684 = tpu.vector_load %arg16[%swap3A_683] {strides = array<i32>} : memref<128xi32, #tpu.memory_space<vmem>>, vector<16xi32>,
        %swap3A_685 = vector.shape_cast %swap3A_684 : vector<16xi32> to vector<16xi32>
        %swap3A_686 = vector.shape_cast %add3A_682 : vector<16xi32> to vector<16xi32>
        tpu.vector_store %arg16[%swap3A_683], %swap3A_686 {strides = array<i32>} : memref<128xi32, #tpu.memory_space<vmem>>, vector<16xi32>,
        %dma_start3A = arith.constant 0 : i32
        %dma_start3A_687 = arith.constant 0 : i32
        %dma_start3A_688 = tpu.memref_slice %arg2[%dma_start3A, %dma_start3A_687] : memref<10000x128xf32, #tpu.memory_space<hbm>> -> memref<10000x128xf32, #tpu.memory_space<hbm>>
        tpu.enqueue_indirect_dma source(%dma_start3A_688 : memref<10000x128xf32, #tpu.memory_space<hbm>>) target(%arg17 : memref<128x128xf32, #tpu.memory_space<vmem>>) offsets(%arg14 : memref<128xi32, #tpu.memory_space<vmem>>) semaphore(%arg20 : memref<!tpu.dma_semaphore, #tpu.memory_space<semaphore_mem>>)
        %dma_wait3A = arith.constant 0 : i32
        %dma_wait3A_689 = arith.constant 0 : i32
        %dma_wait3A_690 = tpu.memref_slice %arg2[%dma_wait3A, %dma_wait3A_689] : memref<10000x128xf32, #tpu.memory_space<hbm>> -> memref<10000x128xf32, #tpu.memory_space<hbm>>
        tpu.wait_indirect_dma semaphore(%arg20 : memref<!tpu.dma_semaphore, #tpu.memory_space<semaphore_mem>>) src(%dma_wait3A_690 : memref<10000x128xf32, #tpu.memory_space<hbm>>) dst(%arg17 : memref<128x128xf32, #tpu.memory_space<vmem>>)
        "tpu.region"() ({
          %run_scoped3A = tpu.sem_alloc : memref<!tpu.dma_semaphore, #tpu.memory_space<semaphore_mem>>
          %dma_start3A_692 = arith.constant 0 : i32
          %dma_start3A_693 = arith.constant 0 : i32
          %dma_start3A_694 = tpu.memref_slice %arg21[%dma_start3A_692, %dma_start3A_693] : memref<10128x128xf32, #tpu.memory_space<vmem_shared>> -> memref<10128x128xf32, #tpu.memory_space<vmem_shared>>
          tpu.enqueue_indirect_dma source(%arg17 : memref<128x128xf32, #tpu.memory_space<vmem>>) target(%dma_start3A_694 : memref<10128x128xf32, #tpu.memory_space<vmem_shared>>) offsets(%arg15 : memref<128xi32, #tpu.memory_space<vmem>>) semaphore(%run_scoped3A : memref<!tpu.dma_semaphore, #tpu.memory_space<semaphore_mem>>) {add = true}
          %dma_wait3A_695 = arith.constant 0 : i32
          %dma_wait3A_696 = arith.constant 0 : i32
          %dma_wait3A_697 = tpu.memref_slice %arg21[%dma_wait3A_695, %dma_wait3A_696] : memref<10128x128xf32, #tpu.memory_space<vmem_shared>> -> memref<10128x128xf32, #tpu.memory_space<vmem_shared>>
          tpu.wait_indirect_dma semaphore(%run_scoped3A : memref<!tpu.dma_semaphore, #tpu.memory_space<semaphore_mem>>) src(%arg17 : memref<128x128xf32, #tpu.memory_space<vmem>>) dst(%dma_wait3A_697 : memref<10128x128xf32, #tpu.memory_space<vmem_shared>>)
          tpu.yield
        }) : () -> ()
        "tpu.region"() ({
          %run_scoped3A = tpu.sem_alloc : memref<!tpu.dma_semaphore, #tpu.memory_space<semaphore_mem>>
          %dma_start3A_692 = arith.constant 0 : i32
          %dma_start3A_693 = tpu.memref_slice %arg22[%dma_start3A_692] : memref<324096xf32, #tpu.memory_space<vmem_shared>> -> memref<324096xf32, #tpu.memory_space<vmem_shared>>
          tpu.enqueue_indirect_dma source(%arg18 : memref<128xf32, #tpu.memory_space<vmem>>) target(%dma_start3A_693 : memref<324096xf32, #tpu.memory_space<vmem_shared>>) offsets(%arg16 : memref<128xi32, #tpu.memory_space<vmem>>) semaphore(%run_scoped3A : memref<!tpu.dma_semaphore, #tpu.memory_space<semaphore_mem>>) {add = true}
          %dma_wait3A_694 = arith.constant 0 : i32
          %dma_wait3A_695 = tpu.memref_slice %arg22[%dma_wait3A_694] : memref<324096xf32, #tpu.memory_space<vmem_shared>> -> memref<324096xf32, #tpu.memory_space<vmem_shared>>
          tpu.wait_indirect_dma semaphore(%run_scoped3A : memref<!tpu.dma_semaphore, #tpu.memory_space<semaphore_mem>>) src(%arg18 : memref<128xf32, #tpu.memory_space<vmem>>) dst(%dma_wait3A_695 : memref<324096xf32, #tpu.memory_space<vmem_shared>>)
          tpu.yield
        }) : () -> ()
        %scan3A_691 = arith.constant 0 : i32
        scf.yield %scan3A_691 : i32
      }
      %scan3A_302 = arith.constant 8 : i32
      %scan3A_303 = arith.constant 0 : i32
      scf.yield %scan3A_303 : i32
    }
    %scan3A_272 = arith.constant 10 : i32
    %barrier3A_273 = arith.constant 0 : index
    tpu.barrier barrier_id(%barrier3A_273)
    "tpu.region"() ({
      %run_scoped3A = tpu.sem_alloc : memref<!tpu.dma_semaphore, #tpu.memory_space<semaphore_mem>>
      %dma_start3A = arith.constant 0 : i32
      %dma_start3A_289 = tpu.memref_slice %arg7[%arg0, %mul3A_170, %dma_start3A] : memref<2x10000x128xf32, #tpu.memory_space<hbm>> -> memref<1x624x128xf32, #tpu.memory_space<hbm>>
      %dma_start3A_290 = tpu.memref_squeeze %dma_start3A_289 : memref<1x624x128xf32, #tpu.memory_space<hbm>> -> memref<624x128xf32, #tpu.memory_space<hbm>>
      %dma_start3A_291 = arith.constant 0 : i32
      %dma_start3A_292 = tpu.memref_slice %arg21[%mul3A_170, %dma_start3A_291] : memref<10128x128xf32, #tpu.memory_space<vmem_shared>> -> memref<624x128xf32, #tpu.memory_space<vmem_shared>>
      tpu.enqueue_dma source(%dma_start3A_292 : memref<624x128xf32, #tpu.memory_space<vmem_shared>>) target(%dma_start3A_290 : memref<624x128xf32, #tpu.memory_space<hbm>>) target_semaphore(%run_scoped3A : memref<!tpu.dma_semaphore, #tpu.memory_space<semaphore_mem>>)
      %dma_wait3A = arith.constant 0 : i32
      %dma_wait3A_293 = tpu.memref_slice %arg7[%arg0, %mul3A_170, %dma_wait3A] : memref<2x10000x128xf32, #tpu.memory_space<hbm>> -> memref<1x624x128xf32, #tpu.memory_space<hbm>>
      %dma_wait3A_294 = tpu.memref_squeeze %dma_wait3A_293 : memref<1x624x128xf32, #tpu.memory_space<hbm>> -> memref<624x128xf32, #tpu.memory_space<hbm>>
      %dma_wait3A_295 = arith.constant 0 : i32
      %dma_wait3A_296 = tpu.memref_slice %arg21[%mul3A_170, %dma_wait3A_295] : memref<10128x128xf32, #tpu.memory_space<vmem_shared>> -> memref<624x128xf32, #tpu.memory_space<vmem_shared>>
      tpu.wait_dma2 semaphore(%run_scoped3A : memref<!tpu.dma_semaphore, #tpu.memory_space<semaphore_mem>>) src(%dma_wait3A_296 : memref<624x128xf32, #tpu.memory_space<vmem_shared>>) dst(%dma_wait3A_294 : memref<624x128xf32, #tpu.memory_space<hbm>>)
      tpu.yield
    }) : () -> ()
    %eq3A_274 = arith.constant 15 : i32
    %eq3A_275 = arith.cmpi eq, %arg1, %eq3A_274 : i32
    %convert_element_type3A_276 = arith.extui %eq3A_275 : i1 to i32
    %cond3A_277 = arith.constant 0 : i32
    %cond3A_278 = arith.cmpi ne, %convert_element_type3A_276, %cond3A_277 : i32
    scf.if %cond3A_278 {
      "tpu.region"() ({
        %run_scoped3A = tpu.sem_alloc : memref<!tpu.dma_semaphore, #tpu.memory_space<semaphore_mem>>
        %dma_start3A = arith.constant 9984 : i32
        %dma_start3A_289 = arith.constant 0 : i32
        %dma_start3A_290 = tpu.memref_slice %arg7[%arg0, %dma_start3A, %dma_start3A_289] : memref<2x10000x128xf32, #tpu.memory_space<hbm>> -> memref<1x16x128xf32, #tpu.memory_space<hbm>>
        %dma_start3A_291 = tpu.memref_squeeze %dma_start3A_290 : memref<1x16x128xf32, #tpu.memory_space<hbm>> -> memref<16x128xf32, #tpu.memory_space<hbm>>
        %dma_start3A_292 = arith.constant 9984 : i32
        %dma_start3A_293 = arith.constant 0 : i32
        %dma_start3A_294 = tpu.memref_slice %arg21[%dma_start3A_292, %dma_start3A_293] : memref<10128x128xf32, #tpu.memory_space<vmem_shared>> -> memref<16x128xf32, #tpu.memory_space<vmem_shared>>
        tpu.enqueue_dma source(%dma_start3A_294 : memref<16x128xf32, #tpu.memory_space<vmem_shared>>) target(%dma_start3A_291 : memref<16x128xf32, #tpu.memory_space<hbm>>) target_semaphore(%run_scoped3A : memref<!tpu.dma_semaphore, #tpu.memory_space<semaphore_mem>>)
        %dma_wait3A = arith.constant 9984 : i32
        %dma_wait3A_295 = arith.constant 0 : i32
        %dma_wait3A_296 = tpu.memref_slice %arg7[%arg0, %dma_wait3A, %dma_wait3A_295] : memref<2x10000x128xf32, #tpu.memory_space<hbm>> -> memref<1x16x128xf32, #tpu.memory_space<hbm>>
        %dma_wait3A_297 = tpu.memref_squeeze %dma_wait3A_296 : memref<1x16x128xf32, #tpu.memory_space<hbm>> -> memref<16x128xf32, #tpu.memory_space<hbm>>
        %dma_wait3A_298 = arith.constant 9984 : i32
        %dma_wait3A_299 = arith.constant 0 : i32
        %dma_wait3A_300 = tpu.memref_slice %arg21[%dma_wait3A_298, %dma_wait3A_299] : memref<10128x128xf32, #tpu.memory_space<vmem_shared>> -> memref<16x128xf32, #tpu.memory_space<vmem_shared>>
        tpu.wait_dma2 semaphore(%run_scoped3A : memref<!tpu.dma_semaphore, #tpu.memory_space<semaphore_mem>>) src(%dma_wait3A_300 : memref<16x128xf32, #tpu.memory_space<vmem_shared>>) dst(%dma_wait3A_297 : memref<16x128xf32, #tpu.memory_space<hbm>>)
        tpu.yield
      }) : () -> ()
    } else {
    }
    %eq3A_279 = arith.constant 0 : i32
    %eq3A_280 = arith.cmpi eq, %arg0, %eq3A_279 : i32
    %convert_element_type3A_281 = arith.extui %eq3A_280 : i1 to i32
    %cond3A_282 = arith.constant 0 : i32
    %cond3A_283 = arith.cmpi ne, %convert_element_type3A_281, %cond3A_282 : i32
    scf.if %cond3A_283 {
      "tpu.region"() ({
        %run_scoped3A = tpu.sem_alloc : memref<!tpu.dma_semaphore, #tpu.memory_space<semaphore_mem>>
        %dma_start3A = tpu.memref_slice %arg8[%mul3A_184] : memref<324096xf32, #tpu.memory_space<hbm>> -> memref<19456xf32, #tpu.memory_space<hbm>>
        %dma_start3A_294 = tpu.memref_slice %arg22[%mul3A_184] : memref<324096xf32, #tpu.memory_space<vmem_shared>> -> memref<19456xf32, #tpu.memory_space<vmem_shared>>
        tpu.enqueue_dma source(%dma_start3A_294 : memref<19456xf32, #tpu.memory_space<vmem_shared>>) target(%dma_start3A : memref<19456xf32, #tpu.memory_space<hbm>>) target_semaphore(%run_scoped3A : memref<!tpu.dma_semaphore, #tpu.memory_space<semaphore_mem>>)
        %dma_wait3A = tpu.memref_slice %arg8[%mul3A_184] : memref<324096xf32, #tpu.memory_space<hbm>> -> memref<19456xf32, #tpu.memory_space<hbm>>
        %dma_wait3A_295 = tpu.memref_slice %arg22[%mul3A_184] : memref<324096xf32, #tpu.memory_space<vmem_shared>> -> memref<19456xf32, #tpu.memory_space<vmem_shared>>
        tpu.wait_dma2 semaphore(%run_scoped3A : memref<!tpu.dma_semaphore, #tpu.memory_space<semaphore_mem>>) src(%dma_wait3A_295 : memref<19456xf32, #tpu.memory_space<vmem_shared>>) dst(%dma_wait3A : memref<19456xf32, #tpu.memory_space<hbm>>)
        tpu.yield
      }) : () -> ()
      %eq3A_289 = arith.constant 15 : i32
      %eq3A_290 = arith.cmpi eq, %arg1, %eq3A_289 : i32
      %convert_element_type3A_291 = arith.extui %eq3A_290 : i1 to i32
      %cond3A_292 = arith.constant 0 : i32
      %cond3A_293 = arith.cmpi ne, %convert_element_type3A_291, %cond3A_292 : i32
      scf.if %cond3A_293 {
        "tpu.region"() ({
          %run_scoped3A = tpu.sem_alloc : memref<!tpu.dma_semaphore, #tpu.memory_space<semaphore_mem>>
          %dma_start3A = arith.constant 311296 : i32
          %dma_start3A_294 = tpu.memref_slice %arg8[%dma_start3A] : memref<324096xf32, #tpu.memory_space<hbm>> -> memref<12800xf32, #tpu.memory_space<hbm>>
          %dma_start3A_295 = arith.constant 311296 : i32
          %dma_start3A_296 = tpu.memref_slice %arg22[%dma_start3A_295] : memref<324096xf32, #tpu.memory_space<vmem_shared>> -> memref<12800xf32, #tpu.memory_space<vmem_shared>>
          tpu.enqueue_dma source(%dma_start3A_296 : memref<12800xf32, #tpu.memory_space<vmem_shared>>) target(%dma_start3A_294 : memref<12800xf32, #tpu.memory_space<hbm>>) target_semaphore(%run_scoped3A : memref<!tpu.dma_semaphore, #tpu.memory_space<semaphore_mem>>)
          %dma_wait3A = arith.constant 311296 : i32
          %dma_wait3A_297 = tpu.memref_slice %arg8[%dma_wait3A] : memref<324096xf32, #tpu.memory_space<hbm>> -> memref<12800xf32, #tpu.memory_space<hbm>>
          %dma_wait3A_298 = arith.constant 311296 : i32
          %dma_wait3A_299 = tpu.memref_slice %arg22[%dma_wait3A_298] : memref<324096xf32, #tpu.memory_space<vmem_shared>> -> memref<12800xf32, #tpu.memory_space<vmem_shared>>
          tpu.wait_dma2 semaphore(%run_scoped3A : memref<!tpu.dma_semaphore, #tpu.memory_space<semaphore_mem>>) src(%dma_wait3A_299 : memref<12800xf32, #tpu.memory_space<vmem_shared>>) dst(%dma_wait3A_297 : memref<12800xf32, #tpu.memory_space<hbm>>)
          tpu.yield
        }) : () -> ()
      } else {
      }
    } else {
    }
    %eq3A_284 = arith.constant 1 : i32
    %eq3A_285 = arith.cmpi eq, %arg0, %eq3A_284 : i32
    %convert_element_type3A_286 = arith.extui %eq3A_285 : i1 to i32
    %cond3A_287 = arith.constant 0 : i32
    %cond3A_288 = arith.cmpi ne, %convert_element_type3A_286, %cond3A_287 : i32
    scf.if %cond3A_288 {
      "tpu.region"() ({
        %run_scoped3A = tpu.sem_alloc : memref<!tpu.dma_semaphore, #tpu.memory_space<semaphore_mem>>
        %dma_start3A = tpu.memref_slice %arg9[%mul3A_184] : memref<324096xf32, #tpu.memory_space<hbm>> -> memref<19456xf32, #tpu.memory_space<hbm>>
        %dma_start3A_294 = tpu.memref_slice %arg22[%mul3A_184] : memref<324096xf32, #tpu.memory_space<vmem_shared>> -> memref<19456xf32, #tpu.memory_space<vmem_shared>>
        tpu.enqueue_dma source(%dma_start3A_294 : memref<19456xf32, #tpu.memory_space<vmem_shared>>) target(%dma_start3A : memref<19456xf32, #tpu.memory_space<hbm>>) target_semaphore(%run_scoped3A : memref<!tpu.dma_semaphore, #tpu.memory_space<semaphore_mem>>)
        %dma_wait3A = tpu.memref_slice %arg9[%mul3A_184] : memref<324096xf32, #tpu.memory_space<hbm>> -> memref<19456xf32, #tpu.memory_space<hbm>>
        %dma_wait3A_295 = tpu.memref_slice %arg22[%mul3A_184] : memref<324096xf32, #tpu.memory_space<vmem_shared>> -> memref<19456xf32, #tpu.memory_space<vmem_shared>>
        tpu.wait_dma2 semaphore(%run_scoped3A : memref<!tpu.dma_semaphore, #tpu.memory_space<semaphore_mem>>) src(%dma_wait3A_295 : memref<19456xf32, #tpu.memory_space<vmem_shared>>) dst(%dma_wait3A : memref<19456xf32, #tpu.memory_space<hbm>>)
        tpu.yield
      }) : () -> ()
      %eq3A_289 = arith.constant 15 : i32
      %eq3A_290 = arith.cmpi eq, %arg1, %eq3A_289 : i32
      %convert_element_type3A_291 = arith.extui %eq3A_290 : i1 to i32
      %cond3A_292 = arith.constant 0 : i32
      %cond3A_293 = arith.cmpi ne, %convert_element_type3A_291, %cond3A_292 : i32
      scf.if %cond3A_293 {
        "tpu.region"() ({
          %run_scoped3A = tpu.sem_alloc : memref<!tpu.dma_semaphore, #tpu.memory_space<semaphore_mem>>
          %dma_start3A = arith.constant 311296 : i32
          %dma_start3A_294 = tpu.memref_slice %arg9[%dma_start3A] : memref<324096xf32, #tpu.memory_space<hbm>> -> memref<12800xf32, #tpu.memory_space<hbm>>
          %dma_start3A_295 = arith.constant 311296 : i32
          %dma_start3A_296 = tpu.memref_slice %arg22[%dma_start3A_295] : memref<324096xf32, #tpu.memory_space<vmem_shared>> -> memref<12800xf32, #tpu.memory_space<vmem_shared>>
          tpu.enqueue_dma source(%dma_start3A_296 : memref<12800xf32, #tpu.memory_space<vmem_shared>>) target(%dma_start3A_294 : memref<12800xf32, #tpu.memory_space<hbm>>) target_semaphore(%run_scoped3A : memref<!tpu.dma_semaphore, #tpu.memory_space<semaphore_mem>>)
          %dma_wait3A = arith.constant 311296 : i32
          %dma_wait3A_297 = tpu.memref_slice %arg9[%dma_wait3A] : memref<324096xf32, #tpu.memory_space<hbm>> -> memref<12800xf32, #tpu.memory_space<hbm>>
          %dma_wait3A_298 = arith.constant 311296 : i32
          %dma_wait3A_299 = tpu.memref_slice %arg22[%dma_wait3A_298] : memref<324096xf32, #tpu.memory_space<vmem_shared>> -> memref<12800xf32, #tpu.memory_space<vmem_shared>>
          tpu.wait_dma2 semaphore(%run_scoped3A : memref<!tpu.dma_semaphore, #tpu.memory_space<semaphore_mem>>) src(%dma_wait3A_299 : memref<12800xf32, #tpu.memory_space<vmem_shared>>) dst(%dma_wait3A_297 : memref<12800xf32, #tpu.memory_space<hbm>>)
          tpu.yield
        }) : () -> ()
      } else {
      }
    } else {
    }
    return
  }
}

module attributes {stable_mosaic.version = 14 : i64} {
  func.func @body(%arg0: i32, %arg1: memref<1000x128xf32, #tpu.memory_space<vmem>>, %arg2: memref<1x1536xi32, #tpu.memory_space<vmem>>, %arg3: memref<1x1xf32, #tpu.memory_space<smem>>, %arg4: memref<1000x128xf32, #tpu.memory_space<vmem>>) attributes {dimension_semantics = [#tpu.dimension_semantics<arbitrary>], iteration_bounds = array<i64: 10>, scalar_prefetch = 0 : i64, scratch_operands = 0 : i64, tpu.core_type = #tpu.core_type<tc>, window_params = [{transform_indices = @transform_0, window_bounds = array<i64: 1000, 128>}, {pipeline_mode = #tpu.pipeline_mode<synchronous>, transform_indices = @transform_1, window_bounds = array<i64: 1, 1536>}, {transform_indices = @transform_2, window_bounds = array<i64: 1, 1>}, {transform_indices = @transform_3, window_bounds = array<i64: 1000, 128>}]} {
    %get3A = arith.constant 0 : index
    %get3A_0 = arith.constant 0 : index
    %get3A_1 = vector.load %arg1[%get3A, %get3A_0] : memref<1000x128xf32, #tpu.memory_space<vmem>>, vector<1000x128xf32>
    %get3A_2 = arith.constant 0 : index
    %get3A_3 = arith.constant 0 : index
    %get3A_4 = memref.load %arg3[%get3A_2, %get3A_3] : memref<1x1xf32, #tpu.memory_space<smem>>
    %ge3A = arith.constant 0.000000e+00 : f32
    %ge3A_5 = vector.broadcast %ge3A : f32 to vector<1000x128xf32>
    %ge3A_6 = arith.cmpf oge, %get3A_1, %ge3A_5 : vector<1000x128xf32>
    %mul3A = vector.broadcast %get3A_4 : f32 to vector<1000x128xf32>
    %mul3A_7 = arith.mulf %mul3A, %get3A_1 : vector<1000x128xf32>
    %select_n3A = arith.select %ge3A_6, %get3A_1, %mul3A_7 : vector<1000x128xi1>, vector<1000x128xf32>
    %mul3A_8 = arith.constant 1000 : i32
    %mul3A_9 = arith.muli %arg0, %mul3A_8 : i32
    %iota3A = tpu.iota {dimensions = array<i32: 0>} : vector<1000x1xi32>
    %add3A = vector.broadcast %mul3A_9 : i32 to vector<1000x1xi32>
    %add3A_10 = arith.addi %add3A, %iota3A : vector<1000x1xi32>
    %get3A_11 = arith.constant 0 : index
    %get3A_12 = arith.constant 0 : index
    %get3A_13 = vector.load %arg2[%get3A_11, %get3A_12] : memref<1x1536xi32, #tpu.memory_space<vmem>>, vector<1x1536xi32>
    %eq3A = vector.broadcast %add3A_10 : vector<1000x1xi32> to vector<1000x1536xi32>
    %eq3A_14 = vector.broadcast %get3A_13 : vector<1x1536xi32> to vector<1000x1536xi32>
    %eq3A_15 = arith.cmpi eq, %eq3A, %eq3A_14 : vector<1000x1536xi32>
    %reduce_or3A = arith.constant 1.000000e+00 : f32
    %reduce_or3A_16 = arith.constant 0.000000e+00 : f32
    %reduce_or3A_17 = vector.broadcast %reduce_or3A : f32 to vector<1000x1536xf32>
    %reduce_or3A_18 = vector.broadcast %reduce_or3A_16 : f32 to vector<1000x1536xf32>
    %reduce_or3A_19 = arith.select %eq3A_15, %reduce_or3A_17, %reduce_or3A_18 : vector<1000x1536xi1>, vector<1000x1536xf32>
    %reduce_or3A_20 = arith.constant dense<0xFF800000> : vector<1000xf32>
    %reduce_or3A_21 = vector.multi_reduction <maximumf>, %reduce_or3A_19, %reduce_or3A_20 [1] : vector<1000x1536xf32> to vector<1000xf32>
    %reduce_or3A_22 = arith.constant 0.000000e+00 : f32
    %reduce_or3A_23 = vector.broadcast %reduce_or3A_22 : f32 to vector<1000xf32>
    %reduce_or3A_24 = arith.cmpf ogt, %reduce_or3A_21, %reduce_or3A_23 : vector<1000xf32>
    %broadcast_in_dim3A = vector.shape_cast %reduce_or3A_24 : vector<1000xi1> to vector<1000x1xi1>
    %jit3A = arith.constant 0.000000e+00 : f32
    %broadcast_in_dim3A_25 = vector.shape_cast %broadcast_in_dim3A : vector<1000x1xi1> to vector<1000x1xi1>
    %broadcast_in_dim3A_26 = vector.broadcast %broadcast_in_dim3A_25 : vector<1000x1xi1> to vector<1000x128xi1>
    %broadcast_in_dim3A_27 = vector.broadcast %jit3A : f32 to vector<1000x128xf32>
    %select_n3A_28 = arith.select %broadcast_in_dim3A_26, %broadcast_in_dim3A_27, %select_n3A : vector<1000x128xi1>, vector<1000x128xf32>
    %swap3A = arith.constant 0 : index
    %swap3A_29 = arith.constant 0 : index
    %swap3A_30 = vector.load %arg4[%swap3A, %swap3A_29] : memref<1000x128xf32, #tpu.memory_space<vmem>>, vector<1000x128xf32>
    tpu.vector_store %arg4[%swap3A, %swap3A_29], %select_n3A_28 {strides = array<i32>} : memref<1000x128xf32, #tpu.memory_space<vmem>>, vector<1000x128xf32>,
    return
  }
  func.func @transform_0(%arg0: i32) -> (i32, i32) {
    %c0_i32 = arith.constant 0 : i32
    %c0_i32_0 = arith.constant 0 : i32
    return %arg0, %c0_i32 : i32, i32
  }
  func.func @transform_1(%arg0: i32) -> (i32, i32) {
    %c0_i32 = arith.constant 0 : i32
    %c0_i32_0 = arith.constant 0 : i32
    %c0_i32_1 = arith.constant 0 : i32
    return %c0_i32, %c0_i32_0 : i32, i32
  }
  func.func @transform_2(%arg0: i32) -> (i32, i32) {
    %c0_i32 = arith.constant 0 : i32
    %c0_i32_0 = arith.constant 0 : i32
    %c0_i32_1 = arith.constant 0 : i32
    return %c0_i32, %c0_i32_0 : i32, i32
  }
  func.func @transform_3(%arg0: i32) -> (i32, i32) {
    %c0_i32 = arith.constant 0 : i32
    %c0_i32_0 = arith.constant 0 : i32
    return %arg0, %c0_i32 : i32, i32
  }
}

module attributes {stable_mosaic.version = 14 : i64} {
  func.func @body(%arg0: i32, %arg1: memref<2x1000x128xf32, #tpu.memory_space<vmem>>, %arg2: memref<1000x128xf32, #tpu.memory_space<vmem>>, %arg3: memref<1000x32xf32, #tpu.memory_space<vmem>>, %arg4: memref<1000x32xf32, #tpu.memory_space<vmem>>, %arg5: memref<128x128xf32, #tpu.memory_space<vmem>>, %arg6: memref<32x128xf32, #tpu.memory_space<vmem>>, %arg7: memref<256x128xf32, #tpu.memory_space<vmem>>, %arg8: memref<1x256xf32, #tpu.memory_space<vmem>>, %arg9: memref<128x256xf32, #tpu.memory_space<vmem>>, %arg10: memref<1x128xf32, #tpu.memory_space<vmem>>, %arg11: memref<1000x128xf32, #tpu.memory_space<vmem>>) attributes {dimension_semantics = [#tpu.dimension_semantics<arbitrary>], iteration_bounds = array<i64: 10>, scalar_prefetch = 0 : i64, scratch_operands = 0 : i64, tpu.core_type = #tpu.core_type<tc>, window_params = [{transform_indices = @transform_0, window_bounds = array<i64: 2, 1000, 128>}, {transform_indices = @transform_1, window_bounds = array<i64: 1000, 128>}, {transform_indices = @transform_2, window_bounds = array<i64: 1000, 32>}, {transform_indices = @transform_3, window_bounds = array<i64: 1000, 32>}, {pipeline_mode = #tpu.pipeline_mode<synchronous>, transform_indices = @transform_4, window_bounds = array<i64: 128, 128>}, {pipeline_mode = #tpu.pipeline_mode<synchronous>, transform_indices = @transform_5, window_bounds = array<i64: 32, 128>}, {pipeline_mode = #tpu.pipeline_mode<synchronous>, transform_indices = @transform_6, window_bounds = array<i64: 256, 128>}, {pipeline_mode = #tpu.pipeline_mode<synchronous>, transform_indices = @transform_7, window_bounds = array<i64: 1, 256>}, {pipeline_mode = #tpu.pipeline_mode<synchronous>, transform_indices = @transform_8, window_bounds = array<i64: 128, 256>}, {pipeline_mode = #tpu.pipeline_mode<synchronous>, transform_indices = @transform_9, window_bounds = array<i64: 1, 128>}, {transform_indices = @transform_10, window_bounds = array<i64: 1000, 128>}]} {
    %get3A = arith.constant 0 : index
    %get3A_0 = arith.constant 0 : index
    %get3A_1 = arith.constant 0 : index
    %get3A_2 = vector.load %arg1[%get3A, %get3A_0, %get3A_1] : memref<2x1000x128xf32, #tpu.memory_space<vmem>>, vector<1x1000x128xf32>
    %get3A_3 = vector.shape_cast %get3A_2 : vector<1x1000x128xf32> to vector<1000x128xf32>
    %get3A_4 = arith.constant 1 : index
    %get3A_5 = arith.constant 0 : index
    %get3A_6 = arith.constant 0 : index
    %get3A_7 = vector.load %arg1[%get3A_4, %get3A_5, %get3A_6] : memref<2x1000x128xf32, #tpu.memory_space<vmem>>, vector<1x1000x128xf32>
    %get3A_8 = vector.shape_cast %get3A_7 : vector<1x1000x128xf32> to vector<1000x128xf32>
    %add3A = arith.addf %get3A_3, %get3A_8 : vector<1000x128xf32>
    %get3A_9 = arith.constant 0 : index
    %get3A_10 = arith.constant 0 : index
    %get3A_11 = vector.load %arg2[%get3A_9, %get3A_10] : memref<1000x128xf32, #tpu.memory_space<vmem>>, vector<1000x128xf32>
    %add3A_12 = arith.addf %add3A, %get3A_11 : vector<1000x128xf32>
    %get3A_13 = arith.constant 0 : index
    %get3A_14 = arith.constant 0 : index
    %get3A_15 = vector.load %arg5[%get3A_13, %get3A_14] : memref<128x128xf32, #tpu.memory_space<vmem>>, vector<128x128xf32>
    %dot_general3A = arith.constant dense<0.000000e+00> : vector<1000x128xf32>
    %dot_general3A_16 = tpu.matmul %add3A_12, %get3A_15, %dot_general3A {dimension_numbers = #tpu.dot_dimension_numbers<[1], [1], [0], [0], [0, 0, 1, 0], [], []>, transpose_lhs_hint = false} : vector<1000x128xf32>, vector<128x128xf32>, vector<1000x128xf32> -> vector<1000x128xf32>
    %get3A_17 = arith.constant 0 : index
    %get3A_18 = arith.constant 0 : index
    %get3A_19 = vector.load %arg3[%get3A_17, %get3A_18] : memref<1000x32xf32, #tpu.memory_space<vmem>>, vector<1000x32xf32>
    %get3A_20 = arith.constant 0 : index
    %get3A_21 = arith.constant 0 : index
    %get3A_22 = vector.load %arg4[%get3A_20, %get3A_21] : memref<1000x32xf32, #tpu.memory_space<vmem>>, vector<1000x32xf32>
    %add3A_23 = arith.addf %get3A_19, %get3A_22 : vector<1000x32xf32>
    %get3A_24 = arith.constant 0 : index
    %get3A_25 = arith.constant 0 : index
    %get3A_26 = vector.load %arg6[%get3A_24, %get3A_25] : memref<32x128xf32, #tpu.memory_space<vmem>>, vector<32x128xf32>
    %dot_general3A_27 = arith.constant dense<0.000000e+00> : vector<1000x128xf32>
    %dot_general3A_28 = tpu.matmul %add3A_23, %get3A_26, %dot_general3A_27 {dimension_numbers = #tpu.dot_dimension_numbers<[1], [0], [0], [1], [0, 0, 1, 1], [], []>, transpose_lhs_hint = false} : vector<1000x32xf32>, vector<32x128xf32>, vector<1000x128xf32> -> vector<1000x128xf32>
    %add3A_29 = arith.addf %dot_general3A_16, %dot_general3A_28 : vector<1000x128xf32>
    %get3A_30 = arith.constant 12 : index
    %get3A_31 = arith.constant 0 : index
    %get3A_32 = vector.load %arg6[%get3A_30, %get3A_31] : memref<32x128xf32, #tpu.memory_space<vmem>>, vector<1x128xf32>
    %add3A_33 = vector.broadcast %get3A_32 : vector<1x128xf32> to vector<1000x128xf32>
    %add3A_34 = arith.addf %add3A_29, %add3A_33 : vector<1000x128xf32>
    %get3A_35 = arith.constant 0 : index
    %get3A_36 = arith.constant 0 : index
    %get3A_37 = vector.load %arg7[%get3A_35, %get3A_36] : memref<256x128xf32, #tpu.memory_space<vmem>>, vector<256x128xf32>
    %dot_general3A_38 = arith.constant dense<0.000000e+00> : vector<1000x256xf32>
    %dot_general3A_39 = tpu.matmul %add3A_34, %get3A_37, %dot_general3A_38 {dimension_numbers = #tpu.dot_dimension_numbers<[1], [1], [0], [0], [0, 0, 1, 0], [], []>, transpose_lhs_hint = false} : vector<1000x128xf32>, vector<256x128xf32>, vector<1000x256xf32> -> vector<1000x256xf32>
    %get3A_40 = arith.constant 0 : index
    %get3A_41 = arith.constant 0 : index
    %get3A_42 = vector.load %arg8[%get3A_40, %get3A_41] : memref<1x256xf32, #tpu.memory_space<vmem>>, vector<1x256xf32>
    %add3A_43 = vector.broadcast %get3A_42 : vector<1x256xf32> to vector<1000x256xf32>
    %add3A_44 = arith.addf %dot_general3A_39, %add3A_43 : vector<1000x256xf32>
    %max3A = arith.constant 0.000000e+00 : f32
    %max3A_45 = vector.broadcast %max3A : f32 to vector<1000x256xf32>
    %max3A_46 = arith.maximumf %add3A_44, %max3A_45 : vector<1000x256xf32>
    %get3A_47 = arith.constant 0 : index
    %get3A_48 = arith.constant 0 : index
    %get3A_49 = vector.load %arg9[%get3A_47, %get3A_48] : memref<128x256xf32, #tpu.memory_space<vmem>>, vector<128x256xf32>
    %dot_general3A_50 = arith.constant dense<0.000000e+00> : vector<1000x128xf32>
    %dot_general3A_51 = tpu.matmul %max3A_46, %get3A_49, %dot_general3A_50 {dimension_numbers = #tpu.dot_dimension_numbers<[1], [1], [0], [0], [0, 0, 1, 0], [], []>, transpose_lhs_hint = false} : vector<1000x256xf32>, vector<128x256xf32>, vector<1000x128xf32> -> vector<1000x128xf32>
    %get3A_52 = arith.constant 0 : index
    %get3A_53 = arith.constant 0 : index
    %get3A_54 = vector.load %arg10[%get3A_52, %get3A_53] : memref<1x128xf32, #tpu.memory_space<vmem>>, vector<1x128xf32>
    %add3A_55 = vector.broadcast %get3A_54 : vector<1x128xf32> to vector<1000x128xf32>
    %add3A_56 = arith.addf %dot_general3A_51, %add3A_55 : vector<1000x128xf32>
    %swap3A = arith.constant 0 : index
    %swap3A_57 = arith.constant 0 : index
    %swap3A_58 = vector.load %arg11[%swap3A, %swap3A_57] : memref<1000x128xf32, #tpu.memory_space<vmem>>, vector<1000x128xf32>
    tpu.vector_store %arg11[%swap3A, %swap3A_57], %add3A_56 {strides = array<i32>} : memref<1000x128xf32, #tpu.memory_space<vmem>>, vector<1000x128xf32>,
    return
  }
  func.func @transform_0(%arg0: i32) -> (i32, i32, i32) {
    %c0_i32 = arith.constant 0 : i32
    %c0_i32_0 = arith.constant 0 : i32
    %c0_i32_1 = arith.constant 0 : i32
    return %c0_i32, %arg0, %c0_i32_0 : i32, i32, i32
  }
  func.func @transform_1(%arg0: i32) -> (i32, i32) {
    %c0_i32 = arith.constant 0 : i32
    %c0_i32_0 = arith.constant 0 : i32
    return %arg0, %c0_i32 : i32, i32
  }
  func.func @transform_2(%arg0: i32) -> (i32, i32) {
    %c0_i32 = arith.constant 0 : i32
    %c0_i32_0 = arith.constant 0 : i32
    return %arg0, %c0_i32 : i32, i32
  }
  func.func @transform_3(%arg0: i32) -> (i32, i32) {
    %c0_i32 = arith.constant 0 : i32
    %c0_i32_0 = arith.constant 0 : i32
    return %arg0, %c0_i32 : i32, i32
  }
  func.func @transform_4(%arg0: i32) -> (i32, i32) {
    %c0_i32 = arith.constant 0 : i32
    %c0_i32_0 = arith.constant 0 : i32
    %c0_i32_1 = arith.constant 0 : i32
    return %c0_i32, %c0_i32_0 : i32, i32
  }
  func.func @transform_5(%arg0: i32) -> (i32, i32) {
    %c0_i32 = arith.constant 0 : i32
    %c0_i32_0 = arith.constant 0 : i32
    %c0_i32_1 = arith.constant 0 : i32
    return %c0_i32, %c0_i32_0 : i32, i32
  }
  func.func @transform_6(%arg0: i32) -> (i32, i32) {
    %c0_i32 = arith.constant 0 : i32
    %c0_i32_0 = arith.constant 0 : i32
    %c0_i32_1 = arith.constant 0 : i32
    return %c0_i32, %c0_i32_0 : i32, i32
  }
  func.func @transform_7(%arg0: i32) -> (i32, i32) {
    %c0_i32 = arith.constant 0 : i32
    %c0_i32_0 = arith.constant 0 : i32
    %c0_i32_1 = arith.constant 0 : i32
    return %c0_i32, %c0_i32_0 : i32, i32
  }
  func.func @transform_8(%arg0: i32) -> (i32, i32) {
    %c0_i32 = arith.constant 0 : i32
    %c0_i32_0 = arith.constant 0 : i32
    %c0_i32_1 = arith.constant 0 : i32
    return %c0_i32, %c0_i32_0 : i32, i32
  }
  func.func @transform_9(%arg0: i32) -> (i32, i32) {
    %c0_i32 = arith.constant 0 : i32
    %c0_i32_0 = arith.constant 0 : i32
    %c0_i32_1 = arith.constant 0 : i32
    return %c0_i32, %c0_i32_0 : i32, i32
  }
  func.func @transform_10(%arg0: i32) -> (i32, i32) {
    %c0_i32 = arith.constant 0 : i32
    %c0_i32_0 = arith.constant 0 : i32
    return %arg0, %c0_i32 : i32, i32
  }
}

</mosaic_0001>

<sc_bundles>
// kernel: kernel.5.cloned.1.call-start
scs
__scs_entry_jumppad:
0x0: {  	(pc) =	sbr.rel $0x88, $3  }
0x1: {  	(tag) =	ssettag $0x0;
	lr =	simm.s32 $0x1  }
0x2: {  	[smem:$0x3F95] =	sst lr;
	_ =	strace $0xD0000000  }
0x3: {  	_ = 	snop  }
0x4: {  	_ = 	snop  }
0x5: {  	_ = 	snop  }
0x6: {  	_ = 	snop  }
0x7: {  	_ = 	snop  }
__scs_overlays_trampoline_lowered:
0x8: {  	[smem:$0x3FA4] =	sst s0  }
0x9: {  	[smem:$0x3FA5] =	sst s1  }
0xa: {  	[smem:$0x3FA6] =	sst s2  }
0xb: {  	[smem:$0x3FA7] =	sst s3  }
0xc: {  	[smem:$0x3FA8] =	sst s4  }
0xd: {  	[smem:$0x3FA9] =	sst s5  }
0xe: {  	[smem:$0x3FAA] =	sst s6  }
0xf: {  	[smem:$0x3FAB] =	sst s7  }
0x10: {  	[smem:$0x3FAC] =	sst s8  }
0x11: {  	[smem:$0x3FAD] =	sst s9;
	s0 =	simm.s32 @!p0 $0x0  }
0x12: {  	s1 =	sld [smem:$0x3F93];
	s0 =	simm.s32 @p0 $0x1  }
0x13: {  	[smem:$0x3FAE] =	sst s0;
	s0 =	simm.s32 @!p1 $0x0  }
0x14: {  	s2 =	sld [smem:$0x3F92];
	s0 =	simm.s32 @p1 $0x1  }
0x15: {  	[smem:$0x3FAF] =	sst s0;
	s0 =	simm.s32 @!p2 $0x0  }
0x16: {  	s3 =	sld [smem:$0x3FDB];
	s0 =	simm.s32 @p2 $0x1  }
0x17: {  	s4 =	simm.s32 $0x1BF5;
	[smem:$0x3FB1] =	sst s0  }
0x18: {  	s0 =	sld [smem:$0x3F94];
	_ =	swait.ge [sflag:s4], $0x0  }
0x19: {  	s7 =	sld [smem:$0x3F95]  }
0x1a: {  	s8 =	sadd.s32 $0xFFFFE003, lr  }
0x1b: {  	s9 =	sadd.s32 $0xFFFFFEF7, lr;
	s5 =	simm.s32 $0xFFFFFFFF;
	p2 =	slt.u32 s8, $0xFFFFF086  }
0x1c: {  	p1 =	slt.u32 s9, $0xF7A;
	s5 =	simm.s32 @!p2 $0x0  }
0x1d: {  	s5 =	simm.s32 @p1 $0x1;
	p0 =	seq.s32 s7, s2  }
0x1e: {  	s7 =	smul.u32 @!p0 $0xF7A, s2;
	p2 =	seq.s32 @!p0 s5, $0x0  }
0x1f: {  	s9 =	smul.u32 $0xF7A, s1;
	s8 =	simm.s32 @!p0 $0x1BF5;
	p2 =	por !p2, p0  }
0x20: {  	[sflag:s8] =	ssyncset.s32 @!p0 $0xFFFFF086;
	s6 =	sadd.s32 @!p0 s3, s7;
	s7 =	simm.s32 @!p0 $0x108  }
0x21: {  	s3 =	sadd.s32 s3, s9;
	s6 =	sadd.s32 @!p0 $0x88, s6;
	s7 =	simm.s32 @p2 $0x1082  }
0x22: {  	[simem:s7], [sflag:s8] =	dma.local @!p0 [hbm:s6], $0xF7A  }
0x23: {  	s9 =	sor.u32 $0xD0000000, s2;
	s6 =	simm.s32 $0x108;
	_ =	swait.ge @!p0 [sflag:s8], $0x0  }
0x24: {  	s3 =	sadd.s32 $0x88, s3;
	s6 =	simm.s32 @!p1 $0x1082;
	[sflag:s4] =	ssyncset.s32 $0xFFFFF086  }
0x25: {  	[simem:s6], [sflag:s4] =	dma.local [hbm:s3], $0xF7A  }
0x26: {  	[smem:$0x3F95] =	sst s1;
	(tag) =	ssettag s2;
	_ =	strace s9  }
0x27: {  	s1 =	sld [smem:$0x3FA5]  }
0x28: {  	s2 =	sld [smem:$0x3FA6]  }
0x29: {  	s4 =	sld [smem:$0x3FA8]  }
0x2a: {  	p0 =	seq.s32 s5, $0x0;
	s5 =	sld [smem:$0x3FA9]  }
0x2b: {  	s6 =	sld [smem:$0x3FAA]  }
0x2c: {  	s7 =	sld [smem:$0x3FAB]  }
0x2d: {  	s3 =	simm.s32 $0x108;
	s8 =	sld [smem:$0x3FAC]  }
0x2e: {  	s3 =	simm.s32 @!p0 $0x1082;
	s9 =	sld [smem:$0x3FAD]  }
0x2f: {  	lr =	sadd.s32 s0, s3;
	s0 =	sld [smem:$0x3FA4]  }
0x30: {  	s3 =	sld [smem:$0x3FA7]  }
0x31: {  	[smem:$0x3FB0] =	sst s10  }
0x32: {  	s10 =	sld [smem:$0x3FAE];
	_ =	sdelay $0x3  }
0x33: {  	p0 =	seq.s32 s10, $0x1;
	s10 =	sld [smem:$0x3FB0];
	_ =	sdelay $0x3  }
0x34: {  	[smem:$0x3FB0] =	sst s10  }
0x35: {  	s10 =	sld [smem:$0x3FAF];
	_ =	sdelay $0x3  }
0x36: {  	p1 =	seq.s32 s10, $0x1;
	s10 =	sld [smem:$0x3FB0];
	_ =	sdelay $0x3  }
0x37: {  	[smem:$0x3FB0] =	sst s10  }
0x38: {  	s10 =	sld [smem:$0x3FB1]  }
0x39: {  	_ = 	snop;
	(pc) =	sbr.ind lr, $3  }
0x3a: {  	_ = 	snop  }
0x3b: {  	_ = 	snop  }
0x3c: {  	p2 =	seq.s32 s10, $0x1;
	s10 =	sld [smem:$0x3FB0]  }
0x3d: {  	_ =	shalt  }
0x3e: {  	_ =	shalt  }
0x3f: {  	_ =	shalt  }
0x40: {  	_ =	shalt  }
0x41: {  	_ =	shalt  }
0x42: {  	_ =	shalt  }
0x43: {  	_ =	shalt  }
0x44: {  	_ =	shalt  }
0x45: {  	_ =	shalt  }
0x46: {  	_ =	shalt  }
0x47: {  	_ =	shalt  }
0x48: {  	_ =	shalt  }
0x49: {  	_ =	shalt  }
0x4a: {  	_ =	shalt  }
0x4b: {  	_ =	shalt  }
0x4c: {  	_ =	shalt  }
0x4d: {  	_ =	shalt  }
0x4e: {  	_ =	shalt  }
0x4f: {  	_ =	shalt  }
0x50: {  	_ =	shalt  }
0x51: {  	_ =	shalt  }
0x52: {  	_ =	shalt  }
0x53: {  	_ =	shalt  }
0x54: {  	_ =	shalt  }
0x55: {  	_ =	shalt  }
0x56: {  	_ =	shalt  }
0x57: {  	_ =	shalt  }
0x58: {  	_ =	shalt  }
0x59: {  	_ =	shalt  }
0x5a: {  	_ =	shalt  }
0x5b: {  	_ =	shalt  }
0x5c: {  	_ =	shalt  }
0x5d: {  	_ =	shalt  }
0x5e: {  	_ =	shalt  }
0x5f: {  	_ =	shalt  }
0x60: {  	_ =	shalt  }
0x61: {  	_ =	shalt  }
0x62: {  	_ =	shalt  }
0x63: {  	_ =	shalt  }
0x64: {  	_ =	shalt  }
0x65: {  	_ =	shalt  }
0x66: {  	_ =	shalt  }
0x67: {  	_ =	shalt  }
0x68: {  	_ =	shalt  }
0x69: {  	_ =	shalt  }
0x6a: {  	_ =	shalt  }
0x6b: {  	_ =	shalt  }
0x6c: {  	_ =	shalt  }
0x6d: {  	_ =	shalt  }
0x6e: {  	_ =	shalt  }
0x6f: {  	_ =	shalt  }
0x70: {  	_ =	shalt  }
0x71: {  	_ =	shalt  }
0x72: {  	_ =	shalt  }
0x73: {  	_ =	shalt  }
0x74: {  	_ =	shalt  }
0x75: {  	_ =	shalt  }
0x76: {  	_ =	shalt  }
0x77: {  	_ =	shalt  }
0x78: {  	_ =	shalt  }
0x79: {  	_ =	shalt  }
0x7a: {  	_ =	shalt  }
0x7b: {  	_ =	shalt  }
0x7c: {  	_ =	shalt  }
0x7d: {  	_ =	shalt  }
0x7e: {  	_ =	shalt  }
0x7f: {  	_ =	shalt  }
0x80: {  	_ =	shalt  }
0x81: {  	_ =	shalt  }
0x82: {  	_ =	shalt  }
0x83: {  	_ =	shalt  }
0x84: {  	_ =	shalt  }
0x85: {  	_ =	shalt  }
0x86: {  	_ =	shalt  }
0x87: {  	_ =	shalt  }
.Lfunc_end0:
.L_simem_size_0:
called_computation_lowered:
.L_overlay_start_0:
0x88: {  	s2 =	sld [smem:$0x3FD9]  }
0x89: {  	s3 =	sld [smem:$0x3FFE];
	_ =	sdelay $0x1  }
0x8a: {  	s1 =	srdreg.scid  }
0x8b: {  	s0 =	sand.u32 $0x1, s1  }
0x8c: {  	s17 =	sshll.u32 s0, $0xA;
	s2 =	sadd.s32 s3, s2  }
0x8d: {  	s2 =	sadd.s32 s2, s17  }
0x8e: {  	[smem:$0x3FBC] =	sst s2  }
0x8f: {  	_ = 	snop  }
0x90: {  	s2 =	sld [smem:$0x3FD0];
	(tm) =	ssettm $0x1  }
0x91: {  	s18 =	sld [smem:$0x3FFB];
	_ =	sdelay $0x3  }
0x92: {  	_ =	strace s18  }
0x93: {  	s3 =	sld [smem:$0x3FFC];
	_ =	sdelay $0x3  }
0x94: {  	_ =	strace s3  }
0x95: {  	s3 =	sld [smem:$0x3FFD];
	_ =	sdelay $0x3  }
0x96: {  	_ =	strace s3  }
0x97: {  	_ =	strace $0x8FFFFFFF  }
0x98: {  	s19 =	sld [smem:$0x3FDB];
	_ =	sdelay $0x1  }
0x99: {  	s4 =	simm.s32 $_scs_section_size  }
0x9a: {  	s5 =	simm.s32 $_size__tile_overlayer_lowered;
	s6 =	simm.s32 $_tile_overlayer_lowered  }
0x9b: {  	s22 =	simm.s32 $0x1BFF;
	s21 =	sshll.u32 s6, $0x1;
	s3 =	sadd.s32 s4, s19  }
0x9c: {  	s7 =	simm.s32 $0x0;
	s20 =	sshll.u32 s5, $0x1;
	s5 =	sadd.s32 s21, s3  }
0x9d: {  	[timem:s7], [sflag:s22] =	dma.local [hbm:s5], s20  }
0x9e: {  	_ =	swait.ge [sflag:s22], s20  }
0x9f: {  	s4 =	ssub.s32 $0x0, s20;
	[sflag:s22] =	ssyncset.done $0x0  }
0xa0: {  	[sflag:s22] =	ssyncadd.s32 s4;
	_ =	sdelay $0x1  }
0xa1: {  	s23 =	simm.s32 $0x1B8B  }
0xa2: {  	_ =	swait.ge [sflag:s23], $0x1  }
0xa3: {  	[sflag:s23] =	ssyncset.done $0x0  }
0xa4: {  	s25 =	simm.s32 $0x1B8E;
	s24 =	sld [smem:$0x3FFE];
	[sflag:s23] =	ssyncadd.s32 $0xFFFFFFFF  }
0xa5: {  	s26 =	simm.s32 $execute0_lowered;
	[smem:$0x3FD2] =	sst s25  }
0xa6: {  	s5 =	sshll.u32 s26, $0x1;
	_ =	strace $0x80000046;
	[dreg:$0x1] =	wrdreg $0xFFFFFFFF  }
0xa7: {  	s28 =	simm.s32 $_size_execute0_lowered;
	s3 =	sadd.s32 s3, s5;
	[dreg:$0x0] =	wrdreg $0x0  }
0xa8: {  	s5 =	sshll.u32 s28, $0x1;
	[dreg:$0x2] =	wrdreg s3  }
0xa9: {  	[dreg:$0x3] =	wrdreg s5  }
0xaa: {  	[dreg:$0x4] =	wrdreg $0xC0  }
0xab: {  	_ =	task [dreg:s7], $0x5FFFF  }
0xac: {  	[dreg:$0x1] =	wrdreg $0xFFFFFFFF  }
0xad: {  	[dreg:$0x0] =	wrdreg $0x60  }
0xae: {  	[dreg:$0x2] =	wrdreg s2  }
0xaf: {  	[dreg:$0x3] =	wrdreg s24  }
0xb0: {  	[dreg:$0x4] =	wrdreg $0x54000  }
0xb1: {  	[dreg:$0x5] =	wrdreg $0x190800  }
0xb2: {  	[dreg:$0x6] =	wrdreg $0x9  }
0xb3: {  	_ =	task.clear_ibuf [dreg:s7], $0x7FFFF;
	_ =	strace $0x90000046  }
0xb4: {  	s29 =	simm.s32 $0x9;
	_ =	strace $0x80000048  }
0xb5: {  	_ =	swait.ge [sflag:s29], $0x1  }
0xb6: {  	[sflag:s29] =	ssyncadd.s32 $0xFFFFFFFF  }
0xb7: {  	_ =	strace $0x90000048  }
0xb8: {  	_ =	sfence  }
0xb9: {  	s30 =	sld [smem:$0x0];
	_ =	sdelay $0x2  }
0xba: {  	s31 =	sshll.u32 s1, $0xD;
	s1 =	sshrl.u32 s1, $0x2  }
0xbb: {  	s3 =	sand.u32 $0x4000, s31;
	s1 =	sadd.s32 s1, s30  }
0xbc: {  	s0 =	sor.u32 s3, s0;
	s1 =	sshll.u32 s1, $0x11  }
0xbd: {  	s0 =	sor.u32 s1, s0  }
0xbe: {  	s0 =	sadd.s32 $0x8F2B, s0  }
0xbf: {  	[sflag:s0] =	ssyncadd.remote.s32 $0x1  }
0xc0: {  	_ =	sfence.sel $0xFFFF  }
0xc1: {  	[dreg:$0x0] =	wrdreg $0xFFFFFFFF;
	(pc) =	sbr.abs _section_cstart, $3  }
0xc2: {  	[dreg:$0x1] =	wrdreg $0xFFFFFFFF  }
0xc3: {  	_ =	task.clear_ibuf [dreg:s7], $0x2FFFF;
	_ =	strace $0x9FFFFFFF  }
0xc4: {  	(tm) =	ssettm $0x7FFFFFFF  }
0xc5: {  	_ =	shalt  }
tec
execute0_lowered:
.L_overlay_start_1:
0x0: {  	(tag) =	ssettag $0x1  }
0x1: {  	s1 =	rddreg [dreg:$0x0]  }
0x2: {  	s0 =	rddreg [dreg:$0x1]  }
0x3: {  	s2 =	rddreg [dreg:$0x2]  }
0x4: {  	s3 =	rddreg [dreg:$0x3];
	s4 =	simm.s32 $0x0;
	s5 =	srdreg.scid  }
0x5: {  	s20 =	stileid.u32;
	[smem:$0x7FF] =	sst s4  }
0x6: {  	s6 =	sadd.s32 $0x15600, s0;
	s7 =	sadd.s32 $0x1F600, s0;
	s8 =	sadd.s32 $0x1600, s0  }
0x7: {  	s5 =	sand.u32 $0x1, s5;
	s10 =	smul.u32 $0x4E000, s20;
	s9 =	sadd.s32 $0xB600, s0  }
0x8: {  	s11 =	sadd.s32 $0x3D600, s0;
	s21 =	sadd.s32 $0x29600, s0;
	s22 =	sadd.s32 $0x33600, s0  }
0x9: {  	s14 =	smul.u32 $0x4C00, s20;
	s15 =	sshll.u32 s20, $0x8;
	_ =	strace $0x80000047  }
0xa: {  	s12 =	ssub.s32 $0x2, s5;
	s23 =	smul.u32 $0x138800, s5;
	[dreg:$0x5] =	wrdreg s21  }
0xb: {  	s16 =	sshll.u32 s5, $0x7;
	p0 =	seq.s32 s5, $0x1;
	[dreg:$0x6] =	wrdreg s22  }
0xc: {  	s13 =	sshrl.u32 s12, $0x1;
	s18 =	sor.u32 s16, s15;
	s15 =	sshrl.u32 s14, $0x3  }
0xd: {  	s10 =	sshrl.u32 s10, $0x2;
	s0 =	ssub.s32 s12, s13;
	s16 =	sadd.s32 s21, s15  }
0xe: {  	s12 =	sadd.s32 s10, s2;
	s5 =	sadd.s32 s22, s15;
	[dreg:$0xe] =	wrdreg s16  }
0xf: {  	s10 =	sadd.s32 $0x4000, s12;
	[dreg:$0xf] =	wrdreg s5  }
0x10: {  	s26 =	smul.u32 $0x13800, s20;
	s19 =	sadd.s32 $0x8000, s12;
	[dreg:$0x7] =	wrdreg s10  }
0x11: {  	s24 =	sadd.s32 $0xC000, s12;
	[dreg:$0x8] =	wrdreg s19  }
0x12: {  	s13 =	sadd.s32 s26, s23;
	s25 =	sadd.s32 $0x10000, s12;
	[dreg:$0x9] =	wrdreg s24  }
0x13: {  	s13 =	sshrl.u32 s13, $0x3;
	s0 =	smax.u32 s0, $0x1;
	[dreg:$0xa] =	wrdreg s25  }
0x14: {  	s19 =	sadd.s32 s14, s3;
	s13 =	sadd.s32 s11, s13;
	[dreg:$0x10] =	wrdreg s0  }
0x15: {  	[dreg:$0xb] =	wrdreg s13;
	s13 =	sadd.s32 $0x200, s19  }
0x16: {  	s21 =	sadd.s32 $0x400, s19;
	[dreg:$0xc] =	wrdreg s13  }
0x17: {  	s22 =	sadd.s32 $0x600, s19;
	[dreg:$0x11] =	wrdreg s21  }
0x18: {  	s10 =	sshrl.u32 s23, $0x3;
	s23 =	sadd.s32 $0x800, s19;
	[dreg:$0x12] =	wrdreg s22  }
0x19: {  	s24 =	sadd.s32 $0xA00, s19;
	[dreg:$0x13] =	wrdreg s23  }
0x1a: {  	s25 =	sadd.s32 $0xC00, s19;
	[dreg:$0x14] =	wrdreg s24  }
0x1b: {  	s26 =	sadd.s32 $0xE00, s19;
	[dreg:$0x15] =	wrdreg s25  }
0x1c: {  	s5 =	sadd.s32 $0x1000, s19;
	[dreg:$0x16] =	wrdreg s26  }
0x1d: {  	s10 =	sadd.s32 s11, s10;
	s11 =	sadd.s32 $0x1400, s19;
	[dreg:$0x17] =	wrdreg s5  }
0x1e: {  	s14 =	sadd.s32 $0x1800, s19;
	[dreg:$0x19] =	wrdreg s11  }
0x1f: {  	s15 =	sadd.s32 $0x1A00, s19;
	[dreg:$0x1b] =	wrdreg s14  }
0x20: {  	p1 =	sne.s32 s20, $0xF;
	s16 =	sadd.s32 $0x1C00, s19;
	[dreg:$0x1c] =	wrdreg s15  }
0x21: {  	p2 =	seq.s32 s20, $0xF;
	s20 =	sadd.s32 $0x1E00, s19;
	[dreg:$0x1d] =	wrdreg s16  }
0x22: {  	s10 =	sadd.s32 $0x27000, s10;
	[dreg:$0x1e] =	wrdreg s20  }
0x23: {  	s13 =	sadd.s32 $0x1600, s19;
	[dreg:$0xd] =	wrdreg s10  }
0x24: {  	s21 =	sadd.s32 $0x2000, s19;
	[dreg:$0x1a] =	wrdreg s13  }
0x25: {  	s22 =	sadd.s32 $0x2200, s19;
	[dreg:$0x1f] =	wrdreg s21  }
0x26: {  	s23 =	sadd.s32 $0x2400, s19;
	[smem:$0x7D1] =	sst s22  }
0x27: {  	s24 =	sadd.s32 $0x2600, s19;
	[smem:$0x7D2] =	sst s23  }
0x28: {  	s25 =	sadd.s32 $0x2800, s19;
	[smem:$0x7D3] =	sst s24  }
0x29: {  	s26 =	sadd.s32 $0x2A00, s19;
	[smem:$0x7D4] =	sst s25  }
0x2a: {  	s5 =	sadd.s32 $0x2C00, s19;
	[smem:$0x7D5] =	sst s26  }
0x2b: {  	s11 =	sadd.s32 $0x3000, s19;
	[smem:$0x7D6] =	sst s5  }
0x2c: {  	s14 =	sadd.s32 $0x3400, s19;
	[smem:$0x7D8] =	sst s11  }
0x2d: {  	s15 =	sadd.s32 $0x3600, s19;
	[smem:$0x7DA] =	sst s14  }
0x2e: {  	s16 =	sadd.s32 $0x3800, s19;
	[smem:$0x7DB] =	sst s15  }
0x2f: {  	s20 =	sadd.s32 $0x3A00, s19;
	[smem:$0x7DC] =	sst s16  }
0x30: {  	s10 =	sadd.s32 $0x1200, s19;
	[smem:$0x7DD] =	sst s20  }
0x31: {  	s13 =	sadd.s32 $0x3200, s19;
	[dreg:$0x18] =	wrdreg s10  }
0x32: {  	s21 =	sadd.s32 $0x3C00, s19;
	[smem:$0x7D9] =	sst s13  }
0x33: {  	s22 =	sadd.s32 $0x3E00, s19;
	[smem:$0x7DE] =	sst s21  }
0x34: {  	s23 =	sadd.s32 $0x4000, s19;
	[smem:$0x7DF] =	sst s22  }
0x35: {  	s24 =	sadd.s32 $0x4200, s19;
	[smem:$0x7E0] =	sst s23  }
0x36: {  	s25 =	sadd.s32 $0x4400, s19;
	[smem:$0x7E1] =	sst s24  }
0x37: {  	s26 =	sadd.s32 $0x4600, s19;
	[smem:$0x7E2] =	sst s25  }
0x38: {  	s5 =	sadd.s32 $0x4800, s19;
	[smem:$0x7E3] =	sst s26  }
0x39: {  	s11 =	sadd.s32 $0x4C200, s3;
	[smem:$0x7E4] =	sst s5  }
0x3a: {  	s14 =	sadd.s32 $0x4C600, s3;
	[smem:$0x7E6] =	sst s11  }
0x3b: {  	s15 =	sadd.s32 $0x4C800, s3;
	[smem:$0x7E8] =	sst s14  }
0x3c: {  	s16 =	sadd.s32 $0x4CA00, s3;
	[smem:$0x7E9] =	sst s15  }
0x3d: {  	s20 =	sadd.s32 $0x4CC00, s3;
	[smem:$0x7EA] =	sst s16  }
0x3e: {  	s10 =	sadd.s32 $0x2E00, s19;
	[smem:$0x7EB] =	sst s20  }
0x3f: {  	s13 =	sadd.s32 $0x4C400, s3;
	[smem:$0x7D7] =	sst s10  }
0x40: {  	s21 =	sadd.s32 $0x4CE00, s3;
	[smem:$0x7E7] =	sst s13  }
0x41: {  	s23 =	sadd.s32 $0x4D000, s3;
	[smem:$0x7EC] =	sst s21  }
0x42: {  	s24 =	sadd.s32 $0x4D200, s3;
	[smem:$0x7ED] =	sst s23  }
0x43: {  	s25 =	sadd.s32 $0x4D400, s3;
	[smem:$0x7EE] =	sst s24  }
0x44: {  	s26 =	sadd.s32 $0x4D600, s3;
	[smem:$0x7EF] =	sst s25  }
0x45: {  	s5 =	sadd.s32 $0x4D800, s3;
	[smem:$0x7F0] =	sst s26  }
0x46: {  	s11 =	sadd.s32 $0x4DC00, s3;
	[smem:$0x7F1] =	sst s5  }
0x47: {  	s14 =	sadd.s32 $0x4E000, s3;
	[smem:$0x7F3] =	sst s11  }
0x48: {  	s15 =	sadd.s32 $0x4E200, s3;
	[smem:$0x7F5] =	sst s14  }
0x49: {  	s28 =	simm.s32 $0x5200;
	s16 =	sadd.s32 $0x4E400, s3;
	[smem:$0x7F6] =	sst s15  }
0x4a: {  	s29 =	simm.s32 $0x400;
	s20 =	sadd.s32 $0x4E600, s3;
	[smem:$0x7F7] =	sst s16  }
0x4b: {  	s30 =	simm.s32 $0x800;
	s10 =	sadd.s32 $0x4A00, s19;
	[smem:$0x7F8] =	sst s20  }
0x4c: {  	s31 =	simm.s32 $0xC00;
	s13 =	sadd.s32 $0x4DE00, s3;
	[smem:$0x7E5] =	sst s10  }
0x4d: {  	s17 =	sadd.s32 $0x138000, s2;
	s21 =	sadd.s32 $0x4E800, s3;
	[smem:$0x7F4] =	sst s13  }
0x4e: {  	s0 =	simm.s32 $0x80;
	s23 =	sadd.s32 $0x4EA00, s3;
	[smem:$0x7F9] =	sst s21  }
0x4f: {  	s22 =	sadd.s32 $0x4C000, s3;
	s24 =	sadd.s32 $0x4EC00, s3;
	[smem:$0x7FA] =	sst s23  }
.Ltmp0:
0x50: {  	s25 =	sadd.s32 $0x4EE00, s3;
	[smem:$0x7FB] =	sst s24;
	(pc) =	sbr.rel .LBB2_1-.Ltmp0, $4  }
0x51: {  	s26 =	sadd.s32 $0x4F000, s3;
	s11 =	simm.s32 $0x1100;
	[smem:$0x7FC] =	sst s25  }
0x52: {  	s5 =	simm.s32 $0x5180;
	s10 =	sadd.s32 $0x4DA00, s3;
	[smem:$0x7FD] =	sst s26  }
0x53: {  	s25 =	simm.s32 $0x1180;
	s26 =	simm.s32 $0x2;
	s23 =	simm.s32 $0x1000  }
0x54: {  	v0 =	vimm.f32 $0.0e+00;
	v1 =	vimm.f32 $1.000000000e+00;
	s24 =	simm.s32 $0x1;
	[smem:$0x7F2] =	sst s10;
	s10 =	simm.s32 $0x1080  }
.LBB2_12:
0x55: {  	s14 =	sadd.s32 $0x9800, s14;
	s15 =	sshrl.u32 s22, $0x3  }
0x56: {  	[hbm:s14], [sflag:s13] =	dma.local [spmem:s15], $0x640  }
0x57: {  	_ =	swait.ge [sflag:s26], $0x640  }
0x58: {  	[sflag:s26] =	ssyncset.done $0x0  }
0x59: {  	[sflag:s26] =	ssyncadd.s32 $0xFFFFF9C0  }
.LBB2_13:
0x5a: {  	s4 =	sadd.s32 $0x1, s4;
	s13 =	rddreg [dreg:$0x10]  }
0x5b: {  	p3 =	sne.s32 s4, s13  }
.Ltmp1:
0x5c: {  	_ = 	snop;
	(pc) =	sbr.rel @!p3 .LBB2_14-.Ltmp1, $1  }
0x5d: {  	_ =	sdelay $0x3  }
.LBB2_1:
0x5e: {  	s13 =	simm.s32 $0x0;
	s14 =	simm.s32 $0x200  }
.LBB2_2:
0x5f: {  	p3 =	sne.s32 s14, $0xFE00;
	[tilespmem:s13+$0x11F0] =	vst v0  }
0x60: {  	[tilespmem:s13+$0x1180] =	vst v0  }
0x61: {  	[tilespmem:s13+$0x1190] =	vst v0  }
.Ltmp2:
0x62: {  	[tilespmem:s13+$0x11A0] =	vst v0;
	(pc) =	sbr.rel @p3 .LBB2_2-.Ltmp2, $4  }
0x63: {  	[tilespmem:s13+$0x11B0] =	vst v0  }
0x64: {  	[tilespmem:s13+$0x11C0] =	vst v0  }
0x65: {  	[tilespmem:s13+$0x11D0] =	vst v0  }
0x66: {  	[tilespmem:s13+$0x11E0] =	vst v0;
	s13 =	sshra.s32 s14, $0x2;
	s14 =	sadd.s32 $0x200, s14  }
0x67: {  	[tilespmem:s13+$0x11F0] =	vst v0  }
0x68: {  	[tilespmem:s13+$0x1180] =	vst v0  }
0x69: {  	[tilespmem:s13+$0x1190] =	vst v0  }
0x6a: {  	[tilespmem:s13+$0x11A0] =	vst v0  }
0x6b: {  	[tilespmem:s13+$0x11B0] =	vst v0  }
0x6c: {  	[tilespmem:s13+$0x11C0] =	vst v0  }
0x6d: {  	[tilespmem:s13+$0x11D0] =	vst v0  }
0x6e: {  	[tilespmem:s13+$0x11E0] =	vst v0  }
0x6f: {  	[tilespmem:$0x5200] =	vst v0  }
0x70: {  	[tilespmem:$0x5210] =	vst v0  }
0x71: {  	[tilespmem:$0x5220] =	vst v0  }
0x72: {  	[tilespmem:$0x5230] =	vst v0  }
0x73: {  	[tilespmem:$0x5240] =	vst v0  }
0x74: {  	[tilespmem:$0x5250] =	vst v0  }
0x75: {  	[tilespmem:$0x5260] =	vst v0  }
0x76: {  	[tilespmem:$0x5270] =	vst v0  }
0x77: {  	[tilespmem:$0x5280] =	vst v0  }
0x78: {  	[tilespmem:$0x5290] =	vst v0  }
0x79: {  	[tilespmem:$0x52A0] =	vst v0  }
0x7a: {  	[tilespmem:$0x52B0] =	vst v0  }
0x7b: {  	[tilespmem:$0x52C0] =	vst v0  }
0x7c: {  	[tilespmem:$0x52D0] =	vst v0  }
0x7d: {  	[tilespmem:$0x52E0] =	vst v0  }
0x7e: {  	[tilespmem:$0x52F0] =	vst v0  }
0x7f: {  	[tilespmem:$0x5300] =	vst v0  }
0x80: {  	[tilespmem:$0x5310] =	vst v0  }
0x81: {  	[tilespmem:$0x5320] =	vst v0  }
0x82: {  	[tilespmem:$0x5330] =	vst v0  }
0x83: {  	[tilespmem:$0x5340] =	vst v0  }
0x84: {  	[tilespmem:$0x5350] =	vst v0  }
0x85: {  	[tilespmem:$0x5360] =	vst v0  }
0x86: {  	[tilespmem:$0x5370] =	vst v0  }
0x87: {  	[tilespmem:$0x5380] =	vst v0  }
0x88: {  	[tilespmem:$0x5390] =	vst v0  }
0x89: {  	[tilespmem:$0x53A0] =	vst v0  }
0x8a: {  	[tilespmem:$0x53B0] =	vst v0  }
0x8b: {  	[tilespmem:$0x53C0] =	vst v0  }
0x8c: {  	[tilespmem:$0x53D0] =	vst v0  }
0x8d: {  	[tilespmem:$0x53E0] =	vst v0  }
0x8e: {  	[tilespmem:$0x53F0] =	vst v0  }
0x8f: {  	[tilespmem:$0x5180] =	vst v1  }
0x90: {  	[tilespmem:$0x5190] =	vst v1  }
0x91: {  	[tilespmem:$0x51A0] =	vst v1  }
0x92: {  	[tilespmem:$0x51B0] =	vst v1  }
0x93: {  	[tilespmem:$0x51C0] =	vst v1  }
0x94: {  	[tilespmem:$0x51D0] =	vst v1  }
0x95: {  	[tilespmem:$0x51E0] =	vst v1  }
0x96: {  	[tilespmem:$0x51F0] =	vst v1  }
0x97: {  	[spmem:s12] =	stream.linear.scatter [tilespmem:s25], [sflag:$0x2], $0x4000, $0x38;
	[tilespmem:$0x1DFA0] =	vst v63  }
0x98: {  	_ =	swait.ge [sflag:s26], $0x4000  }
0x99: {  	[sflag:s26] =	ssyncset.done $0x0  }
0x9a: {  	s21 =	rddreg [dreg:$0x7];
	[sflag:s26] =	ssyncadd.s32 $0xFFFFC000  }
0x9b: {  	[spmem:s21] =	stream.linear.scatter [tilespmem:s25], [sflag:$0x2], $0x4000, $0x38;
	[tilespmem:$0x1DFA0] =	vst v63  }
0x9c: {  	_ =	swait.ge [sflag:s26], $0x4000  }
0x9d: {  	[sflag:s26] =	ssyncset.done $0x0  }
0x9e: {  	s14 =	rddreg [dreg:$0x8];
	[sflag:s26] =	ssyncadd.s32 $0xFFFFC000  }
0x9f: {  	[spmem:s14] =	stream.linear.scatter [tilespmem:s25], [sflag:$0x2], $0x4000, $0x38;
	[tilespmem:$0x1DFA0] =	vst v63  }
0xa0: {  	_ =	swait.ge [sflag:s26], $0x4000  }
0xa1: {  	[sflag:s26] =	ssyncset.done $0x0  }
0xa2: {  	s15 =	rddreg [dreg:$0x9];
	[sflag:s26] =	ssyncadd.s32 $0xFFFFC000  }
0xa3: {  	[spmem:s15] =	stream.linear.scatter [tilespmem:s25], [sflag:$0x2], $0x4000, $0x38;
	[tilespmem:$0x1DFA0] =	vst v63  }
0xa4: {  	_ =	swait.ge [sflag:s26], $0x4000  }
0xa5: {  	[sflag:s26] =	ssyncset.done $0x0  }
0xa6: {  	s16 =	rddreg [dreg:$0xa];
	[sflag:s26] =	ssyncadd.s32 $0xFFFFC000  }
0xa7: {  	[spmem:s16] =	stream.linear.scatter [tilespmem:s25], [sflag:$0x2], $0x3800, $0x38;
	[tilespmem:$0x1DFA0] =	vst v63  }
0xa8: {  	_ =	swait.ge [sflag:s26], $0x3800  }
0xa9: {  	[sflag:s26] =	ssyncset.done $0x0  }
0xaa: {  	s13 =	simm.s32 @!p1 $0x1180;
	[sflag:s26] =	ssyncadd.s32 $0xFFFFC800  }
0xab: {  	[spmem:s17] =	stream.linear.scatter @!p1 [tilespmem:s13], [sflag:$0x2], $0x800, $0x38;
	[tilespmem:$0x1DFA0] =	vst v63  }
0xac: {  	s13 =	simm.s32 @!p1 $0x2  }
0xad: {  	_ =	swait.ge @!p1 [sflag:s13], $0x800  }
0xae: {  	[sflag:s13] =	ssyncset.done @!p1 $0x0  }
0xaf: {  	[sflag:s13] =	ssyncadd.s32 @!p1 $0xFFFFF800  }
0xb0: {  	[spmem:s19] =	stream.linear.scatter [tilespmem:s28], [sflag:$0x2], $0x200, $0x38;
	[tilespmem:$0x1DFA0] =	vst v63  }
0xb1: {  	_ =	swait.ge [sflag:s26], $0x200  }
0xb2: {  	[sflag:s26] =	ssyncset.done $0x0  }
0xb3: {  	s20 =	rddreg [dreg:$0xc];
	[sflag:s26] =	ssyncadd.s32 $0xFFFFFE00  }
0xb4: {  	[spmem:s20] =	stream.linear.scatter [tilespmem:s28], [sflag:$0x2], $0x200, $0x38;
	[tilespmem:$0x1DFA0] =	vst v63  }
0xb5: {  	_ =	swait.ge [sflag:s26], $0x200  }
0xb6: {  	[sflag:s26] =	ssyncset.done $0x0  }
0xb7: {  	s21 =	rddreg [dreg:$0x11];
	[sflag:s26] =	ssyncadd.s32 $0xFFFFFE00  }
0xb8: {  	[spmem:s21] =	stream.linear.scatter [tilespmem:s28], [sflag:$0x2], $0x200, $0x38;
	[tilespmem:$0x1DFA0] =	vst v63  }
0xb9: {  	_ =	swait.ge [sflag:s26], $0x200  }
0xba: {  	[sflag:s26] =	ssyncset.done $0x0  }
0xbb: {  	s14 =	rddreg [dreg:$0x12];
	[sflag:s26] =	ssyncadd.s32 $0xFFFFFE00  }
0xbc: {  	[spmem:s14] =	stream.linear.scatter [tilespmem:s28], [sflag:$0x2], $0x200, $0x38;
	[tilespmem:$0x1DFA0] =	vst v63  }
0xbd: {  	_ =	swait.ge [sflag:s26], $0x200  }
0xbe: {  	[sflag:s26] =	ssyncset.done $0x0  }
0xbf: {  	s15 =	rddreg [dreg:$0x13];
	[sflag:s26] =	ssyncadd.s32 $0xFFFFFE00  }
0xc0: {  	[spmem:s15] =	stream.linear.scatter [tilespmem:s28], [sflag:$0x2], $0x200, $0x38;
	[tilespmem:$0x1DFA0] =	vst v63  }
0xc1: {  	_ =	swait.ge [sflag:s26], $0x200  }
0xc2: {  	[sflag:s26] =	ssyncset.done $0x0  }
0xc3: {  	s16 =	rddreg [dreg:$0x14];
	[sflag:s26] =	ssyncadd.s32 $0xFFFFFE00  }
0xc4: {  	[spmem:s16] =	stream.linear.scatter [tilespmem:s28], [sflag:$0x2], $0x200, $0x38;
	[tilespmem:$0x1DFA0] =	vst v63  }
0xc5: {  	_ =	swait.ge [sflag:s26], $0x200  }
0xc6: {  	[sflag:s26] =	ssyncset.done $0x0  }
0xc7: {  	s20 =	rddreg [dreg:$0x15];
	[sflag:s26] =	ssyncadd.s32 $0xFFFFFE00  }
0xc8: {  	[spmem:s20] =	stream.linear.scatter [tilespmem:s28], [sflag:$0x2], $0x200, $0x38;
	[tilespmem:$0x1DFA0] =	vst v63  }
0xc9: {  	_ =	swait.ge [sflag:s26], $0x200  }
0xca: {  	[sflag:s26] =	ssyncset.done $0x0  }
0xcb: {  	s21 =	rddreg [dreg:$0x16];
	[sflag:s26] =	ssyncadd.s32 $0xFFFFFE00  }
0xcc: {  	[spmem:s21] =	stream.linear.scatter [tilespmem:s28], [sflag:$0x2], $0x200, $0x38;
	[tilespmem:$0x1DFA0] =	vst v63  }
0xcd: {  	_ =	swait.ge [sflag:s26], $0x200  }
0xce: {  	[sflag:s26] =	ssyncset.done $0x0  }
0xcf: {  	s14 =	rddreg [dreg:$0x17];
	[sflag:s26] =	ssyncadd.s32 $0xFFFFFE00  }
0xd0: {  	[spmem:s14] =	stream.linear.scatter [tilespmem:s28], [sflag:$0x2], $0x200, $0x38;
	[tilespmem:$0x1DFA0] =	vst v63  }
0xd1: {  	_ =	swait.ge [sflag:s26], $0x200  }
0xd2: {  	[sflag:s26] =	ssyncset.done $0x0  }
0xd3: {  	s15 =	rddreg [dreg:$0x18];
	[sflag:s26] =	ssyncadd.s32 $0xFFFFFE00  }
0xd4: {  	[spmem:s15] =	stream.linear.scatter [tilespmem:s28], [sflag:$0x2], $0x200, $0x38;
	[tilespmem:$0x1DFA0] =	vst v63  }
0xd5: {  	_ =	swait.ge [sflag:s26], $0x200  }
0xd6: {  	[sflag:s26] =	ssyncset.done $0x0  }
0xd7: {  	s16 =	rddreg [dreg:$0x19];
	[sflag:s26] =	ssyncadd.s32 $0xFFFFFE00  }
0xd8: {  	[spmem:s16] =	stream.linear.scatter [tilespmem:s28], [sflag:$0x2], $0x200, $0x38;
	[tilespmem:$0x1DFA0] =	vst v63  }
0xd9: {  	_ =	swait.ge [sflag:s26], $0x200  }
0xda: {  	[sflag:s26] =	ssyncset.done $0x0  }
0xdb: {  	s20 =	rddreg [dreg:$0x1a];
	[sflag:s26] =	ssyncadd.s32 $0xFFFFFE00  }
0xdc: {  	[spmem:s20] =	stream.linear.scatter [tilespmem:s28], [sflag:$0x2], $0x200, $0x38;
	[tilespmem:$0x1DFA0] =	vst v63  }
0xdd: {  	_ =	swait.ge [sflag:s26], $0x200  }
0xde: {  	[sflag:s26] =	ssyncset.done $0x0  }
0xdf: {  	s21 =	rddreg [dreg:$0x1b];
	[sflag:s26] =	ssyncadd.s32 $0xFFFFFE00  }
0xe0: {  	[spmem:s21] =	stream.linear.scatter [tilespmem:s28], [sflag:$0x2], $0x200, $0x38;
	[tilespmem:$0x1DFA0] =	vst v63  }
0xe1: {  	_ =	swait.ge [sflag:s26], $0x200  }
0xe2: {  	[sflag:s26] =	ssyncset.done $0x0  }
0xe3: {  	s14 =	rddreg [dreg:$0x1c];
	[sflag:s26] =	ssyncadd.s32 $0xFFFFFE00  }
0xe4: {  	[spmem:s14] =	stream.linear.scatter [tilespmem:s28], [sflag:$0x2], $0x200, $0x38;
	[tilespmem:$0x1DFA0] =	vst v63  }
0xe5: {  	_ =	swait.ge [sflag:s26], $0x200  }
0xe6: {  	[sflag:s26] =	ssyncset.done $0x0  }
0xe7: {  	s15 =	rddreg [dreg:$0x1d];
	[sflag:s26] =	ssyncadd.s32 $0xFFFFFE00  }
0xe8: {  	[spmem:s15] =	stream.linear.scatter [tilespmem:s28], [sflag:$0x2], $0x200, $0x38;
	[tilespmem:$0x1DFA0] =	vst v63  }
0xe9: {  	_ =	swait.ge [sflag:s26], $0x200  }
0xea: {  	[sflag:s26] =	ssyncset.done $0x0  }
0xeb: {  	s16 =	rddreg [dreg:$0x1e];
	[sflag:s26] =	ssyncadd.s32 $0xFFFFFE00  }
0xec: {  	[spmem:s16] =	stream.linear.scatter [tilespmem:s28], [sflag:$0x2], $0x200, $0x38;
	[tilespmem:$0x1DFA0] =	vst v63  }
0xed: {  	_ =	swait.ge [sflag:s26], $0x200  }
0xee: {  	[sflag:s26] =	ssyncset.done $0x0  }
0xef: {  	s20 =	rddreg [dreg:$0x1f];
	[sflag:s26] =	ssyncadd.s32 $0xFFFFFE00  }
0xf0: {  	[spmem:s20] =	stream.linear.scatter [tilespmem:s28], [sflag:$0x2], $0x200, $0x38;
	[tilespmem:$0x1DFA0] =	vst v63  }
0xf1: {  	_ =	swait.ge [sflag:s26], $0x200  }
0xf2: {  	s21 =	sld [smem:$0x7D1]  }
0xf3: {  	[sflag:s26] =	ssyncset.done $0x0  }
0xf4: {  	[sflag:s26] =	ssyncadd.s32 $0xFFFFFE00  }
0xf5: {  	[spmem:s21] =	stream.linear.scatter [tilespmem:s28], [sflag:$0x2], $0x200, $0x38;
	[tilespmem:$0x1DFA0] =	vst v63  }
0xf6: {  	_ =	swait.ge [sflag:s26], $0x200  }
0xf7: {  	s14 =	sld [smem:$0x7D2]  }
0xf8: {  	[sflag:s26] =	ssyncset.done $0x0  }
0xf9: {  	[sflag:s26] =	ssyncadd.s32 $0xFFFFFE00  }
0xfa: {  	[spmem:s14] =	stream.linear.scatter [tilespmem:s28], [sflag:$0x2], $0x200, $0x38;
	[tilespmem:$0x1DFA0] =	vst v63  }
0xfb: {  	_ =	swait.ge [sflag:s26], $0x200  }
0xfc: {  	s15 =	sld [smem:$0x7D3]  }
0xfd: {  	[sflag:s26] =	ssyncset.done $0x0  }
0xfe: {  	[sflag:s26] =	ssyncadd.s32 $0xFFFFFE00  }
0xff: {  	[spmem:s15] =	stream.linear.scatter [tilespmem:s28], [sflag:$0x2], $0x200, $0x38;
	[tilespmem:$0x1DFA0] =	vst v63  }
0x100: {  	_ =	swait.ge [sflag:s26], $0x200  }
0x101: {  	s16 =	sld [smem:$0x7D4]  }
0x102: {  	[sflag:s26] =	ssyncset.done $0x0  }
0x103: {  	[sflag:s26] =	ssyncadd.s32 $0xFFFFFE00  }
0x104: {  	[spmem:s16] =	stream.linear.scatter [tilespmem:s28], [sflag:$0x2], $0x200, $0x38;
	[tilespmem:$0x1DFA0] =	vst v63  }
0x105: {  	_ =	swait.ge [sflag:s26], $0x200  }
0x106: {  	s20 =	sld [smem:$0x7D5]  }
0x107: {  	[sflag:s26] =	ssyncset.done $0x0  }
0x108: {  	[sflag:s26] =	ssyncadd.s32 $0xFFFFFE00  }
0x109: {  	[spmem:s20] =	stream.linear.scatter [tilespmem:s28], [sflag:$0x2], $0x200, $0x38;
	[tilespmem:$0x1DFA0] =	vst v63  }
0x10a: {  	_ =	swait.ge [sflag:s26], $0x200  }
0x10b: {  	s21 =	sld [smem:$0x7D6]  }
0x10c: {  	[sflag:s26] =	ssyncset.done $0x0  }
0x10d: {  	[sflag:s26] =	ssyncadd.s32 $0xFFFFFE00  }
0x10e: {  	[spmem:s21] =	stream.linear.scatter [tilespmem:s28], [sflag:$0x2], $0x200, $0x38;
	[tilespmem:$0x1DFA0] =	vst v63  }
0x10f: {  	_ =	swait.ge [sflag:s26], $0x200  }
0x110: {  	s14 =	sld [smem:$0x7D7]  }
0x111: {  	[sflag:s26] =	ssyncset.done $0x0  }
0x112: {  	[sflag:s26] =	ssyncadd.s32 $0xFFFFFE00  }
0x113: {  	[spmem:s14] =	stream.linear.scatter [tilespmem:s28], [sflag:$0x2], $0x200, $0x38;
	[tilespmem:$0x1DFA0] =	vst v63  }
0x114: {  	_ =	swait.ge [sflag:s26], $0x200  }
0x115: {  	s15 =	sld [smem:$0x7D8]  }
0x116: {  	[sflag:s26] =	ssyncset.done $0x0  }
0x117: {  	[sflag:s26] =	ssyncadd.s32 $0xFFFFFE00  }
0x118: {  	[spmem:s15] =	stream.linear.scatter [tilespmem:s28], [sflag:$0x2], $0x200, $0x38;
	[tilespmem:$0x1DFA0] =	vst v63  }
0x119: {  	_ =	swait.ge [sflag:s26], $0x200  }
0x11a: {  	s16 =	sld [smem:$0x7D9]  }
0x11b: {  	[sflag:s26] =	ssyncset.done $0x0  }
0x11c: {  	[sflag:s26] =	ssyncadd.s32 $0xFFFFFE00  }
0x11d: {  	[spmem:s16] =	stream.linear.scatter [tilespmem:s28], [sflag:$0x2], $0x200, $0x38;
	[tilespmem:$0x1DFA0] =	vst v63  }
0x11e: {  	_ =	swait.ge [sflag:s26], $0x200  }
0x11f: {  	s20 =	sld [smem:$0x7DA]  }
0x120: {  	[sflag:s26] =	ssyncset.done $0x0  }
0x121: {  	[sflag:s26] =	ssyncadd.s32 $0xFFFFFE00  }
0x122: {  	[spmem:s20] =	stream.linear.scatter [tilespmem:s28], [sflag:$0x2], $0x200, $0x38;
	[tilespmem:$0x1DFA0] =	vst v63  }
0x123: {  	_ =	swait.ge [sflag:s26], $0x200  }
0x124: {  	s21 =	sld [smem:$0x7DB]  }
0x125: {  	[sflag:s26] =	ssyncset.done $0x0  }
0x126: {  	[sflag:s26] =	ssyncadd.s32 $0xFFFFFE00  }
0x127: {  	[spmem:s21] =	stream.linear.scatter [tilespmem:s28], [sflag:$0x2], $0x200, $0x38;
	[tilespmem:$0x1DFA0] =	vst v63  }
0x128: {  	_ =	swait.ge [sflag:s26], $0x200  }
0x129: {  	s14 =	sld [smem:$0x7DC]  }
0x12a: {  	[sflag:s26] =	ssyncset.done $0x0  }
0x12b: {  	[sflag:s26] =	ssyncadd.s32 $0xFFFFFE00  }
0x12c: {  	[spmem:s14] =	stream.linear.scatter [tilespmem:s28], [sflag:$0x2], $0x200, $0x38;
	[tilespmem:$0x1DFA0] =	vst v63  }
0x12d: {  	_ =	swait.ge [sflag:s26], $0x200  }
0x12e: {  	s15 =	sld [smem:$0x7DD]  }
0x12f: {  	[sflag:s26] =	ssyncset.done $0x0  }
0x130: {  	[sflag:s26] =	ssyncadd.s32 $0xFFFFFE00  }
0x131: {  	[spmem:s15] =	stream.linear.scatter [tilespmem:s28], [sflag:$0x2], $0x200, $0x38;
	[tilespmem:$0x1DFA0] =	vst v63  }
0x132: {  	_ =	swait.ge [sflag:s26], $0x200  }
0x133: {  	s16 =	sld [smem:$0x7DE]  }
0x134: {  	[sflag:s26] =	ssyncset.done $0x0  }
0x135: {  	[sflag:s26] =	ssyncadd.s32 $0xFFFFFE00  }
0x136: {  	[spmem:s16] =	stream.linear.scatter [tilespmem:s28], [sflag:$0x2], $0x200, $0x38;
	[tilespmem:$0x1DFA0] =	vst v63  }
0x137: {  	_ =	swait.ge [sflag:s26], $0x200  }
0x138: {  	s20 =	sld [smem:$0x7DF]  }
0x139: {  	[sflag:s26] =	ssyncset.done $0x0  }
0x13a: {  	[sflag:s26] =	ssyncadd.s32 $0xFFFFFE00  }
0x13b: {  	[spmem:s20] =	stream.linear.scatter [tilespmem:s28], [sflag:$0x2], $0x200, $0x38;
	[tilespmem:$0x1DFA0] =	vst v63  }
0x13c: {  	_ =	swait.ge [sflag:s26], $0x200  }
0x13d: {  	s21 =	sld [smem:$0x7E0]  }
0x13e: {  	[sflag:s26] =	ssyncset.done $0x0  }
0x13f: {  	[sflag:s26] =	ssyncadd.s32 $0xFFFFFE00  }
0x140: {  	[spmem:s21] =	stream.linear.scatter [tilespmem:s28], [sflag:$0x2], $0x200, $0x38;
	[tilespmem:$0x1DFA0] =	vst v63  }
0x141: {  	_ =	swait.ge [sflag:s26], $0x200  }
0x142: {  	s14 =	sld [smem:$0x7E1]  }
0x143: {  	[sflag:s26] =	ssyncset.done $0x0  }
0x144: {  	[sflag:s26] =	ssyncadd.s32 $0xFFFFFE00  }
0x145: {  	[spmem:s14] =	stream.linear.scatter [tilespmem:s28], [sflag:$0x2], $0x200, $0x38;
	[tilespmem:$0x1DFA0] =	vst v63  }
0x146: {  	_ =	swait.ge [sflag:s26], $0x200  }
0x147: {  	s15 =	sld [smem:$0x7E2]  }
0x148: {  	[sflag:s26] =	ssyncset.done $0x0  }
0x149: {  	[sflag:s26] =	ssyncadd.s32 $0xFFFFFE00  }
0x14a: {  	[spmem:s15] =	stream.linear.scatter [tilespmem:s28], [sflag:$0x2], $0x200, $0x38;
	[tilespmem:$0x1DFA0] =	vst v63  }
0x14b: {  	_ =	swait.ge [sflag:s26], $0x200  }
0x14c: {  	s16 =	sld [smem:$0x7E3]  }
0x14d: {  	[sflag:s26] =	ssyncset.done $0x0  }
0x14e: {  	[sflag:s26] =	ssyncadd.s32 $0xFFFFFE00  }
0x14f: {  	[spmem:s16] =	stream.linear.scatter [tilespmem:s28], [sflag:$0x2], $0x200, $0x38;
	[tilespmem:$0x1DFA0] =	vst v63  }
0x150: {  	_ =	swait.ge [sflag:s26], $0x200  }
0x151: {  	s20 =	sld [smem:$0x7E4]  }
0x152: {  	[sflag:s26] =	ssyncset.done $0x0  }
0x153: {  	[sflag:s26] =	ssyncadd.s32 $0xFFFFFE00  }
0x154: {  	[spmem:s20] =	stream.linear.scatter [tilespmem:s28], [sflag:$0x2], $0x200, $0x38;
	[tilespmem:$0x1DFA0] =	vst v63  }
0x155: {  	_ =	swait.ge [sflag:s26], $0x200  }
0x156: {  	s21 =	sld [smem:$0x7E5]  }
0x157: {  	[sflag:s26] =	ssyncset.done $0x0  }
.Ltmp3:
0x158: {  	[sflag:s26] =	ssyncadd.s32 $0xFFFFFE00;
	(pc) =	sbr.rel @p1 .LBB2_5-.Ltmp3, $4  }
0x159: {  	[spmem:s21] =	stream.linear.scatter [tilespmem:s28], [sflag:$0x2], $0x200, $0x38;
	[tilespmem:$0x1DFA0] =	vst v63  }
0x15a: {  	_ =	swait.ge [sflag:s26], $0x200  }
0x15b: {  	[sflag:s26] =	ssyncset.done $0x0  }
0x15c: {  	[sflag:s26] =	ssyncadd.s32 $0xFFFFFE00  }
0x15d: {  	[spmem:s22] =	stream.linear.scatter [tilespmem:s28], [sflag:$0x2], $0x200, $0x38;
	[tilespmem:$0x1DFA0] =	vst v63  }
0x15e: {  	_ =	swait.ge [sflag:s26], $0x200  }
0x15f: {  	s13 =	sld [smem:$0x7E6]  }
0x160: {  	[sflag:s26] =	ssyncset.done $0x0  }
0x161: {  	[sflag:s26] =	ssyncadd.s32 $0xFFFFFE00  }
0x162: {  	[spmem:s13] =	stream.linear.scatter [tilespmem:s28], [sflag:$0x2], $0x200, $0x38;
	[tilespmem:$0x1DFA0] =	vst v63  }
0x163: {  	_ =	swait.ge [sflag:s26], $0x200  }
0x164: {  	s16 =	sld [smem:$0x7E7]  }
0x165: {  	[sflag:s26] =	ssyncset.done $0x0  }
0x166: {  	[sflag:s26] =	ssyncadd.s32 $0xFFFFFE00  }
0x167: {  	[spmem:s16] =	stream.linear.scatter [tilespmem:s28], [sflag:$0x2], $0x200, $0x38;
	[tilespmem:$0x1DFA0] =	vst v63  }
0x168: {  	_ =	swait.ge [sflag:s26], $0x200  }
0x169: {  	s20 =	sld [smem:$0x7E8]  }
0x16a: {  	[sflag:s26] =	ssyncset.done $0x0  }
0x16b: {  	[sflag:s26] =	ssyncadd.s32 $0xFFFFFE00  }
0x16c: {  	[spmem:s20] =	stream.linear.scatter [tilespmem:s28], [sflag:$0x2], $0x200, $0x38;
	[tilespmem:$0x1DFA0] =	vst v63  }
0x16d: {  	_ =	swait.ge [sflag:s26], $0x200  }
0x16e: {  	s21 =	sld [smem:$0x7E9]  }
0x16f: {  	[sflag:s26] =	ssyncset.done $0x0  }
0x170: {  	[sflag:s26] =	ssyncadd.s32 $0xFFFFFE00  }
0x171: {  	[spmem:s21] =	stream.linear.scatter [tilespmem:s28], [sflag:$0x2], $0x200, $0x38;
	[tilespmem:$0x1DFA0] =	vst v63  }
0x172: {  	_ =	swait.ge [sflag:s26], $0x200  }
0x173: {  	s14 =	sld [smem:$0x7EA]  }
0x174: {  	[sflag:s26] =	ssyncset.done $0x0  }
0x175: {  	[sflag:s26] =	ssyncadd.s32 $0xFFFFFE00  }
0x176: {  	[spmem:s14] =	stream.linear.scatter [tilespmem:s28], [sflag:$0x2], $0x200, $0x38;
	[tilespmem:$0x1DFA0] =	vst v63  }
0x177: {  	_ =	swait.ge [sflag:s26], $0x200  }
0x178: {  	s15 =	sld [smem:$0x7EB]  }
0x179: {  	[sflag:s26] =	ssyncset.done $0x0  }
0x17a: {  	[sflag:s26] =	ssyncadd.s32 $0xFFFFFE00  }
0x17b: {  	[spmem:s15] =	stream.linear.scatter [tilespmem:s28], [sflag:$0x2], $0x200, $0x38;
	[tilespmem:$0x1DFA0] =	vst v63  }
0x17c: {  	_ =	swait.ge [sflag:s26], $0x200  }
0x17d: {  	s16 =	sld [smem:$0x7EC]  }
0x17e: {  	[sflag:s26] =	ssyncset.done $0x0  }
0x17f: {  	[sflag:s26] =	ssyncadd.s32 $0xFFFFFE00  }
0x180: {  	[spmem:s16] =	stream.linear.scatter [tilespmem:s28], [sflag:$0x2], $0x200, $0x38;
	[tilespmem:$0x1DFA0] =	vst v63  }
0x181: {  	_ =	swait.ge [sflag:s26], $0x200  }
0x182: {  	s20 =	sld [smem:$0x7ED]  }
0x183: {  	[sflag:s26] =	ssyncset.done $0x0  }
0x184: {  	[sflag:s26] =	ssyncadd.s32 $0xFFFFFE00  }
0x185: {  	[spmem:s20] =	stream.linear.scatter [tilespmem:s28], [sflag:$0x2], $0x200, $0x38;
	[tilespmem:$0x1DFA0] =	vst v63  }
0x186: {  	_ =	swait.ge [sflag:s26], $0x200  }
0x187: {  	s21 =	sld [smem:$0x7EE]  }
0x188: {  	[sflag:s26] =	ssyncset.done $0x0  }
0x189: {  	[sflag:s26] =	ssyncadd.s32 $0xFFFFFE00  }
0x18a: {  	[spmem:s21] =	stream.linear.scatter [tilespmem:s28], [sflag:$0x2], $0x200, $0x38;
	[tilespmem:$0x1DFA0] =	vst v63  }
0x18b: {  	_ =	swait.ge [sflag:s26], $0x200  }
0x18c: {  	s14 =	sld [smem:$0x7EF]  }
0x18d: {  	[sflag:s26] =	ssyncset.done $0x0  }
0x18e: {  	[sflag:s26] =	ssyncadd.s32 $0xFFFFFE00  }
0x18f: {  	[spmem:s14] =	stream.linear.scatter [tilespmem:s28], [sflag:$0x2], $0x200, $0x38;
	[tilespmem:$0x1DFA0] =	vst v63  }
0x190: {  	_ =	swait.ge [sflag:s26], $0x200  }
0x191: {  	s15 =	sld [smem:$0x7F0]  }
0x192: {  	[sflag:s26] =	ssyncset.done $0x0  }
0x193: {  	[sflag:s26] =	ssyncadd.s32 $0xFFFFFE00  }
0x194: {  	[spmem:s15] =	stream.linear.scatter [tilespmem:s28], [sflag:$0x2], $0x200, $0x38;
	[tilespmem:$0x1DFA0] =	vst v63  }
0x195: {  	_ =	swait.ge [sflag:s26], $0x200  }
0x196: {  	s16 =	sld [smem:$0x7F1]  }
0x197: {  	[sflag:s26] =	ssyncset.done $0x0  }
0x198: {  	[sflag:s26] =	ssyncadd.s32 $0xFFFFFE00  }
0x199: {  	[spmem:s16] =	stream.linear.scatter [tilespmem:s28], [sflag:$0x2], $0x200, $0x38;
	[tilespmem:$0x1DFA0] =	vst v63  }
0x19a: {  	_ =	swait.ge [sflag:s26], $0x200  }
0x19b: {  	s20 =	sld [smem:$0x7F2]  }
0x19c: {  	[sflag:s26] =	ssyncset.done $0x0  }
0x19d: {  	[sflag:s26] =	ssyncadd.s32 $0xFFFFFE00  }
0x19e: {  	[spmem:s20] =	stream.linear.scatter [tilespmem:s28], [sflag:$0x2], $0x200, $0x38;
	[tilespmem:$0x1DFA0] =	vst v63  }
0x19f: {  	_ =	swait.ge [sflag:s26], $0x200  }
0x1a0: {  	s21 =	sld [smem:$0x7F3]  }
0x1a1: {  	[sflag:s26] =	ssyncset.done $0x0  }
0x1a2: {  	[sflag:s26] =	ssyncadd.s32 $0xFFFFFE00  }
0x1a3: {  	[spmem:s21] =	stream.linear.scatter [tilespmem:s28], [sflag:$0x2], $0x200, $0x38;
	[tilespmem:$0x1DFA0] =	vst v63  }
0x1a4: {  	_ =	swait.ge [sflag:s26], $0x200  }
0x1a5: {  	s14 =	sld [smem:$0x7F4]  }
0x1a6: {  	[sflag:s26] =	ssyncset.done $0x0  }
0x1a7: {  	[sflag:s26] =	ssyncadd.s32 $0xFFFFFE00  }
0x1a8: {  	[spmem:s14] =	stream.linear.scatter [tilespmem:s28], [sflag:$0x2], $0x200, $0x38;
	[tilespmem:$0x1DFA0] =	vst v63  }
0x1a9: {  	_ =	swait.ge [sflag:s26], $0x200  }
0x1aa: {  	s15 =	sld [smem:$0x7F5]  }
0x1ab: {  	[sflag:s26] =	ssyncset.done $0x0  }
0x1ac: {  	[sflag:s26] =	ssyncadd.s32 $0xFFFFFE00  }
0x1ad: {  	[spmem:s15] =	stream.linear.scatter [tilespmem:s28], [sflag:$0x2], $0x200, $0x38;
	[tilespmem:$0x1DFA0] =	vst v63  }
0x1ae: {  	_ =	swait.ge [sflag:s26], $0x200  }
0x1af: {  	s16 =	sld [smem:$0x7F6]  }
0x1b0: {  	[sflag:s26] =	ssyncset.done $0x0  }
0x1b1: {  	[sflag:s26] =	ssyncadd.s32 $0xFFFFFE00  }
0x1b2: {  	[spmem:s16] =	stream.linear.scatter [tilespmem:s28], [sflag:$0x2], $0x200, $0x38;
	[tilespmem:$0x1DFA0] =	vst v63  }
0x1b3: {  	_ =	swait.ge [sflag:s26], $0x200  }
0x1b4: {  	s20 =	sld [smem:$0x7F7]  }
0x1b5: {  	[sflag:s26] =	ssyncset.done $0x0  }
0x1b6: {  	[sflag:s26] =	ssyncadd.s32 $0xFFFFFE00  }
0x1b7: {  	[spmem:s20] =	stream.linear.scatter [tilespmem:s28], [sflag:$0x2], $0x200, $0x38;
	[tilespmem:$0x1DFA0] =	vst v63  }
0x1b8: {  	_ =	swait.ge [sflag:s26], $0x200  }
0x1b9: {  	s21 =	sld [smem:$0x7F8]  }
0x1ba: {  	[sflag:s26] =	ssyncset.done $0x0  }
0x1bb: {  	[sflag:s26] =	ssyncadd.s32 $0xFFFFFE00  }
0x1bc: {  	[spmem:s21] =	stream.linear.scatter [tilespmem:s28], [sflag:$0x2], $0x200, $0x38;
	[tilespmem:$0x1DFA0] =	vst v63  }
0x1bd: {  	_ =	swait.ge [sflag:s26], $0x200  }
0x1be: {  	s14 =	sld [smem:$0x7F9]  }
0x1bf: {  	[sflag:s26] =	ssyncset.done $0x0  }
0x1c0: {  	[sflag:s26] =	ssyncadd.s32 $0xFFFFFE00  }
0x1c1: {  	[spmem:s14] =	stream.linear.scatter [tilespmem:s28], [sflag:$0x2], $0x200, $0x38;
	[tilespmem:$0x1DFA0] =	vst v63  }
0x1c2: {  	_ =	swait.ge [sflag:s26], $0x200  }
0x1c3: {  	s15 =	sld [smem:$0x7FA]  }
0x1c4: {  	[sflag:s26] =	ssyncset.done $0x0  }
0x1c5: {  	[sflag:s26] =	ssyncadd.s32 $0xFFFFFE00  }
0x1c6: {  	[spmem:s15] =	stream.linear.scatter [tilespmem:s28], [sflag:$0x2], $0x200, $0x38;
	[tilespmem:$0x1DFA0] =	vst v63  }
0x1c7: {  	_ =	swait.ge [sflag:s26], $0x200  }
0x1c8: {  	s16 =	sld [smem:$0x7FB]  }
0x1c9: {  	[sflag:s26] =	ssyncset.done $0x0  }
0x1ca: {  	[sflag:s26] =	ssyncadd.s32 $0xFFFFFE00  }
0x1cb: {  	[spmem:s16] =	stream.linear.scatter [tilespmem:s28], [sflag:$0x2], $0x200, $0x38;
	[tilespmem:$0x1DFA0] =	vst v63  }
0x1cc: {  	_ =	swait.ge [sflag:s26], $0x200  }
0x1cd: {  	s20 =	sld [smem:$0x7FC]  }
0x1ce: {  	[sflag:s26] =	ssyncset.done $0x0  }
0x1cf: {  	[sflag:s26] =	ssyncadd.s32 $0xFFFFFE00  }
0x1d0: {  	[spmem:s20] =	stream.linear.scatter [tilespmem:s28], [sflag:$0x2], $0x200, $0x38;
	[tilespmem:$0x1DFA0] =	vst v63  }
0x1d1: {  	_ =	swait.ge [sflag:s26], $0x200  }
0x1d2: {  	s21 =	sld [smem:$0x7FD]  }
0x1d3: {  	[sflag:s26] =	ssyncset.done $0x0  }
0x1d4: {  	[sflag:s26] =	ssyncadd.s32 $0xFFFFFE00  }
0x1d5: {  	[spmem:s21] =	stream.linear.scatter [tilespmem:s28], [sflag:$0x2], $0x200, $0x38;
	[tilespmem:$0x1DFA0] =	vst v63  }
0x1d6: {  	_ =	swait.ge [sflag:s26], $0x200  }
0x1d7: {  	[sflag:s26] =	ssyncset.done $0x0  }
0x1d8: {  	[sflag:s26] =	ssyncadd.s32 $0xFFFFFE00  }
.LBB2_5:
0x1d9: {  	[bflag:$0x0] =	sbarrier.arrive $0xFFFF;
	s13 =	simm.s32 $0x0;
	s14 =	simm.s32 $0x0  }
.LBB2_6:
0x1da: {  	s15 =	sshll.u32 s14, $0xC  }
0x1db: {  	s15 =	sor.u32 s18, s15  }
0x1dc: {  	s16 =	sadd.s32 s6, s15  }
0x1dd: {  	[tilespmem:s13], [sflag:$0x2] =	stream.linear.gather [hbm4b:s16+s13], $0x400, $0x38;
	[tilespmem:$0x1DFA0] =	vst v63  }
0x1de: {  	_ =	swait.ge [sflag:s26], $0x400  }
0x1df: {  	[sflag:s26] =	ssyncset.done $0x0  }
0x1e0: {  	s21 =	sadd.s32 s7, s15;
	[sflag:s26] =	ssyncadd.s32 $0xFFFFFC00  }
0x1e1: {  	[tilespmem:s29], [sflag:$0x2] =	stream.linear.gather [hbm4b:s21+s13], $0x400, $0x38;
	[tilespmem:$0x1DFA0] =	vst v63  }
0x1e2: {  	_ =	swait.ge [sflag:s26], $0x400  }
0x1e3: {  	[sflag:s26] =	ssyncset.done $0x0  }
0x1e4: {  	s20 =	sadd.s32 s8, s15;
	[sflag:s26] =	ssyncadd.s32 $0xFFFFFC00  }
0x1e5: {  	[tilespmem:s30], [sflag:$0x2] =	stream.linear.gather [hbm4b:s20+s13], $0x400, $0x38;
	[tilespmem:$0x1DFA0] =	vst v63  }
0x1e6: {  	_ =	swait.ge [sflag:s26], $0x400  }
0x1e7: {  	[sflag:s26] =	ssyncset.done $0x0  }
0x1e8: {  	s15 =	sadd.s32 s9, s15;
	[sflag:s26] =	ssyncadd.s32 $0xFFFFFC00  }
0x1e9: {  	[tilespmem:s31], [sflag:$0x2] =	stream.linear.gather [hbm4b:s15+s13], $0x400, $0x38;
	[tilespmem:$0x1DFA0] =	vst v63  }
0x1ea: {  	_ =	swait.ge [sflag:s26], $0x400  }
0x1eb: {  	[sflag:s26] =	ssyncset.done $0x0  }
0x1ec: {  	s21 =	simm.s32 $0x0;
	[sflag:s26] =	ssyncadd.s32 $0xFFFFFC00  }
0x1ed: {  	v2 =	vld [tilespmem:s21+$0x800];
	_ =	sdelay $0x2  }
0x1ee: {  	v3 =	vld [tilespmem:s21+$0xC00]  }
0x1ef: {  	v4 =	vld [tilespmem:s21+$0x400]  }
0x1f0: {  	vm0 =	vgt.s32 v2, $0x0  }
0x1f1: {  	v5 =	vld [tilespmem:s21+$0x0];
	v2 =	vnsel vm0, $0x0, v2  }
0x1f2: {  	v2 =	vmin.u32 v2, $0x5  }
0x1f3: {  	vm13 =	vgt.s32 v3, $0x0;
	v2 =	vmul.u32 $0x3, v2  }
0x1f4: {  	v6 =	vshll.u32 v4, $0x5;
	v3 =	vnsel vm13, $0x0, v3  }
0x1f5: {  	[tilespmem:$0x1080] =	vst v4;
	v3 =	vmin.u32 v3, $0x2;
	v2 =	vor.u32 v6, v2  }
0x1f6: {  	[tilespmem:$0x1000] =	vst v5;
	v2 =	vadd.s32 v3, v2  }
0x1f7: {  	[tilespmem:$0x1100] =	vst v2  }
0x1f8: {  	v2 =	vld [tilespmem:s21+$0x810];
	_ =	sdelay $0x2  }
0x1f9: {  	v3 =	vld [tilespmem:s21+$0xC10]  }
0x1fa: {  	v4 =	vld [tilespmem:s21+$0x410]  }
0x1fb: {  	vm14 =	vgt.s32 v2, $0x0  }
0x1fc: {  	v5 =	vld [tilespmem:s21+$0x10];
	v2 =	vnsel vm14, $0x0, v2  }
0x1fd: {  	v2 =	vmin.u32 v2, $0x5  }
0x1fe: {  	vm15 =	vgt.s32 v3, $0x0;
	v2 =	vmul.u32 $0x3, v2  }
0x1ff: {  	v57 =	vshll.u32 v4, $0x5;
	v3 =	vnsel vm15, $0x0, v3  }
0x200: {  	[tilespmem:$0x1090] =	vst v4;
	v3 =	vmin.u32 v3, $0x2;
	v2 =	vor.u32 v57, v2  }
0x201: {  	[tilespmem:$0x1010] =	vst v5;
	v2 =	vadd.s32 v3, v2  }
0x202: {  	[tilespmem:$0x1110] =	vst v2  }
0x203: {  	v2 =	vld [tilespmem:s21+$0x820];
	_ =	sdelay $0x2  }
0x204: {  	v3 =	vld [tilespmem:s21+$0xC20]  }
0x205: {  	v4 =	vld [tilespmem:s21+$0x420]  }
0x206: {  	vm4 =	vgt.s32 v2, $0x0  }
0x207: {  	v5 =	vld [tilespmem:s21+$0x20];
	v2 =	vnsel vm4, $0x0, v2  }
0x208: {  	v2 =	vmin.u32 v2, $0x5  }
0x209: {  	vm5 =	vgt.s32 v3, $0x0;
	v2 =	vmul.u32 $0x3, v2  }
0x20a: {  	v58 =	vshll.u32 v4, $0x5;
	v3 =	vnsel vm5, $0x0, v3  }
0x20b: {  	[tilespmem:$0x10A0] =	vst v4;
	v3 =	vmin.u32 v3, $0x2;
	v2 =	vor.u32 v58, v2  }
0x20c: {  	[tilespmem:$0x1020] =	vst v5;
	v2 =	vadd.s32 v3, v2  }
0x20d: {  	[tilespmem:$0x1120] =	vst v2  }
0x20e: {  	v2 =	vld [tilespmem:s21+$0x830];
	_ =	sdelay $0x2  }
0x20f: {  	v3 =	vld [tilespmem:s21+$0xC30]  }
0x210: {  	v4 =	vld [tilespmem:s21+$0x430]  }
0x211: {  	vm6 =	vgt.s32 v2, $0x0  }
0x212: {  	v5 =	vld [tilespmem:s21+$0x30];
	v2 =	vnsel vm6, $0x0, v2  }
0x213: {  	v2 =	vmin.u32 v2, $0x5  }
0x214: {  	vm7 =	vgt.s32 v3, $0x0;
	v2 =	vmul.u32 $0x3, v2  }
0x215: {  	v59 =	vshll.u32 v4, $0x5;
	v3 =	vnsel vm7, $0x0, v3  }
0x216: {  	[tilespmem:$0x10B0] =	vst v4;
	v3 =	vmin.u32 v3, $0x2;
	v2 =	vor.u32 v59, v2  }
0x217: {  	[tilespmem:$0x1030] =	vst v5;
	v2 =	vadd.s32 v3, v2  }
0x218: {  	[tilespmem:$0x1130] =	vst v2  }
0x219: {  	v2 =	vld [tilespmem:s21+$0x840];
	_ =	sdelay $0x2  }
0x21a: {  	v3 =	vld [tilespmem:s21+$0xC40]  }
0x21b: {  	v4 =	vld [tilespmem:s21+$0x440]  }
0x21c: {  	vm8 =	vgt.s32 v2, $0x0  }
0x21d: {  	v5 =	vld [tilespmem:s21+$0x40];
	v2 =	vnsel vm8, $0x0, v2  }
0x21e: {  	v2 =	vmin.u32 v2, $0x5  }
0x21f: {  	vm9 =	vgt.s32 v3, $0x0;
	v2 =	vmul.u32 $0x3, v2  }
0x220: {  	v60 =	vshll.u32 v4, $0x5;
	v3 =	vnsel vm9, $0x0, v3  }
0x221: {  	[tilespmem:$0x10C0] =	vst v4;
	v3 =	vmin.u32 v3, $0x2;
	v2 =	vor.u32 v60, v2  }
0x222: {  	[tilespmem:$0x1040] =	vst v5;
	v2 =	vadd.s32 v3, v2  }
0x223: {  	[tilespmem:$0x1140] =	vst v2  }
0x224: {  	v2 =	vld [tilespmem:s21+$0x850];
	_ =	sdelay $0x2  }
0x225: {  	v3 =	vld [tilespmem:s21+$0xC50]  }
0x226: {  	v4 =	vld [tilespmem:s21+$0x450]  }
0x227: {  	vm10 =	vgt.s32 v2, $0x0  }
0x228: {  	v5 =	vld [tilespmem:s21+$0x50];
	v2 =	vnsel vm10, $0x0, v2  }
0x229: {  	v2 =	vmin.u32 v2, $0x5  }
0x22a: {  	vm11 =	vgt.s32 v3, $0x0;
	v2 =	vmul.u32 $0x3, v2  }
0x22b: {  	v61 =	vshll.u32 v4, $0x5;
	v3 =	vnsel vm11, $0x0, v3  }
0x22c: {  	[tilespmem:$0x10D0] =	vst v4;
	v3 =	vmin.u32 v3, $0x2;
	v2 =	vor.u32 v61, v2  }
0x22d: {  	[tilespmem:$0x1050] =	vst v5;
	v2 =	vadd.s32 v3, v2  }
0x22e: {  	[tilespmem:$0x1150] =	vst v2  }
0x22f: {  	v2 =	vld [tilespmem:s21+$0x860];
	_ =	sdelay $0x2  }
0x230: {  	v3 =	vld [tilespmem:s21+$0xC60]  }
0x231: {  	v4 =	vld [tilespmem:s21+$0x460]  }
0x232: {  	vm12 =	vgt.s32 v2, $0x0  }
0x233: {  	v5 =	vld [tilespmem:s21+$0x60];
	v2 =	vnsel vm12, $0x0, v2  }
0x234: {  	v2 =	vmin.u32 v2, $0x5  }
0x235: {  	vm13 =	vgt.s32 v3, $0x0;
	v2 =	vmul.u32 $0x3, v2  }
0x236: {  	v62 =	vshll.u32 v4, $0x5;
	v3 =	vnsel vm13, $0x0, v3  }
0x237: {  	[tilespmem:$0x10E0] =	vst v4;
	v3 =	vmin.u32 v3, $0x2;
	v2 =	vor.u32 v62, v2  }
0x238: {  	[tilespmem:$0x1060] =	vst v5;
	v2 =	vadd.s32 v3, v2  }
0x239: {  	[tilespmem:$0x1160] =	vst v2  }
0x23a: {  	v2 =	vld [tilespmem:s21+$0x870];
	_ =	sdelay $0x2  }
0x23b: {  	v3 =	vld [tilespmem:s21+$0xC70]  }
0x23c: {  	v4 =	vld [tilespmem:s21+$0x470]  }
0x23d: {  	vm14 =	vgt.s32 v2, $0x0  }
0x23e: {  	v5 =	vld [tilespmem:s21+$0x70];
	v2 =	vnsel vm14, $0x0, v2  }
0x23f: {  	v2 =	vmin.u32 v2, $0x5  }
0x240: {  	vm15 =	vgt.s32 v3, $0x0;
	v2 =	vmul.u32 $0x3, v2  }
0x241: {  	v63 =	vshll.u32 v4, $0x5;
	v3 =	vnsel vm15, $0x0, v3  }
0x242: {  	[tilespmem:$0x10F0] =	vst v4;
	v3 =	vmin.u32 v3, $0x2;
	v2 =	vor.u32 v63, v2  }
0x243: {  	[tilespmem:$0x1070] =	vst v5;
	v2 =	vadd.s32 v3, v2  }
0x244: {  	[tilespmem:$0x1170] =	vst v2  }
0x245: {  	[tilespmem:s25], [sflag:$0x1] =	stream.indirect.gather [hbm4b:s1+s0], $0x80, s23, s0, $0xb8;
	[tilespmem:$0x1DFA0] =	vst v63  }
0x246: {  	_ =	swait.ge [sflag:s24], $0x4000  }
0x247: {  	[sflag:s24] =	ssyncset.done $0x0  }
0x248: {  	[sflag:s24] =	ssyncadd.s32 $0xFFFFC000  }
0x249: {  	[spmem:s2] =	stream.indirect.scatter.add.f32 [tilespmem:s25], [sflag:$0x2], $0x80, s10, s0, $0xb8;
	[tilespmem:$0x1DFA0] =	vst v63  }
0x24a: {  	_ =	swait.ge [sflag:s26], $0x4000  }
0x24b: {  	[sflag:s26] =	ssyncset.done $0x0  }
0x24c: {  	[sflag:s26] =	ssyncadd.s32 $0xFFFFC000  }
0x24d: {  	[spmem:s3] =	stream.indirect.scatter.add.f32 [tilespmem:s5], [sflag:$0x2], $0x1, s11, s0, $0xb8;
	[tilespmem:$0x1DFA0] =	vst v63  }
0x24e: {  	s16 =	simm.s32 $0x400;
	s15 =	simm.s32 $0x200;
	_ =	swait.ge [sflag:s26], $0x80  }
.LBB2_7:
0x24f: {  	s20 =	sshra.s32 s15, $0x2  }
0x250: {  	[sflag:s26] =	ssyncset.done $0x0;
	s15 =	smov.u32 s16;
	s21 =	sadd.s32 $0x200, s16  }
0x251: {  	p3 =	sne.s32 s16, $0xE00;
	[sflag:s26] =	ssyncadd.s32 $0xFFFFFF80  }
0x252: {  	v2 =	vld [tilespmem:s20+$0x800];
	_ =	sdelay $0x1  }
0x253: {  	v3 =	vld [tilespmem:s20+$0xC00]  }
0x254: {  	v4 =	vld [tilespmem:s20+$0x400];
	_ =	sdelay $0x1  }
0x255: {  	vm0 =	vgt.s32 v2, $0x0  }
0x256: {  	v2 =	vnsel vm0, $0x0, v2;
	v5 =	vld [tilespmem:s20+$0x0]  }
0x257: {  	v2 =	vmin.u32 v2, $0x5;
	vm0 =	vgt.s32 v3, $0x0  }
0x258: {  	v3 =	vnsel vm0, $0x0, v3;
	v6 =	vshll.u32 v4, $0x5;
	v2 =	vmul.u32 $0x3, v2  }
0x259: {  	v3 =	vmin.u32 v3, $0x2  }
0x25a: {  	[tilespmem:$0x1080] =	vst v4;
	v2 =	vor.u32 v6, v2  }
0x25b: {  	[tilespmem:$0x1000] =	vst v5;
	v2 =	vadd.s32 v3, v2  }
0x25c: {  	[tilespmem:$0x1100] =	vst v2  }
0x25d: {  	v2 =	vld [tilespmem:s20+$0x810];
	_ =	sdelay $0x1  }
0x25e: {  	v3 =	vld [tilespmem:s20+$0xC10]  }
0x25f: {  	v4 =	vld [tilespmem:s20+$0x410];
	_ =	sdelay $0x1  }
0x260: {  	vm0 =	vgt.s32 v2, $0x0  }
0x261: {  	v2 =	vnsel vm0, $0x0, v2;
	v5 =	vld [tilespmem:s20+$0x10]  }
0x262: {  	v2 =	vmin.u32 v2, $0x5;
	vm0 =	vgt.s32 v3, $0x0  }
0x263: {  	v3 =	vnsel vm0, $0x0, v3;
	v6 =	vshll.u32 v4, $0x5;
	v2 =	vmul.u32 $0x3, v2  }
0x264: {  	v3 =	vmin.u32 v3, $0x2  }
0x265: {  	[tilespmem:$0x1090] =	vst v4;
	v2 =	vor.u32 v6, v2  }
0x266: {  	[tilespmem:$0x1010] =	vst v5;
	v2 =	vadd.s32 v3, v2  }
0x267: {  	[tilespmem:$0x1110] =	vst v2  }
0x268: {  	v2 =	vld [tilespmem:s20+$0x820];
	_ =	sdelay $0x1  }
0x269: {  	v3 =	vld [tilespmem:s20+$0xC20]  }
0x26a: {  	v4 =	vld [tilespmem:s20+$0x420];
	_ =	sdelay $0x1  }
0x26b: {  	vm0 =	vgt.s32 v2, $0x0  }
0x26c: {  	v2 =	vnsel vm0, $0x0, v2;
	v5 =	vld [tilespmem:s20+$0x20]  }
0x26d: {  	v2 =	vmin.u32 v2, $0x5;
	vm0 =	vgt.s32 v3, $0x0  }
0x26e: {  	v3 =	vnsel vm0, $0x0, v3;
	v6 =	vshll.u32 v4, $0x5;
	v2 =	vmul.u32 $0x3, v2  }
0x26f: {  	v3 =	vmin.u32 v3, $0x2  }
0x270: {  	[tilespmem:$0x10A0] =	vst v4;
	v2 =	vor.u32 v6, v2  }
0x271: {  	[tilespmem:$0x1020] =	vst v5;
	v2 =	vadd.s32 v3, v2  }
0x272: {  	[tilespmem:$0x1120] =	vst v2  }
0x273: {  	v2 =	vld [tilespmem:s20+$0x830];
	_ =	sdelay $0x1  }
0x274: {  	v3 =	vld [tilespmem:s20+$0xC30]  }
0x275: {  	v4 =	vld [tilespmem:s20+$0x430];
	_ =	sdelay $0x1  }
0x276: {  	vm0 =	vgt.s32 v2, $0x0  }
0x277: {  	v2 =	vnsel vm0, $0x0, v2;
	v5 =	vld [tilespmem:s20+$0x30]  }
0x278: {  	v2 =	vmin.u32 v2, $0x5;
	vm0 =	vgt.s32 v3, $0x0  }
0x279: {  	v3 =	vnsel vm0, $0x0, v3;
	[tilespmem:$0x10B0] =	vst v4;
	v4 =	vshll.u32 v4, $0x5;
	v2 =	vmul.u32 $0x3, v2  }
0x27a: {  	v3 =	vmin.u32 v3, $0x2  }
0x27b: {  	v2 =	vor.u32 v4, v2  }
0x27c: {  	[tilespmem:$0x1030] =	vst v5;
	v2 =	vadd.s32 v3, v2  }
0x27d: {  	[tilespmem:$0x1130] =	vst v2  }
0x27e: {  	v2 =	vld [tilespmem:s20+$0x840]  }
0x27f: {  	v3 =	vld [tilespmem:s20+$0xC40]  }
0x280: {  	v4 =	vld [tilespmem:s20+$0x440]  }
0x281: {  	v5 =	vld [tilespmem:s20+$0x40];
	_ =	sdelay $0x1  }
0x282: {  	vm0 =	vgt.s32 v2, $0x0  }
0x283: {  	v2 =	vnsel vm0, $0x0, v2;
	vm0 =	vgt.s32 v3, $0x0  }
0x284: {  	v2 =	vmin.u32 v2, $0x5;
	v3 =	vnsel vm0, $0x0, v3;
	[tilespmem:$0x10C0] =	vst v4  }
0x285: {  	v4 =	vshll.u32 v4, $0x5;
	[tilespmem:$0x1040] =	vst v5;
	v2 =	vmul.u32 $0x3, v2  }
0x286: {  	v3 =	vmin.u32 v3, $0x2  }
0x287: {  	v2 =	vor.u32 v4, v2  }
0x288: {  	v2 =	vadd.s32 v3, v2  }
0x289: {  	[tilespmem:$0x1140] =	vst v2  }
0x28a: {  	v2 =	vld [tilespmem:s20+$0x850]  }
0x28b: {  	v3 =	vld [tilespmem:s20+$0xC50]  }
0x28c: {  	v4 =	vld [tilespmem:s20+$0x450]  }
0x28d: {  	v5 =	vld [tilespmem:s20+$0x50];
	_ =	sdelay $0x1  }
0x28e: {  	vm0 =	vgt.s32 v2, $0x0  }
0x28f: {  	v2 =	vnsel vm0, $0x0, v2;
	vm0 =	vgt.s32 v3, $0x0  }
0x290: {  	v2 =	vmin.u32 v2, $0x5;
	v3 =	vnsel vm0, $0x0, v3;
	[tilespmem:$0x10D0] =	vst v4  }
0x291: {  	v4 =	vshll.u32 v4, $0x5;
	[tilespmem:$0x1050] =	vst v5;
	v2 =	vmul.u32 $0x3, v2  }
0x292: {  	v3 =	vmin.u32 v3, $0x2  }
0x293: {  	v2 =	vor.u32 v4, v2  }
0x294: {  	v2 =	vadd.s32 v3, v2  }
0x295: {  	[tilespmem:$0x1150] =	vst v2  }
0x296: {  	v2 =	vld [tilespmem:s20+$0x860]  }
0x297: {  	v3 =	vld [tilespmem:s20+$0xC60]  }
0x298: {  	v4 =	vld [tilespmem:s20+$0x460]  }
0x299: {  	v5 =	vld [tilespmem:s20+$0x60];
	_ =	sdelay $0x1  }
0x29a: {  	vm0 =	vgt.s32 v2, $0x0  }
0x29b: {  	v2 =	vnsel vm0, $0x0, v2;
	vm0 =	vgt.s32 v3, $0x0  }
0x29c: {  	v2 =	vmin.u32 v2, $0x5;
	v3 =	vnsel vm0, $0x0, v3;
	[tilespmem:$0x10E0] =	vst v4  }
0x29d: {  	v4 =	vshll.u32 v4, $0x5;
	[tilespmem:$0x1060] =	vst v5;
	v2 =	vmul.u32 $0x3, v2  }
0x29e: {  	v3 =	vmin.u32 v3, $0x2  }
0x29f: {  	v2 =	vor.u32 v4, v2  }
0x2a0: {  	v2 =	vadd.s32 v3, v2  }
0x2a1: {  	[tilespmem:$0x1160] =	vst v2  }
0x2a2: {  	v2 =	vld [tilespmem:s20+$0x870]  }
0x2a3: {  	v3 =	vld [tilespmem:s20+$0xC70]  }
0x2a4: {  	v4 =	vld [tilespmem:s20+$0x470]  }
0x2a5: {  	v5 =	vld [tilespmem:s20+$0x70];
	_ =	sdelay $0x1  }
0x2a6: {  	vm0 =	vgt.s32 v2, $0x0  }
0x2a7: {  	v2 =	vnsel vm0, $0x0, v2;
	vm0 =	vgt.s32 v3, $0x0  }
0x2a8: {  	v2 =	vmin.u32 v2, $0x5;
	v3 =	vnsel vm0, $0x0, v3;
	[tilespmem:$0x10F0] =	vst v4  }
0x2a9: {  	v4 =	vshll.u32 v4, $0x5;
	[tilespmem:$0x1070] =	vst v5;
	v2 =	vmul.u32 $0x3, v2  }
0x2aa: {  	v3 =	vmin.u32 v3, $0x2  }
0x2ab: {  	v2 =	vor.u32 v4, v2  }
0x2ac: {  	v2 =	vadd.s32 v3, v2  }
0x2ad: {  	[tilespmem:$0x1170] =	vst v2  }
0x2ae: {  	[tilespmem:s25], [sflag:$0x1] =	stream.indirect.gather [hbm4b:s1+s0], $0x80, s23, s0, $0xb8;
	[tilespmem:$0x1DFA0] =	vst v63  }
0x2af: {  	_ =	swait.ge [sflag:s24], $0x4000  }
0x2b0: {  	[sflag:s24] =	ssyncset.done $0x0  }
0x2b1: {  	[sflag:s24] =	ssyncadd.s32 $0xFFFFC000  }
0x2b2: {  	[spmem:s2] =	stream.indirect.scatter.add.f32 [tilespmem:s25], [sflag:$0x2], $0x80, s10, s0, $0xb8;
	[tilespmem:$0x1DFA0] =	vst v63  }
.Ltmp4:
0x2b3: {  	_ =	swait.ge [sflag:s26], $0x4000;
	(pc) =	sbr.rel @p3 .LBB2_7-.Ltmp4, $4  }
0x2b4: {  	[sflag:s26] =	ssyncset.done $0x0  }
0x2b5: {  	[sflag:s26] =	ssyncadd.s32 $0xFFFFC000  }
0x2b6: {  	[spmem:s3] =	stream.indirect.scatter.add.f32 [tilespmem:s5], [sflag:$0x2], $0x1, s11, s0, $0xb8;
	[tilespmem:$0x1DFA0] =	vst v63  }
0x2b7: {  	s16 =	smov.u32 s21;
	_ =	swait.ge [sflag:s26], $0x80  }
0x2b8: {  	[sflag:s26] =	ssyncset.done $0x0  }
0x2b9: {  	s15 =	sshra.s32 s15, $0x2;
	[sflag:s26] =	ssyncadd.s32 $0xFFFFFF80  }
0x2ba: {  	v2 =	vld [tilespmem:s15+$0x800];
	_ =	sdelay $0x2  }
0x2bb: {  	v3 =	vld [tilespmem:s15+$0xC00]  }
0x2bc: {  	v4 =	vld [tilespmem:s15+$0x400]  }
0x2bd: {  	vm0 =	vgt.s32 v2, $0x0  }
0x2be: {  	v5 =	vld [tilespmem:s15+$0x0];
	v2 =	vnsel vm0, $0x0, v2  }
0x2bf: {  	v2 =	vmin.u32 v2, $0x5  }
0x2c0: {  	vm13 =	vgt.s32 v3, $0x0;
	v2 =	vmul.u32 $0x3, v2  }
0x2c1: {  	v6 =	vshll.u32 v4, $0x5;
	v3 =	vnsel vm13, $0x0, v3  }
0x2c2: {  	[tilespmem:$0x1080] =	vst v4;
	v3 =	vmin.u32 v3, $0x2;
	v2 =	vor.u32 v6, v2  }
0x2c3: {  	[tilespmem:$0x1000] =	vst v5;
	v2 =	vadd.s32 v3, v2  }
0x2c4: {  	[tilespmem:$0x1100] =	vst v2  }
0x2c5: {  	v2 =	vld [tilespmem:s15+$0x810];
	_ =	sdelay $0x2  }
0x2c6: {  	v3 =	vld [tilespmem:s15+$0xC10]  }
0x2c7: {  	v4 =	vld [tilespmem:s15+$0x410]  }
0x2c8: {  	vm14 =	vgt.s32 v2, $0x0  }
0x2c9: {  	v5 =	vld [tilespmem:s15+$0x10];
	v2 =	vnsel vm14, $0x0, v2  }
0x2ca: {  	v2 =	vmin.u32 v2, $0x5  }
0x2cb: {  	vm15 =	vgt.s32 v3, $0x0;
	v2 =	vmul.u32 $0x3, v2  }
0x2cc: {  	v57 =	vshll.u32 v4, $0x5;
	v3 =	vnsel vm15, $0x0, v3  }
0x2cd: {  	[tilespmem:$0x1090] =	vst v4;
	v3 =	vmin.u32 v3, $0x2;
	v2 =	vor.u32 v57, v2  }
0x2ce: {  	[tilespmem:$0x1010] =	vst v5;
	v2 =	vadd.s32 v3, v2  }
0x2cf: {  	[tilespmem:$0x1110] =	vst v2  }
0x2d0: {  	v2 =	vld [tilespmem:s15+$0x820];
	_ =	sdelay $0x2  }
0x2d1: {  	v3 =	vld [tilespmem:s15+$0xC20]  }
0x2d2: {  	v4 =	vld [tilespmem:s15+$0x420]  }
0x2d3: {  	vm4 =	vgt.s32 v2, $0x0  }
0x2d4: {  	v5 =	vld [tilespmem:s15+$0x20];
	v2 =	vnsel vm4, $0x0, v2  }
0x2d5: {  	v2 =	vmin.u32 v2, $0x5  }
0x2d6: {  	vm5 =	vgt.s32 v3, $0x0;
	v2 =	vmul.u32 $0x3, v2  }
0x2d7: {  	v58 =	vshll.u32 v4, $0x5;
	v3 =	vnsel vm5, $0x0, v3  }
0x2d8: {  	[tilespmem:$0x10A0] =	vst v4;
	v3 =	vmin.u32 v3, $0x2;
	v2 =	vor.u32 v58, v2  }
0x2d9: {  	[tilespmem:$0x1020] =	vst v5;
	v2 =	vadd.s32 v3, v2  }
0x2da: {  	[tilespmem:$0x1120] =	vst v2  }
0x2db: {  	v2 =	vld [tilespmem:s15+$0x830];
	_ =	sdelay $0x2  }
0x2dc: {  	v3 =	vld [tilespmem:s15+$0xC30]  }
0x2dd: {  	v4 =	vld [tilespmem:s15+$0x430]  }
0x2de: {  	vm6 =	vgt.s32 v2, $0x0  }
0x2df: {  	v5 =	vld [tilespmem:s15+$0x30];
	v2 =	vnsel vm6, $0x0, v2  }
0x2e0: {  	v2 =	vmin.u32 v2, $0x5  }
0x2e1: {  	vm7 =	vgt.s32 v3, $0x0;
	v2 =	vmul.u32 $0x3, v2  }
0x2e2: {  	v59 =	vshll.u32 v4, $0x5;
	v3 =	vnsel vm7, $0x0, v3  }
0x2e3: {  	[tilespmem:$0x10B0] =	vst v4;
	v3 =	vmin.u32 v3, $0x2;
	v2 =	vor.u32 v59, v2  }
0x2e4: {  	[tilespmem:$0x1030] =	vst v5;
	v2 =	vadd.s32 v3, v2  }
0x2e5: {  	[tilespmem:$0x1130] =	vst v2  }
0x2e6: {  	v2 =	vld [tilespmem:s15+$0x840];
	_ =	sdelay $0x2  }
0x2e7: {  	v3 =	vld [tilespmem:s15+$0xC40]  }
0x2e8: {  	v4 =	vld [tilespmem:s15+$0x440]  }
0x2e9: {  	vm8 =	vgt.s32 v2, $0x0  }
0x2ea: {  	v5 =	vld [tilespmem:s15+$0x40];
	v2 =	vnsel vm8, $0x0, v2  }
0x2eb: {  	v2 =	vmin.u32 v2, $0x5  }
0x2ec: {  	vm9 =	vgt.s32 v3, $0x0;
	v2 =	vmul.u32 $0x3, v2  }
0x2ed: {  	v60 =	vshll.u32 v4, $0x5;
	v3 =	vnsel vm9, $0x0, v3  }
0x2ee: {  	[tilespmem:$0x10C0] =	vst v4;
	v3 =	vmin.u32 v3, $0x2;
	v2 =	vor.u32 v60, v2  }
0x2ef: {  	[tilespmem:$0x1040] =	vst v5;
	v2 =	vadd.s32 v3, v2  }
0x2f0: {  	[tilespmem:$0x1140] =	vst v2  }
0x2f1: {  	v2 =	vld [tilespmem:s15+$0x850];
	_ =	sdelay $0x2  }
0x2f2: {  	v3 =	vld [tilespmem:s15+$0xC50]  }
0x2f3: {  	v4 =	vld [tilespmem:s15+$0x450]  }
0x2f4: {  	vm10 =	vgt.s32 v2, $0x0  }
0x2f5: {  	v5 =	vld [tilespmem:s15+$0x50];
	v2 =	vnsel vm10, $0x0, v2  }
0x2f6: {  	v2 =	vmin.u32 v2, $0x5  }
0x2f7: {  	vm11 =	vgt.s32 v3, $0x0;
	v2 =	vmul.u32 $0x3, v2  }
0x2f8: {  	v61 =	vshll.u32 v4, $0x5;
	v3 =	vnsel vm11, $0x0, v3  }
0x2f9: {  	[tilespmem:$0x10D0] =	vst v4;
	v3 =	vmin.u32 v3, $0x2;
	v2 =	vor.u32 v61, v2  }
0x2fa: {  	[tilespmem:$0x1050] =	vst v5;
	v2 =	vadd.s32 v3, v2  }
0x2fb: {  	[tilespmem:$0x1150] =	vst v2  }
0x2fc: {  	v2 =	vld [tilespmem:s15+$0x860];
	_ =	sdelay $0x2  }
0x2fd: {  	v3 =	vld [tilespmem:s15+$0xC60]  }
0x2fe: {  	v4 =	vld [tilespmem:s15+$0x460]  }
0x2ff: {  	vm12 =	vgt.s32 v2, $0x0  }
0x300: {  	v5 =	vld [tilespmem:s15+$0x60];
	v2 =	vnsel vm12, $0x0, v2  }
0x301: {  	v2 =	vmin.u32 v2, $0x5  }
0x302: {  	vm13 =	vgt.s32 v3, $0x0;
	v2 =	vmul.u32 $0x3, v2  }
0x303: {  	v62 =	vshll.u32 v4, $0x5;
	v3 =	vnsel vm13, $0x0, v3  }
0x304: {  	[tilespmem:$0x10E0] =	vst v4;
	v3 =	vmin.u32 v3, $0x2;
	v2 =	vor.u32 v62, v2  }
0x305: {  	[tilespmem:$0x1060] =	vst v5;
	v2 =	vadd.s32 v3, v2  }
0x306: {  	[tilespmem:$0x1160] =	vst v2  }
0x307: {  	v2 =	vld [tilespmem:s15+$0x870];
	_ =	sdelay $0x2  }
0x308: {  	v3 =	vld [tilespmem:s15+$0xC70]  }
0x309: {  	v4 =	vld [tilespmem:s15+$0x470]  }
0x30a: {  	vm14 =	vgt.s32 v2, $0x0  }
0x30b: {  	v5 =	vld [tilespmem:s15+$0x70];
	v2 =	vnsel vm14, $0x0, v2  }
0x30c: {  	v2 =	vmin.u32 v2, $0x5  }
0x30d: {  	vm15 =	vgt.s32 v3, $0x0;
	v2 =	vmul.u32 $0x3, v2  }
0x30e: {  	v63 =	vshll.u32 v4, $0x5;
	v3 =	vnsel vm15, $0x0, v3  }
0x30f: {  	[tilespmem:$0x10F0] =	vst v4;
	v3 =	vmin.u32 v3, $0x2;
	v2 =	vor.u32 v63, v2  }
0x310: {  	[tilespmem:$0x1070] =	vst v5;
	v2 =	vadd.s32 v3, v2  }
0x311: {  	[tilespmem:$0x1170] =	vst v2  }
0x312: {  	[tilespmem:s25], [sflag:$0x1] =	stream.indirect.gather [hbm4b:s1+s0], $0x80, s23, s0, $0xb8;
	[tilespmem:$0x1DFA0] =	vst v63  }
0x313: {  	_ =	swait.ge [sflag:s24], $0x4000  }
0x314: {  	[sflag:s24] =	ssyncset.done $0x0  }
0x315: {  	[sflag:s24] =	ssyncadd.s32 $0xFFFFC000  }
0x316: {  	[spmem:s2] =	stream.indirect.scatter.add.f32 [tilespmem:s25], [sflag:$0x2], $0x80, s10, s0, $0xb8;
	[tilespmem:$0x1DFA0] =	vst v63  }
0x317: {  	s14 =	sadd.s32 $0x1, s14;
	_ =	swait.ge [sflag:s26], $0x4000  }
0x318: {  	p3 =	sne.s32 s14, $0xA;
	[sflag:s26] =	ssyncset.done $0x0  }
.Ltmp5:
0x319: {  	[sflag:s26] =	ssyncadd.s32 $0xFFFFC000;
	(pc) =	sbr.rel @p3 .LBB2_6-.Ltmp5, $4  }
0x31a: {  	[spmem:s3] =	stream.indirect.scatter.add.f32 [tilespmem:s5], [sflag:$0x2], $0x1, s11, s0, $0xb8;
	[tilespmem:$0x1DFA0] =	vst v63  }
0x31b: {  	_ =	swait.ge [sflag:s26], $0x80  }
0x31c: {  	[sflag:s26] =	ssyncset.done $0x0  }
0x31d: {  	[sflag:s26] =	ssyncadd.s32 $0xFFFFFF80  }
0x31e: {  	s13 =	stileid.u32  }
0x31f: {  	[bflag:$0x0] =	sbarrier.arrive $0xFFFF;
	s13 =	sshll.u32 s13, $0x6  }
0x320: {  	s14 =	sshrl.u32 s12, $0x3;
	s15 =	rddreg [dreg:$0xb];
	s13 =	sor.u32 $0x1C02, s13  }
0x321: {  	[hbm:s15], [sflag:s13] =	dma.local [spmem:s14], $0x2700  }
0x322: {  	_ =	swait.ge [sflag:s26], $0x2700  }
0x323: {  	[sflag:s26] =	ssyncset.done $0x0  }
0x324: {  	s14 =	sshrl.u32 @!p1 s17, $0x3;
	s15 =	rddreg [dreg:$0xd];
	[sflag:s26] =	ssyncadd.s32 $0xFFFFD900  }
0x325: {  	[hbm:s15], [sflag:s13] =	dma.local @!p1 [spmem:s14], $0x100  }
.Ltmp6:
0x326: {  	_ = 	snop;
	(pc) =	sbr.rel @!p0 .LBB2_10-.Ltmp6, $4  }
0x327: {  	s14 =	simm.s32 @!p1 $0x2  }
0x328: {  	_ =	swait.ge @!p1 [sflag:s14], $0x100  }
0x329: {  	[sflag:s14] =	ssyncset.done @!p1 $0x0  }
0x32a: {  	[sflag:s14] =	ssyncadd.s32 @!p1 $0xFFFFFF00;
	s14 =	sshrl.u32 s19, $0x3  }
0x32b: {  	s15 =	rddreg [dreg:$0xf]  }
0x32c: {  	[hbm:s15], [sflag:s13] =	dma.local [spmem:s14], $0x980  }
.Ltmp7:
0x32d: {  	_ = 	snop;
	(pc) =	sbr.rel @p1 .LBB2_13-.Ltmp7, $4  }
.Ltmp8:
0x32e: {  	_ = 	snop;
	(pc) =	sbr.rel @!p1 .LBB2_12-.Ltmp8, $4  }
0x32f: {  	_ =	swait.ge [sflag:s26], $0x980  }
0x330: {  	[sflag:s26] =	ssyncset.done $0x0  }
0x331: {  	s14 =	rddreg [dreg:$0x6];
	[sflag:s26] =	ssyncadd.s32 $0xFFFFF680  }
0x332: {  	_ = 	snop  }
.LBB2_10:
0x333: {  	s15 =	rddreg [dreg:$0xe]  }
0x334: {  	[hbm:s15], [sflag:s13] =	dma.local [spmem:s14], $0x980  }
.Ltmp9:
0x335: {  	_ = 	snop;
	(pc) =	sbr.rel @p2 .LBB2_12-.Ltmp9, $4  }
.Ltmp10:
0x336: {  	_ = 	snop;
	(pc) =	sbr.rel @!p2 .LBB2_13-.Ltmp10, $4  }
0x337: {  	_ =	swait.ge [sflag:s26], $0x980  }
0x338: {  	[sflag:s26] =	ssyncset.done $0x0  }
0x339: {  	s14 =	rddreg [dreg:$0x5];
	[sflag:s26] =	ssyncadd.s32 $0xFFFFF680  }
0x33a: {  	_ = 	snop  }
.LBB2_14:
0x33b: {  	_ =	sfence.sel $0x180000  }
0x33c: {  	[bflag:$0x0] =	sbarrier.arrive $0xFFFF  }
0x33d: {  	_ =	strace $0x90000047  }
0x33e: {  	s0 =	stileid.u32;
	[bflag:$0x2] =	sbarrier.arrive $0xFFFF  }
0x33f: {  	p0 =	sne.s32 s0, $0x0;
	s0 =	rddreg [dreg:$0x4]  }
0x340: {  	s0 =	sadd.s32 @!p0 $0x100000, s0  }
0x341: {  	[sflag:s0] =	ssyncadd.tile.s32 @!p0 $0x1;
	_ =	shalt  }
.Lfunc_end2:
_tile_overlayer_lowered:
.L_overlay_start_2:
0x342: {  	(tag) =	ssettag $0x2  }
0x343: {  	s0 =	rddreg [dreg:$0x0];
	s2 =	stileid.u32  }
0x344: {  	s1 =	rddreg [dreg:$0x1];
	p0 =	sne.s32 s2, $0x0  }
0x345: {  	s3 =	rddreg [dreg:$0x2];
	[bflag:$0x3] =	sbarrier.arrive $0xFFFF;
	s2 =	simm.s32 @!p0 $0x1C02  }
0x346: {  	[timem:s3], [sflag:s2] =	dma.local @!p0 [hbm:s0], s1  }
0x347: {  	s0 =	simm.s32 @!p0 $0x2  }
0x348: {  	_ =	swait.ge @!p0 [sflag:s0], s1  }
0x349: {  	s1 =	ssub.s32 @!p0 $0x0, s1;
	[sflag:s0] =	ssyncset.done @!p0 $0x0  }
0x34a: {  	[sflag:s0] =	ssyncadd.s32 @!p0 s1  }
0x34b: {  	[bflag:$0x3] =	sbarrier.arrive $0xFFFF  }
0x34c: {  	_ =	shalt  }

</sc_bundles>
